<compile_context>
chip_gen: v7x
topology: tpu7x:2x2x1
jax: 0.10.2.dev20260603
libtpu: 0.0.44.dev20260713+nightly
codegen_flags: <defaults>
</compile_context>

<pallas_src>
import functools

import jax
import jax.numpy as jnp
from jax import lax
from jax.experimental import pallas as pl
from jax.experimental.pallas import tpu as pltpu
from jax.experimental.pallas import tpu_sc as plsc

N_LOC = 10000
N_EXP = 10000
E = 320000
D = 128
H = 128
OUT = 128

NC = 2
NS = 16
NW = NC * NS
K = 128
NB = 2
GA = 1
NI = 8
NCH = 80
EPW = NCH * K
E_PAD = NW * EPW
IDX_ROWS = NW * NCH + NI
N_ACC = 10240
RPS = N_ACC // NS
G16 = K // 16

_sc_mesh = plsc.VectorSubcoreMesh(core_axis_name="c", subcore_axis_name="s")


@functools.partial(
    pl.kernel,
    mesh=_sc_mesh,
    compiler_params=pltpu.CompilerParams(needs_layout_passes=False),
    out_type=(
        jax.ShapeDtypeStruct((NC, N_ACC, D), jnp.float32),
        jax.ShapeDtypeStruct((NC, N_ACC), jnp.float32),
        jax.ShapeDtypeStruct((NC, NS, N_ACC), jnp.float32),
    ),
    scratch_types=[
        [pltpu.VMEM((2 * K,), jnp.int32) for _ in range(NI)],
        [pltpu.VMEM((K, D), jnp.float32) for _ in range(NB)],
        [pltpu.VMEM((K,), jnp.int32) for _ in range(NB)],
        pltpu.VMEM((N_ACC,), jnp.float32),
        pltpu.VMEM((RPS,), jnp.float32),
        pltpu.VMEM((RPS,), jnp.float32),
        pltpu.VMEM_SHARED((N_ACC, D), jnp.float32),
        [pltpu.SemaphoreType.DMA for _ in range(NI)],
        [pltpu.SemaphoreType.DMA for _ in range(NB)],
        [pltpu.SemaphoreType.DMA for _ in range(NB)],
    ],
)
def _sc_segment_sum(x_loc, idx2d, zrows, out_feat, out_cnt, out_hist,
                    islots, bufs, dsts, hist_v, cred_v, tmp_v,
                    acc_sh, isems, gsems, ssems):
    c = lax.axis_index("c")
    s = lax.axis_index("s")
    wid = s * NC + c
    row0 = wid * NCH

    def idx_issue(m, slot):
        pltpu.async_copy(idx2d.at[row0 + m], islots[slot], isems[slot])

    def idx_wait(m, slot):
        pltpu.make_async_copy(idx2d.at[row0 + m], islots[slot],
                              isems[slot]).wait()

    def gather_issue(slot, b):
        pltpu.async_copy(x_loc.at[islots[slot].at[pl.ds(0, K)]], bufs[b],
                         gsems[b])

    def gather_wait(slot, b):
        pltpu.make_async_copy(x_loc.at[islots[slot].at[pl.ds(0, K)]], bufs[b],
                              gsems[b]).wait()

    def scatter_issue(b):
        pltpu.async_copy(bufs[b], acc_sh.at[dsts[b]], ssems[b], add=True)

    def scatter_wait(b):
        pltpu.make_async_copy(bufs[b], acc_sh.at[dsts[b]], ssems[b]).wait()

    zeros16 = jnp.zeros((16,), jnp.float32)

    def zh(k, carry):
        hist_v[pl.ds(k * 16, 16)] = zeros16
        return carry

    lax.fori_loop(0, N_ACC // 16, zh, 0)
    pltpu.sync_copy(zrows.at[pl.ds(s * RPS, RPS)],
                    acc_sh.at[pl.ds(s * RPS, RPS)])
    plsc.subcore_barrier()

    ones16 = jnp.ones((16,), jnp.float32)

    for m in range(NI - 1):
        idx_issue(m, m)
    for m in range(GA):
        idx_wait(m, m)
        gather_issue(m, m)

    def outer(i, carry):
        for b in range(NI):
            ch = i * NI + b
            idx_issue(ch + NI - 1, (b + NI - 1) % NI)
            if b < NB - GA:
                @pl.when(i >= 1)
                def _drain():
                    scatter_wait((b + GA) % NB)
            else:
                scatter_wait((b + GA) % NB)
            idx_wait(ch + GA, (b + GA) % NI)
            gather_issue((b + GA) % NI, (b + GA) % NB)
            gather_wait(b % NI, b % NB)
            for g in range(G16):
                v = islots[b % NI][pl.ds(K + g * 16, 16)]
                dsts[b % NB][pl.ds(g * 16, 16)] = v
                plsc.addupdate_scatter(hist_v, [v], ones16)
            scatter_issue(b % NB)
        return carry

    lax.fori_loop(0, NCH // NI, outer, 0)

    for m in range(GA):
        gather_wait((NCH + m) % NI, (NCH + m) % NB)
    for m in range(GA, NI - 1):
        idx_wait(NCH + m, (NCH + m) % NI)
    for m in range(NB - GA):
        scatter_wait((NCH - (NB - GA) + m) % NB)

    pltpu.sync_copy(hist_v, out_hist.at[c].at[s])
    plsc.subcore_barrier()

    def czero(g, carry):
        cred_v[pl.ds(g * 16, 16)] = zeros16
        return carry

    lax.fori_loop(0, RPS // 16, czero, 0)
    for j in range(NS):
        pltpu.sync_copy(out_hist.at[c].at[j].at[pl.ds(s * RPS, RPS)], tmp_v)

        def cadd(g, carry):
            sl = pl.ds(g * 16, 16)
            cred_v[sl] = cred_v[sl] + tmp_v[sl]
            return carry

        lax.fori_loop(0, RPS // 16, cadd, 0)

    pltpu.sync_copy(acc_sh.at[pl.ds(s * RPS, RPS)],
                    out_feat.at[c].at[pl.ds(s * RPS, RPS)])
    pltpu.sync_copy(cred_v, out_cnt.at[c].at[pl.ds(s * RPS, RPS)])


def _tc_pre_body(xe, wr, bl, o):
    o[...] = jnp.dot(xe[...], wr[...],
                     preferred_element_type=jnp.float32) + bl[...]


def _tc_body(p0, p1, c0, c1, pre, wl, wo, bo, o):
    cnt = jnp.maximum(c0[0] + c1[0], 1.0)
    sacc = p0[0] + p1[0]
    mean = sacc / cnt
    h = jnp.dot(mean, wl[...], preferred_element_type=jnp.float32)
    h = jnp.maximum(h + pre[...], 0.0)
    o[...] = jnp.dot(h, wo[...], preferred_element_type=jnp.float32) + bo[...]


BT = 1024


def _tc_pre_stage(x_expert, wrT, bl):
    grid = (-(-N_EXP // BT),)
    return pl.pallas_call(
        _tc_pre_body,
        grid=grid,
        in_specs=[
            pl.BlockSpec((BT, D), lambda i: (i, 0)),
            pl.BlockSpec((D, H), lambda i: (0, 0)),
            pl.BlockSpec((1, H), lambda i: (0, 0)),
        ],
        out_specs=pl.BlockSpec((BT, H), lambda i: (i, 0)),
        out_shape=jax.ShapeDtypeStruct((N_EXP, H), jnp.float32),
    )(x_expert, wrT, bl)


def _tc_stage(parts, cnts, pre, wlT, woT, bo):
    grid = (-(-N_EXP // BT),)
    return pl.pallas_call(
        _tc_body,
        grid=grid,
        in_specs=[
            pl.BlockSpec((1, BT, D), lambda i: (0, i, 0)),
            pl.BlockSpec((1, BT, D), lambda i: (1, i, 0)),
            pl.BlockSpec((1, BT, 1), lambda i: (0, i, 0)),
            pl.BlockSpec((1, BT, 1), lambda i: (1, i, 0)),
            pl.BlockSpec((BT, H), lambda i: (i, 0)),
            pl.BlockSpec((D, H), lambda i: (0, 0)),
            pl.BlockSpec((H, OUT), lambda i: (0, 0)),
            pl.BlockSpec((1, OUT), lambda i: (0, 0)),
        ],
        out_specs=pl.BlockSpec((BT, OUT), lambda i: (i, 0)),
        out_shape=jax.ShapeDtypeStruct((N_EXP, OUT), jnp.float32),
    )(parts, parts, cnts, cnts, pre, wlT, woT, bo)


def kernel(x_loc, x_expert, edge_index, W_l, b_l, W_r, W_lin, b_lin):
    src = edge_index[0]
    dst = edge_index[1]
    pad = IDX_ROWS * K - E
    src_p = jnp.concatenate([src, jnp.zeros((pad,), jnp.int32)])
    dst_p = jnp.concatenate([dst, jnp.full((pad,), N_EXP, jnp.int32)])
    idx2d = jnp.concatenate([src_p.reshape(IDX_ROWS, K),
                             dst_p.reshape(IDX_ROWS, K)], axis=1)
    zrows = jnp.zeros((N_ACC, D), jnp.float32)

    pre = _tc_pre_stage(x_expert, W_r.T, b_l[None, :])
    parts, cnts, _ = _sc_segment_sum(x_loc, idx2d, zrows)
    return _tc_stage(parts, cnts.reshape(NC, N_ACC, 1), pre,
                     W_l.T, W_lin.T, b_lin[None, :])

# --- scband reference (transcript-rebuilt; emitter-appended) ---
"""Pipeline reference for scband-hetero-gnn-5377299054691 (READ-ONLY COPY).

The authoritative reference and input builder live on the scoring server;
editing this copy changes nothing except your own understanding.
"""

import jax, jax.numpy as jnp
import numpy as np

N_LOC = 10000
N_EXP = 10000
E = 320000
D = 128
H = 128
OUT = 128

def setup_inputs(seed: int = 0) -> dict:
    key = jax.random.key(seed)
    ks = jax.random.split(key, 8)
    x_loc = jax.random.normal(ks[0], (N_LOC, D), dtype=jnp.float32)
    x_expert = jax.random.normal(ks[1], (N_EXP, D), dtype=jnp.float32)
    src = jax.random.randint(ks[2], (1, E), 0, N_LOC, dtype=jnp.int32)
    dst = jax.random.randint(ks[3], (1, E), 0, N_EXP, dtype=jnp.int32)
    edge_index = jnp.concatenate([src, dst], axis=0)
    # SAGEConv((-1,-1), hidden): lin_l (on aggregated src msgs, with bias), lin_r (on dst feats, no bias)
    W_l = jax.random.normal(ks[4], (H, D), dtype=jnp.float32) * 0.05
    b_l = jnp.zeros((H,), dtype=jnp.float32)
    W_r = jax.random.normal(ks[5], (H, D), dtype=jnp.float32) * 0.05
    # final Linear(hidden_channels, out_channels)
    W_lin = jax.random.normal(ks[6], (OUT, H), dtype=jnp.float32) * 0.05
    b_lin = jnp.zeros((OUT,), dtype=jnp.float32)
    return {"x_loc": x_loc, "x_expert": x_expert, "edge_index": edge_index,
            "W_l": W_l, "b_l": b_l, "W_r": W_r, "W_lin": W_lin, "b_lin": b_lin}


def reference(x_loc, x_expert, edge_index, W_l, b_l, W_r, W_lin, b_lin):
    # HeteroConv({('loc','has','expert'): SAGEConv}, aggr='sum') with a single
    # edge type: messages flow loc -> expert. SAGEConv default aggr is 'mean'.
    src = edge_index[0]
    dst = edge_index[1]
    msgs = jnp.take(x_loc, src, axis=0)                      # gather  [E, D]
    summed = jax.ops.segment_sum(msgs, dst, num_segments=N_EXP)
    cnt = jax.ops.segment_sum(jnp.ones((msgs.shape[0],), dtype=msgs.dtype),
                              dst, num_segments=N_EXP)
    mean = summed / jnp.maximum(cnt, 1.0)[:, None]
    h = mean @ W_l.T + b_l + x_expert @ W_r.T                # SAGEConv bipartite
    h = jax.nn.relu(h)                                       # {key: x.relu()}
    out = h @ W_lin.T + b_lin                                # final Linear
    return out

if __name__ == "__main__":
    import jax
    _d = setup_inputs()
    print(jax.jit(kernel)(*tuple(_d.values())))

</pallas_src>

<mosaic_0001>
#map = affine_map<(d0, d1) -> (0, 0)>
#map1 = affine_map<(d0, d1) -> (0, 0, 0)>
module attributes {stable_mosaic.version = 14 : i64} {
  func.func @_sc_segment_sum(%arg0: i32, %arg1: i32, %arg2: memref<10000x128xf32, #tpu.memory_space<hbm>>, %arg3: memref<2568x256xi32, #tpu.memory_space<hbm>>, %arg4: memref<10240x128xf32, #tpu.memory_space<hbm>>, %arg5: memref<2x10240x128xf32, #tpu.memory_space<hbm>>, %arg6: memref<2x10240xf32, #tpu.memory_space<hbm>>, %arg7: memref<2x16x10240xf32, #tpu.memory_space<hbm>>, %arg8: memref<256xi32, #tpu.memory_space<vmem>>, %arg9: memref<256xi32, #tpu.memory_space<vmem>>, %arg10: memref<256xi32, #tpu.memory_space<vmem>>, %arg11: memref<256xi32, #tpu.memory_space<vmem>>, %arg12: memref<256xi32, #tpu.memory_space<vmem>>, %arg13: memref<256xi32, #tpu.memory_space<vmem>>, %arg14: memref<256xi32, #tpu.memory_space<vmem>>, %arg15: memref<256xi32, #tpu.memory_space<vmem>>, %arg16: memref<128x128xf32, #tpu.memory_space<vmem>>, %arg17: memref<128x128xf32, #tpu.memory_space<vmem>>, %arg18: memref<128xi32, #tpu.memory_space<vmem>>, %arg19: memref<128xi32, #tpu.memory_space<vmem>>, %arg20: memref<10240xf32, #tpu.memory_space<vmem>>, %arg21: memref<640xf32, #tpu.memory_space<vmem>>, %arg22: memref<640xf32, #tpu.memory_space<vmem>>, %arg23: memref<10240x128xf32, #tpu.memory_space<vmem_shared>>, %arg24: memref<!tpu.dma_semaphore, #tpu.memory_space<semaphore_mem>>, %arg25: memref<!tpu.dma_semaphore, #tpu.memory_space<semaphore_mem>>, %arg26: memref<!tpu.dma_semaphore, #tpu.memory_space<semaphore_mem>>, %arg27: memref<!tpu.dma_semaphore, #tpu.memory_space<semaphore_mem>>, %arg28: memref<!tpu.dma_semaphore, #tpu.memory_space<semaphore_mem>>, %arg29: memref<!tpu.dma_semaphore, #tpu.memory_space<semaphore_mem>>, %arg30: memref<!tpu.dma_semaphore, #tpu.memory_space<semaphore_mem>>, %arg31: memref<!tpu.dma_semaphore, #tpu.memory_space<semaphore_mem>>, %arg32: memref<!tpu.dma_semaphore, #tpu.memory_space<semaphore_mem>>, %arg33: memref<!tpu.dma_semaphore, #tpu.memory_space<semaphore_mem>>, %arg34: memref<!tpu.dma_semaphore, #tpu.memory_space<semaphore_mem>>, %arg35: memref<!tpu.dma_semaphore, #tpu.memory_space<semaphore_mem>>) attributes {dimension_semantics = [#tpu.dimension_semantics<core_parallel>, #tpu.dimension_semantics<subcore_parallel>], iteration_bounds = array<i64: 2, 16>, scalar_prefetch = 0 : i64, scratch_operands = 28 : i64, tpu.core_type = #tpu.core_type<sc_vector_subcore>, window_params = [{transform_indices = #map}, {transform_indices = #map}, {transform_indices = #map}, {transform_indices = #map1}, {transform_indices = #map}, {transform_indices = #map1}]} {
    %mul3A = arith.constant 2 : i32
    %mul3A_0 = arith.muli %arg1, %mul3A : i32
    %add3A = arith.addi %mul3A_0, %arg0 : i32
    %mul3A_1 = arith.constant 80 : i32
    %mul3A_2 = arith.muli %add3A, %mul3A_1 : i32
    %broadcast_in_dim3A = arith.constant 0.000000e+00 : f32
    %broadcast_in_dim3A_3 = vector.broadcast %broadcast_in_dim3A : f32 to vector<16xf32>
    %scan3A = arith.constant 0 : i32
    %scan3A_4 = arith.constant 0 : i32
    %scan3A_5 = arith.constant 640 : i32
    %scan3A_6 = arith.addi %scan3A_4, %scan3A_5 : i32
    %scan3A_7 = arith.constant 1 : i32
    scf.for %scan3A_300 = %scan3A_4 to %scan3A_6 step %scan3A_7  : i32 {
      %mul3A_301 = arith.constant 16 : i32
      %mul3A_302 = arith.muli %scan3A_300, %mul3A_301 : i32
      %swap3A = arith.index_cast %mul3A_302 : i32 to index
      %swap3A_303 = tpu.vector_load %arg20[%swap3A] {strides = array<i32>} : memref<10240xf32, #tpu.memory_space<vmem>>, vector<16xf32>,
      tpu.vector_store %arg20[%swap3A], %broadcast_in_dim3A_3 {strides = array<i32>} : memref<10240xf32, #tpu.memory_space<vmem>>, vector<16xf32>,
    }
    %scan3A_8 = arith.constant 640 : i32
    %mul3A_9 = arith.constant 640 : i32
    %mul3A_10 = arith.muli %arg1, %mul3A_9 : i32
    %mul3A_11 = arith.constant 640 : i32
    %mul3A_12 = arith.muli %arg1, %mul3A_11 : i32
    "tpu.region"() ({
      %run_scoped3A_300 = tpu.sem_alloc : memref<!tpu.dma_semaphore, #tpu.memory_space<semaphore_mem>>
      %dma_start3A_301 = arith.constant 0 : i32
      %dma_start3A_302 = tpu.memref_slice %arg23[%mul3A_12, %dma_start3A_301] : memref<10240x128xf32, #tpu.memory_space<vmem_shared>> -> memref<640x128xf32, #tpu.memory_space<vmem_shared>>
      %dma_start3A_303 = arith.constant 0 : i32
      %dma_start3A_304 = tpu.memref_slice %arg4[%mul3A_10, %dma_start3A_303] : memref<10240x128xf32, #tpu.memory_space<hbm>> -> memref<640x128xf32, #tpu.memory_space<hbm>>
      tpu.enqueue_dma source(%dma_start3A_304 : memref<640x128xf32, #tpu.memory_space<hbm>>) target(%dma_start3A_302 : memref<640x128xf32, #tpu.memory_space<vmem_shared>>) target_semaphore(%run_scoped3A_300 : memref<!tpu.dma_semaphore, #tpu.memory_space<semaphore_mem>>)
      %dma_wait3A_305 = arith.constant 0 : i32
      %dma_wait3A_306 = tpu.memref_slice %arg23[%mul3A_12, %dma_wait3A_305] : memref<10240x128xf32, #tpu.memory_space<vmem_shared>> -> memref<640x128xf32, #tpu.memory_space<vmem_shared>>
      %dma_wait3A_307 = arith.constant 0 : i32
      %dma_wait3A_308 = tpu.memref_slice %arg4[%mul3A_10, %dma_wait3A_307] : memref<10240x128xf32, #tpu.memory_space<hbm>> -> memref<640x128xf32, #tpu.memory_space<hbm>>
      tpu.wait_dma2 semaphore(%run_scoped3A_300 : memref<!tpu.dma_semaphore, #tpu.memory_space<semaphore_mem>>) src(%dma_wait3A_308 : memref<640x128xf32, #tpu.memory_space<hbm>>) dst(%dma_wait3A_306 : memref<640x128xf32, #tpu.memory_space<vmem_shared>>)
      tpu.yield
    }) : () -> ()
    %barrier3A = arith.constant 0 : index
    tpu.barrier barrier_id(%barrier3A)
    %broadcast_in_dim3A_13 = arith.constant 1.000000e+00 : f32
    %broadcast_in_dim3A_14 = vector.broadcast %broadcast_in_dim3A_13 : f32 to vector<16xf32>
    %add3A_15 = arith.constant 0 : i32
    %add3A_16 = arith.addi %mul3A_2, %add3A_15 : i32
    %dma_start3A = arith.constant 0 : i32
    %dma_start3A_17 = tpu.memref_slice %arg3[%add3A_16, %dma_start3A] : memref<2568x256xi32, #tpu.memory_space<hbm>> -> memref<1x256xi32, #tpu.memory_space<hbm>>
    %dma_start3A_18 = tpu.memref_squeeze %dma_start3A_17 : memref<1x256xi32, #tpu.memory_space<hbm>> -> memref<256xi32, #tpu.memory_space<hbm>>
    %dma_start3A_19 = arith.constant 0 : i32
    %dma_start3A_20 = tpu.memref_slice %arg3[%add3A_16, %dma_start3A_19] : memref<2568x256xi32, #tpu.memory_space<hbm>> -> memref<1x256xi32, #tpu.memory_space<hbm>>
    %dma_start3A_21 = tpu.memref_squeeze %dma_start3A_20 : memref<1x256xi32, #tpu.memory_space<hbm>> -> memref<256xi32, #tpu.memory_space<hbm>>
    tpu.enqueue_dma source(%dma_start3A_21 : memref<256xi32, #tpu.memory_space<hbm>>) target(%arg8 : memref<256xi32, #tpu.memory_space<vmem>>) target_semaphore(%arg24 : memref<!tpu.dma_semaphore, #tpu.memory_space<semaphore_mem>>)
    %add3A_22 = arith.constant 1 : i32
    %add3A_23 = arith.addi %mul3A_2, %add3A_22 : i32
    %dma_start3A_24 = arith.constant 0 : i32
    %dma_start3A_25 = tpu.memref_slice %arg3[%add3A_23, %dma_start3A_24] : memref<2568x256xi32, #tpu.memory_space<hbm>> -> memref<1x256xi32, #tpu.memory_space<hbm>>
    %dma_start3A_26 = tpu.memref_squeeze %dma_start3A_25 : memref<1x256xi32, #tpu.memory_space<hbm>> -> memref<256xi32, #tpu.memory_space<hbm>>
    %dma_start3A_27 = arith.constant 0 : i32
    %dma_start3A_28 = tpu.memref_slice %arg3[%add3A_23, %dma_start3A_27] : memref<2568x256xi32, #tpu.memory_space<hbm>> -> memref<1x256xi32, #tpu.memory_space<hbm>>
    %dma_start3A_29 = tpu.memref_squeeze %dma_start3A_28 : memref<1x256xi32, #tpu.memory_space<hbm>> -> memref<256xi32, #tpu.memory_space<hbm>>
    tpu.enqueue_dma source(%dma_start3A_29 : memref<256xi32, #tpu.memory_space<hbm>>) target(%arg9 : memref<256xi32, #tpu.memory_space<vmem>>) target_semaphore(%arg25 : memref<!tpu.dma_semaphore, #tpu.memory_space<semaphore_mem>>)
    %add3A_30 = arith.constant 2 : i32
    %add3A_31 = arith.addi %mul3A_2, %add3A_30 : i32
    %dma_start3A_32 = arith.constant 0 : i32
    %dma_start3A_33 = tpu.memref_slice %arg3[%add3A_31, %dma_start3A_32] : memref<2568x256xi32, #tpu.memory_space<hbm>> -> memref<1x256xi32, #tpu.memory_space<hbm>>
    %dma_start3A_34 = tpu.memref_squeeze %dma_start3A_33 : memref<1x256xi32, #tpu.memory_space<hbm>> -> memref<256xi32, #tpu.memory_space<hbm>>
    %dma_start3A_35 = arith.constant 0 : i32
    %dma_start3A_36 = tpu.memref_slice %arg3[%add3A_31, %dma_start3A_35] : memref<2568x256xi32, #tpu.memory_space<hbm>> -> memref<1x256xi32, #tpu.memory_space<hbm>>
    %dma_start3A_37 = tpu.memref_squeeze %dma_start3A_36 : memref<1x256xi32, #tpu.memory_space<hbm>> -> memref<256xi32, #tpu.memory_space<hbm>>
    tpu.enqueue_dma source(%dma_start3A_37 : memref<256xi32, #tpu.memory_space<hbm>>) target(%arg10 : memref<256xi32, #tpu.memory_space<vmem>>) target_semaphore(%arg26 : memref<!tpu.dma_semaphore, #tpu.memory_space<semaphore_mem>>)
    %add3A_38 = arith.constant 3 : i32
    %add3A_39 = arith.addi %mul3A_2, %add3A_38 : i32
    %dma_start3A_40 = arith.constant 0 : i32
    %dma_start3A_41 = tpu.memref_slice %arg3[%add3A_39, %dma_start3A_40] : memref<2568x256xi32, #tpu.memory_space<hbm>> -> memref<1x256xi32, #tpu.memory_space<hbm>>
    %dma_start3A_42 = tpu.memref_squeeze %dma_start3A_41 : memref<1x256xi32, #tpu.memory_space<hbm>> -> memref<256xi32, #tpu.memory_space<hbm>>
    %dma_start3A_43 = arith.constant 0 : i32
    %dma_start3A_44 = tpu.memref_slice %arg3[%add3A_39, %dma_start3A_43] : memref<2568x256xi32, #tpu.memory_space<hbm>> -> memref<1x256xi32, #tpu.memory_space<hbm>>
    %dma_start3A_45 = tpu.memref_squeeze %dma_start3A_44 : memref<1x256xi32, #tpu.memory_space<hbm>> -> memref<256xi32, #tpu.memory_space<hbm>>
    tpu.enqueue_dma source(%dma_start3A_45 : memref<256xi32, #tpu.memory_space<hbm>>) target(%arg11 : memref<256xi32, #tpu.memory_space<vmem>>) target_semaphore(%arg27 : memref<!tpu.dma_semaphore, #tpu.memory_space<semaphore_mem>>)
    %add3A_46 = arith.constant 4 : i32
    %add3A_47 = arith.addi %mul3A_2, %add3A_46 : i32
    %dma_start3A_48 = arith.constant 0 : i32
    %dma_start3A_49 = tpu.memref_slice %arg3[%add3A_47, %dma_start3A_48] : memref<2568x256xi32, #tpu.memory_space<hbm>> -> memref<1x256xi32, #tpu.memory_space<hbm>>
    %dma_start3A_50 = tpu.memref_squeeze %dma_start3A_49 : memref<1x256xi32, #tpu.memory_space<hbm>> -> memref<256xi32, #tpu.memory_space<hbm>>
    %dma_start3A_51 = arith.constant 0 : i32
    %dma_start3A_52 = tpu.memref_slice %arg3[%add3A_47, %dma_start3A_51] : memref<2568x256xi32, #tpu.memory_space<hbm>> -> memref<1x256xi32, #tpu.memory_space<hbm>>
    %dma_start3A_53 = tpu.memref_squeeze %dma_start3A_52 : memref<1x256xi32, #tpu.memory_space<hbm>> -> memref<256xi32, #tpu.memory_space<hbm>>
    tpu.enqueue_dma source(%dma_start3A_53 : memref<256xi32, #tpu.memory_space<hbm>>) target(%arg12 : memref<256xi32, #tpu.memory_space<vmem>>) target_semaphore(%arg28 : memref<!tpu.dma_semaphore, #tpu.memory_space<semaphore_mem>>)
    %add3A_54 = arith.constant 5 : i32
    %add3A_55 = arith.addi %mul3A_2, %add3A_54 : i32
    %dma_start3A_56 = arith.constant 0 : i32
    %dma_start3A_57 = tpu.memref_slice %arg3[%add3A_55, %dma_start3A_56] : memref<2568x256xi32, #tpu.memory_space<hbm>> -> memref<1x256xi32, #tpu.memory_space<hbm>>
    %dma_start3A_58 = tpu.memref_squeeze %dma_start3A_57 : memref<1x256xi32, #tpu.memory_space<hbm>> -> memref<256xi32, #tpu.memory_space<hbm>>
    %dma_start3A_59 = arith.constant 0 : i32
    %dma_start3A_60 = tpu.memref_slice %arg3[%add3A_55, %dma_start3A_59] : memref<2568x256xi32, #tpu.memory_space<hbm>> -> memref<1x256xi32, #tpu.memory_space<hbm>>
    %dma_start3A_61 = tpu.memref_squeeze %dma_start3A_60 : memref<1x256xi32, #tpu.memory_space<hbm>> -> memref<256xi32, #tpu.memory_space<hbm>>
    tpu.enqueue_dma source(%dma_start3A_61 : memref<256xi32, #tpu.memory_space<hbm>>) target(%arg13 : memref<256xi32, #tpu.memory_space<vmem>>) target_semaphore(%arg29 : memref<!tpu.dma_semaphore, #tpu.memory_space<semaphore_mem>>)
    %add3A_62 = arith.constant 6 : i32
    %add3A_63 = arith.addi %mul3A_2, %add3A_62 : i32
    %dma_start3A_64 = arith.constant 0 : i32
    %dma_start3A_65 = tpu.memref_slice %arg3[%add3A_63, %dma_start3A_64] : memref<2568x256xi32, #tpu.memory_space<hbm>> -> memref<1x256xi32, #tpu.memory_space<hbm>>
    %dma_start3A_66 = tpu.memref_squeeze %dma_start3A_65 : memref<1x256xi32, #tpu.memory_space<hbm>> -> memref<256xi32, #tpu.memory_space<hbm>>
    %dma_start3A_67 = arith.constant 0 : i32
    %dma_start3A_68 = tpu.memref_slice %arg3[%add3A_63, %dma_start3A_67] : memref<2568x256xi32, #tpu.memory_space<hbm>> -> memref<1x256xi32, #tpu.memory_space<hbm>>
    %dma_start3A_69 = tpu.memref_squeeze %dma_start3A_68 : memref<1x256xi32, #tpu.memory_space<hbm>> -> memref<256xi32, #tpu.memory_space<hbm>>
    tpu.enqueue_dma source(%dma_start3A_69 : memref<256xi32, #tpu.memory_space<hbm>>) target(%arg14 : memref<256xi32, #tpu.memory_space<vmem>>) target_semaphore(%arg30 : memref<!tpu.dma_semaphore, #tpu.memory_space<semaphore_mem>>)
    %add3A_70 = arith.constant 0 : i32
    %add3A_71 = arith.addi %mul3A_2, %add3A_70 : i32
    %dma_wait3A = arith.constant 0 : i32
    %dma_wait3A_72 = tpu.memref_slice %arg3[%add3A_71, %dma_wait3A] : memref<2568x256xi32, #tpu.memory_space<hbm>> -> memref<1x256xi32, #tpu.memory_space<hbm>>
    %dma_wait3A_73 = tpu.memref_squeeze %dma_wait3A_72 : memref<1x256xi32, #tpu.memory_space<hbm>> -> memref<256xi32, #tpu.memory_space<hbm>>
    %dma_wait3A_74 = arith.constant 0 : i32
    %dma_wait3A_75 = tpu.memref_slice %arg3[%add3A_71, %dma_wait3A_74] : memref<2568x256xi32, #tpu.memory_space<hbm>> -> memref<1x256xi32, #tpu.memory_space<hbm>>
    %dma_wait3A_76 = tpu.memref_squeeze %dma_wait3A_75 : memref<1x256xi32, #tpu.memory_space<hbm>> -> memref<256xi32, #tpu.memory_space<hbm>>
    tpu.wait_dma2 semaphore(%arg24 : memref<!tpu.dma_semaphore, #tpu.memory_space<semaphore_mem>>) src(%dma_wait3A_76 : memref<256xi32, #tpu.memory_space<hbm>>) dst(%arg8 : memref<256xi32, #tpu.memory_space<vmem>>)
    %dma_start3A_77 = arith.constant 0 : i32
    %dma_start3A_78 = tpu.memref_slice %arg8[%dma_start3A_77] : memref<256xi32, #tpu.memory_space<vmem>> -> memref<128xi32, #tpu.memory_space<vmem>>
    %dma_start3A_79 = arith.constant 0 : i32
    %dma_start3A_80 = arith.constant 0 : i32
    %dma_start3A_81 = tpu.memref_slice %arg2[%dma_start3A_79, %dma_start3A_80] : memref<10000x128xf32, #tpu.memory_space<hbm>> -> memref<10000x128xf32, #tpu.memory_space<hbm>>
    tpu.enqueue_indirect_dma source(%dma_start3A_81 : memref<10000x128xf32, #tpu.memory_space<hbm>>) target(%arg16 : memref<128x128xf32, #tpu.memory_space<vmem>>) offsets(%dma_start3A_78 : memref<128xi32, #tpu.memory_space<vmem>>) semaphore(%arg32 : memref<!tpu.dma_semaphore, #tpu.memory_space<semaphore_mem>>)
    %scan3A_82 = arith.constant 0 : i32
    %scan3A_83 = arith.constant 0 : i32
    %scan3A_84 = arith.constant 10 : i32
    %scan3A_85 = arith.addi %scan3A_83, %scan3A_84 : i32
    %scan3A_86 = arith.constant 1 : i32
    scf.for %scan3A_300 = %scan3A_83 to %scan3A_85 step %scan3A_86  : i32 {
      %mul3A_301 = arith.constant 8 : i32
      %mul3A_302 = arith.muli %scan3A_300, %mul3A_301 : i32
      %add3A_303 = arith.constant 0 : i32
      %add3A_304 = arith.addi %mul3A_302, %add3A_303 : i32
      %add3A_305 = arith.constant 8 : i32
      %add3A_306 = arith.addi %add3A_304, %add3A_305 : i32
      %sub3A = arith.constant 1 : i32
      %sub3A_307 = arith.subi %add3A_306, %sub3A : i32
      %add3A_308 = arith.addi %mul3A_2, %sub3A_307 : i32
      %dma_start3A_309 = arith.constant 0 : i32
      %dma_start3A_310 = tpu.memref_slice %arg3[%add3A_308, %dma_start3A_309] : memref<2568x256xi32, #tpu.memory_space<hbm>> -> memref<1x256xi32, #tpu.memory_space<hbm>>
      %dma_start3A_311 = tpu.memref_squeeze %dma_start3A_310 : memref<1x256xi32, #tpu.memory_space<hbm>> -> memref<256xi32, #tpu.memory_space<hbm>>
      %dma_start3A_312 = arith.constant 0 : i32
      %dma_start3A_313 = tpu.memref_slice %arg3[%add3A_308, %dma_start3A_312] : memref<2568x256xi32, #tpu.memory_space<hbm>> -> memref<1x256xi32, #tpu.memory_space<hbm>>
      %dma_start3A_314 = tpu.memref_squeeze %dma_start3A_313 : memref<1x256xi32, #tpu.memory_space<hbm>> -> memref<256xi32, #tpu.memory_space<hbm>>
      tpu.enqueue_dma source(%dma_start3A_314 : memref<256xi32, #tpu.memory_space<hbm>>) target(%arg15 : memref<256xi32, #tpu.memory_space<vmem>>) target_semaphore(%arg31 : memref<!tpu.dma_semaphore, #tpu.memory_space<semaphore_mem>>)
      %ge3A = arith.constant 1 : i32
      %ge3A_315 = arith.cmpi sge, %scan3A_300, %ge3A : i32
      %convert_element_type3A = arith.extui %ge3A_315 : i1 to i32
      %cond3A = arith.constant 0 : i32
      %cond3A_316 = arith.cmpi ne, %convert_element_type3A, %cond3A : i32
      scf.if %cond3A_316 {
        %dma_wait3A_873 = arith.constant 0 : i32
        %dma_wait3A_874 = arith.constant 0 : i32
        %dma_wait3A_875 = tpu.memref_slice %arg23[%dma_wait3A_873, %dma_wait3A_874] : memref<10240x128xf32, #tpu.memory_space<vmem_shared>> -> memref<10240x128xf32, #tpu.memory_space<vmem_shared>>
        tpu.wait_indirect_dma semaphore(%arg35 : memref<!tpu.dma_semaphore, #tpu.memory_space<semaphore_mem>>) src(%arg17 : memref<128x128xf32, #tpu.memory_space<vmem>>) dst(%dma_wait3A_875 : memref<10240x128xf32, #tpu.memory_space<vmem_shared>>)
      } else {
      }
      %add3A_317 = arith.constant 1 : i32
      %add3A_318 = arith.addi %add3A_304, %add3A_317 : i32
      %add3A_319 = arith.addi %mul3A_2, %add3A_318 : i32
      %dma_wait3A_320 = arith.constant 0 : i32
      %dma_wait3A_321 = tpu.memref_slice %arg3[%add3A_319, %dma_wait3A_320] : memref<2568x256xi32, #tpu.memory_space<hbm>> -> memref<1x256xi32, #tpu.memory_space<hbm>>
      %dma_wait3A_322 = tpu.memref_squeeze %dma_wait3A_321 : memref<1x256xi32, #tpu.memory_space<hbm>> -> memref<256xi32, #tpu.memory_space<hbm>>
      %dma_wait3A_323 = arith.constant 0 : i32
      %dma_wait3A_324 = tpu.memref_slice %arg3[%add3A_319, %dma_wait3A_323] : memref<2568x256xi32, #tpu.memory_space<hbm>> -> memref<1x256xi32, #tpu.memory_space<hbm>>
      %dma_wait3A_325 = tpu.memref_squeeze %dma_wait3A_324 : memref<1x256xi32, #tpu.memory_space<hbm>> -> memref<256xi32, #tpu.memory_space<hbm>>
      tpu.wait_dma2 semaphore(%arg25 : memref<!tpu.dma_semaphore, #tpu.memory_space<semaphore_mem>>) src(%dma_wait3A_325 : memref<256xi32, #tpu.memory_space<hbm>>) dst(%arg9 : memref<256xi32, #tpu.memory_space<vmem>>)
      %dma_start3A_326 = arith.constant 0 : i32
      %dma_start3A_327 = tpu.memref_slice %arg9[%dma_start3A_326] : memref<256xi32, #tpu.memory_space<vmem>> -> memref<128xi32, #tpu.memory_space<vmem>>
      %dma_start3A_328 = arith.constant 0 : i32
      %dma_start3A_329 = arith.constant 0 : i32
      %dma_start3A_330 = tpu.memref_slice %arg2[%dma_start3A_328, %dma_start3A_329] : memref<10000x128xf32, #tpu.memory_space<hbm>> -> memref<10000x128xf32, #tpu.memory_space<hbm>>
      tpu.enqueue_indirect_dma source(%dma_start3A_330 : memref<10000x128xf32, #tpu.memory_space<hbm>>) target(%arg17 : memref<128x128xf32, #tpu.memory_space<vmem>>) offsets(%dma_start3A_327 : memref<128xi32, #tpu.memory_space<vmem>>) semaphore(%arg33 : memref<!tpu.dma_semaphore, #tpu.memory_space<semaphore_mem>>)
      %dma_wait3A_331 = arith.constant 0 : i32
      %dma_wait3A_332 = tpu.memref_slice %arg8[%dma_wait3A_331] : memref<256xi32, #tpu.memory_space<vmem>> -> memref<128xi32, #tpu.memory_space<vmem>>
      %dma_wait3A_333 = arith.constant 0 : i32
      %dma_wait3A_334 = arith.constant 0 : i32
      %dma_wait3A_335 = tpu.memref_slice %arg2[%dma_wait3A_333, %dma_wait3A_334] : memref<10000x128xf32, #tpu.memory_space<hbm>> -> memref<10000x128xf32, #tpu.memory_space<hbm>>
      tpu.wait_indirect_dma semaphore(%arg32 : memref<!tpu.dma_semaphore, #tpu.memory_space<semaphore_mem>>) src(%dma_wait3A_335 : memref<10000x128xf32, #tpu.memory_space<hbm>>) dst(%arg16 : memref<128x128xf32, #tpu.memory_space<vmem>>)
      %get3A = arith.constant 128 : index
      %get3A_336 = tpu.vector_load %arg8[%get3A] {strides = array<i32>} : memref<256xi32, #tpu.memory_space<vmem>>, vector<16xi32>,
      %swap3A = arith.constant 0 : index
      %swap3A_337 = tpu.vector_load %arg18[%swap3A] {strides = array<i32>} : memref<128xi32, #tpu.memory_space<vmem>>, vector<16xi32>,
      tpu.vector_store %arg18[%swap3A], %get3A_336 {strides = array<i32>} : memref<128xi32, #tpu.memory_space<vmem>>, vector<16xi32>,
      tpu.vector_store_idx %arg20[%get3A_336], %broadcast_in_dim3A_14 {add = true} : memref<10240xf32, #tpu.memory_space<vmem>>[vector<16xi32>], vector<16xf32>,
      %get3A_338 = arith.constant 144 : index
      %get3A_339 = tpu.vector_load %arg8[%get3A_338] {strides = array<i32>} : memref<256xi32, #tpu.memory_space<vmem>>, vector<16xi32>,
      %swap3A_340 = arith.constant 16 : index
      %swap3A_341 = tpu.vector_load %arg18[%swap3A_340] {strides = array<i32>} : memref<128xi32, #tpu.memory_space<vmem>>, vector<16xi32>,
      tpu.vector_store %arg18[%swap3A_340], %get3A_339 {strides = array<i32>} : memref<128xi32, #tpu.memory_space<vmem>>, vector<16xi32>,
      tpu.vector_store_idx %arg20[%get3A_339], %broadcast_in_dim3A_14 {add = true} : memref<10240xf32, #tpu.memory_space<vmem>>[vector<16xi32>], vector<16xf32>,
      %get3A_342 = arith.constant 160 : index
      %get3A_343 = tpu.vector_load %arg8[%get3A_342] {strides = array<i32>} : memref<256xi32, #tpu.memory_space<vmem>>, vector<16xi32>,
      %swap3A_344 = arith.constant 32 : index
      %swap3A_345 = tpu.vector_load %arg18[%swap3A_344] {strides = array<i32>} : memref<128xi32, #tpu.memory_space<vmem>>, vector<16xi32>,
      tpu.vector_store %arg18[%swap3A_344], %get3A_343 {strides = array<i32>} : memref<128xi32, #tpu.memory_space<vmem>>, vector<16xi32>,
      tpu.vector_store_idx %arg20[%get3A_343], %broadcast_in_dim3A_14 {add = true} : memref<10240xf32, #tpu.memory_space<vmem>>[vector<16xi32>], vector<16xf32>,
      %get3A_346 = arith.constant 176 : index
      %get3A_347 = tpu.vector_load %arg8[%get3A_346] {strides = array<i32>} : memref<256xi32, #tpu.memory_space<vmem>>, vector<16xi32>,
      %swap3A_348 = arith.constant 48 : index
      %swap3A_349 = tpu.vector_load %arg18[%swap3A_348] {strides = array<i32>} : memref<128xi32, #tpu.memory_space<vmem>>, vector<16xi32>,
      tpu.vector_store %arg18[%swap3A_348], %get3A_347 {strides = array<i32>} : memref<128xi32, #tpu.memory_space<vmem>>, vector<16xi32>,
      tpu.vector_store_idx %arg20[%get3A_347], %broadcast_in_dim3A_14 {add = true} : memref<10240xf32, #tpu.memory_space<vmem>>[vector<16xi32>], vector<16xf32>,
      %get3A_350 = arith.constant 192 : index
      %get3A_351 = tpu.vector_load %arg8[%get3A_350] {strides = array<i32>} : memref<256xi32, #tpu.memory_space<vmem>>, vector<16xi32>,
      %swap3A_352 = arith.constant 64 : index
      %swap3A_353 = tpu.vector_load %arg18[%swap3A_352] {strides = array<i32>} : memref<128xi32, #tpu.memory_space<vmem>>, vector<16xi32>,
      tpu.vector_store %arg18[%swap3A_352], %get3A_351 {strides = array<i32>} : memref<128xi32, #tpu.memory_space<vmem>>, vector<16xi32>,
      tpu.vector_store_idx %arg20[%get3A_351], %broadcast_in_dim3A_14 {add = true} : memref<10240xf32, #tpu.memory_space<vmem>>[vector<16xi32>], vector<16xf32>,
      %get3A_354 = arith.constant 208 : index
      %get3A_355 = tpu.vector_load %arg8[%get3A_354] {strides = array<i32>} : memref<256xi32, #tpu.memory_space<vmem>>, vector<16xi32>,
      %swap3A_356 = arith.constant 80 : index
      %swap3A_357 = tpu.vector_load %arg18[%swap3A_356] {strides = array<i32>} : memref<128xi32, #tpu.memory_space<vmem>>, vector<16xi32>,
      tpu.vector_store %arg18[%swap3A_356], %get3A_355 {strides = array<i32>} : memref<128xi32, #tpu.memory_space<vmem>>, vector<16xi32>,
      tpu.vector_store_idx %arg20[%get3A_355], %broadcast_in_dim3A_14 {add = true} : memref<10240xf32, #tpu.memory_space<vmem>>[vector<16xi32>], vector<16xf32>,
      %get3A_358 = arith.constant 224 : index
      %get3A_359 = tpu.vector_load %arg8[%get3A_358] {strides = array<i32>} : memref<256xi32, #tpu.memory_space<vmem>>, vector<16xi32>,
      %swap3A_360 = arith.constant 96 : index
      %swap3A_361 = tpu.vector_load %arg18[%swap3A_360] {strides = array<i32>} : memref<128xi32, #tpu.memory_space<vmem>>, vector<16xi32>,
      tpu.vector_store %arg18[%swap3A_360], %get3A_359 {strides = array<i32>} : memref<128xi32, #tpu.memory_space<vmem>>, vector<16xi32>,
      tpu.vector_store_idx %arg20[%get3A_359], %broadcast_in_dim3A_14 {add = true} : memref<10240xf32, #tpu.memory_space<vmem>>[vector<16xi32>], vector<16xf32>,
      %get3A_362 = arith.constant 240 : index
      %get3A_363 = tpu.vector_load %arg8[%get3A_362] {strides = array<i32>} : memref<256xi32, #tpu.memory_space<vmem>>, vector<16xi32>,
      %swap3A_364 = arith.constant 112 : index
      %swap3A_365 = tpu.vector_load %arg18[%swap3A_364] {strides = array<i32>} : memref<128xi32, #tpu.memory_space<vmem>>, vector<16xi32>,
      tpu.vector_store %arg18[%swap3A_364], %get3A_363 {strides = array<i32>} : memref<128xi32, #tpu.memory_space<vmem>>, vector<16xi32>,
      tpu.vector_store_idx %arg20[%get3A_363], %broadcast_in_dim3A_14 {add = true} : memref<10240xf32, #tpu.memory_space<vmem>>[vector<16xi32>], vector<16xf32>,
      %dma_start3A_366 = arith.constant 0 : i32
      %dma_start3A_367 = arith.constant 0 : i32
      %dma_start3A_368 = tpu.memref_slice %arg23[%dma_start3A_366, %dma_start3A_367] : memref<10240x128xf32, #tpu.memory_space<vmem_shared>> -> memref<10240x128xf32, #tpu.memory_space<vmem_shared>>
      tpu.enqueue_indirect_dma source(%arg16 : memref<128x128xf32, #tpu.memory_space<vmem>>) target(%dma_start3A_368 : memref<10240x128xf32, #tpu.memory_space<vmem_shared>>) offsets(%arg18 : memref<128xi32, #tpu.memory_space<vmem>>) semaphore(%arg34 : memref<!tpu.dma_semaphore, #tpu.memory_space<semaphore_mem>>) {add = true}
      %mul3A_369 = arith.constant 8 : i32
      %mul3A_370 = arith.muli %scan3A_300, %mul3A_369 : i32
      %add3A_371 = arith.constant 1 : i32
      %add3A_372 = arith.addi %mul3A_370, %add3A_371 : i32
      %add3A_373 = arith.constant 8 : i32
      %add3A_374 = arith.addi %add3A_372, %add3A_373 : i32
      %sub3A_375 = arith.constant 1 : i32
      %sub3A_376 = arith.subi %add3A_374, %sub3A_375 : i32
      %add3A_377 = arith.addi %mul3A_2, %sub3A_376 : i32
      %dma_start3A_378 = arith.constant 0 : i32
      %dma_start3A_379 = tpu.memref_slice %arg3[%add3A_377, %dma_start3A_378] : memref<2568x256xi32, #tpu.memory_space<hbm>> -> memref<1x256xi32, #tpu.memory_space<hbm>>
      %dma_start3A_380 = tpu.memref_squeeze %dma_start3A_379 : memref<1x256xi32, #tpu.memory_space<hbm>> -> memref<256xi32, #tpu.memory_space<hbm>>
      %dma_start3A_381 = arith.constant 0 : i32
      %dma_start3A_382 = tpu.memref_slice %arg3[%add3A_377, %dma_start3A_381] : memref<2568x256xi32, #tpu.memory_space<hbm>> -> memref<1x256xi32, #tpu.memory_space<hbm>>
      %dma_start3A_383 = tpu.memref_squeeze %dma_start3A_382 : memref<1x256xi32, #tpu.memory_space<hbm>> -> memref<256xi32, #tpu.memory_space<hbm>>
      tpu.enqueue_dma source(%dma_start3A_383 : memref<256xi32, #tpu.memory_space<hbm>>) target(%arg8 : memref<256xi32, #tpu.memory_space<vmem>>) target_semaphore(%arg24 : memref<!tpu.dma_semaphore, #tpu.memory_space<semaphore_mem>>)
      %dma_wait3A_384 = arith.constant 0 : i32
      %dma_wait3A_385 = arith.constant 0 : i32
      %dma_wait3A_386 = tpu.memref_slice %arg23[%dma_wait3A_384, %dma_wait3A_385] : memref<10240x128xf32, #tpu.memory_space<vmem_shared>> -> memref<10240x128xf32, #tpu.memory_space<vmem_shared>>
      tpu.wait_indirect_dma semaphore(%arg34 : memref<!tpu.dma_semaphore, #tpu.memory_space<semaphore_mem>>) src(%arg16 : memref<128x128xf32, #tpu.memory_space<vmem>>) dst(%dma_wait3A_386 : memref<10240x128xf32, #tpu.memory_space<vmem_shared>>)
      %add3A_387 = arith.constant 1 : i32
      %add3A_388 = arith.addi %add3A_372, %add3A_387 : i32
      %add3A_389 = arith.addi %mul3A_2, %add3A_388 : i32
      %dma_wait3A_390 = arith.constant 0 : i32
      %dma_wait3A_391 = tpu.memref_slice %arg3[%add3A_389, %dma_wait3A_390] : memref<2568x256xi32, #tpu.memory_space<hbm>> -> memref<1x256xi32, #tpu.memory_space<hbm>>
      %dma_wait3A_392 = tpu.memref_squeeze %dma_wait3A_391 : memref<1x256xi32, #tpu.memory_space<hbm>> -> memref<256xi32, #tpu.memory_space<hbm>>
      %dma_wait3A_393 = arith.constant 0 : i32
      %dma_wait3A_394 = tpu.memref_slice %arg3[%add3A_389, %dma_wait3A_393] : memref<2568x256xi32, #tpu.memory_space<hbm>> -> memref<1x256xi32, #tpu.memory_space<hbm>>
      %dma_wait3A_395 = tpu.memref_squeeze %dma_wait3A_394 : memref<1x256xi32, #tpu.memory_space<hbm>> -> memref<256xi32, #tpu.memory_space<hbm>>
      tpu.wait_dma2 semaphore(%arg26 : memref<!tpu.dma_semaphore, #tpu.memory_space<semaphore_mem>>) src(%dma_wait3A_395 : memref<256xi32, #tpu.memory_space<hbm>>) dst(%arg10 : memref<256xi32, #tpu.memory_space<vmem>>)
      %dma_start3A_396 = arith.constant 0 : i32
      %dma_start3A_397 = tpu.memref_slice %arg10[%dma_start3A_396] : memref<256xi32, #tpu.memory_space<vmem>> -> memref<128xi32, #tpu.memory_space<vmem>>
      %dma_start3A_398 = arith.constant 0 : i32
      %dma_start3A_399 = arith.constant 0 : i32
      %dma_start3A_400 = tpu.memref_slice %arg2[%dma_start3A_398, %dma_start3A_399] : memref<10000x128xf32, #tpu.memory_space<hbm>> -> memref<10000x128xf32, #tpu.memory_space<hbm>>
      tpu.enqueue_indirect_dma source(%dma_start3A_400 : memref<10000x128xf32, #tpu.memory_space<hbm>>) target(%arg16 : memref<128x128xf32, #tpu.memory_space<vmem>>) offsets(%dma_start3A_397 : memref<128xi32, #tpu.memory_space<vmem>>) semaphore(%arg32 : memref<!tpu.dma_semaphore, #tpu.memory_space<semaphore_mem>>)
      %dma_wait3A_401 = arith.constant 0 : i32
      %dma_wait3A_402 = tpu.memref_slice %arg9[%dma_wait3A_401] : memref<256xi32, #tpu.memory_space<vmem>> -> memref<128xi32, #tpu.memory_space<vmem>>
      %dma_wait3A_403 = arith.constant 0 : i32
      %dma_wait3A_404 = arith.constant 0 : i32
      %dma_wait3A_405 = tpu.memref_slice %arg2[%dma_wait3A_403, %dma_wait3A_404] : memref<10000x128xf32, #tpu.memory_space<hbm>> -> memref<10000x128xf32, #tpu.memory_space<hbm>>
      tpu.wait_indirect_dma semaphore(%arg33 : memref<!tpu.dma_semaphore, #tpu.memory_space<semaphore_mem>>) src(%dma_wait3A_405 : memref<10000x128xf32, #tpu.memory_space<hbm>>) dst(%arg17 : memref<128x128xf32, #tpu.memory_space<vmem>>)
      %get3A_406 = arith.constant 128 : index
      %get3A_407 = tpu.vector_load %arg9[%get3A_406] {strides = array<i32>} : memref<256xi32, #tpu.memory_space<vmem>>, vector<16xi32>,
      %swap3A_408 = arith.constant 0 : index
      %swap3A_409 = tpu.vector_load %arg19[%swap3A_408] {strides = array<i32>} : memref<128xi32, #tpu.memory_space<vmem>>, vector<16xi32>,
      tpu.vector_store %arg19[%swap3A_408], %get3A_407 {strides = array<i32>} : memref<128xi32, #tpu.memory_space<vmem>>, vector<16xi32>,
      tpu.vector_store_idx %arg20[%get3A_407], %broadcast_in_dim3A_14 {add = true} : memref<10240xf32, #tpu.memory_space<vmem>>[vector<16xi32>], vector<16xf32>,
      %get3A_410 = arith.constant 144 : index
      %get3A_411 = tpu.vector_load %arg9[%get3A_410] {strides = array<i32>} : memref<256xi32, #tpu.memory_space<vmem>>, vector<16xi32>,
      %swap3A_412 = arith.constant 16 : index
      %swap3A_413 = tpu.vector_load %arg19[%swap3A_412] {strides = array<i32>} : memref<128xi32, #tpu.memory_space<vmem>>, vector<16xi32>,
      tpu.vector_store %arg19[%swap3A_412], %get3A_411 {strides = array<i32>} : memref<128xi32, #tpu.memory_space<vmem>>, vector<16xi32>,
      tpu.vector_store_idx %arg20[%get3A_411], %broadcast_in_dim3A_14 {add = true} : memref<10240xf32, #tpu.memory_space<vmem>>[vector<16xi32>], vector<16xf32>,
      %get3A_414 = arith.constant 160 : index
      %get3A_415 = tpu.vector_load %arg9[%get3A_414] {strides = array<i32>} : memref<256xi32, #tpu.memory_space<vmem>>, vector<16xi32>,
      %swap3A_416 = arith.constant 32 : index
      %swap3A_417 = tpu.vector_load %arg19[%swap3A_416] {strides = array<i32>} : memref<128xi32, #tpu.memory_space<vmem>>, vector<16xi32>,
      tpu.vector_store %arg19[%swap3A_416], %get3A_415 {strides = array<i32>} : memref<128xi32, #tpu.memory_space<vmem>>, vector<16xi32>,
      tpu.vector_store_idx %arg20[%get3A_415], %broadcast_in_dim3A_14 {add = true} : memref<10240xf32, #tpu.memory_space<vmem>>[vector<16xi32>], vector<16xf32>,
      %get3A_418 = arith.constant 176 : index
      %get3A_419 = tpu.vector_load %arg9[%get3A_418] {strides = array<i32>} : memref<256xi32, #tpu.memory_space<vmem>>, vector<16xi32>,
      %swap3A_420 = arith.constant 48 : index
      %swap3A_421 = tpu.vector_load %arg19[%swap3A_420] {strides = array<i32>} : memref<128xi32, #tpu.memory_space<vmem>>, vector<16xi32>,
      tpu.vector_store %arg19[%swap3A_420], %get3A_419 {strides = array<i32>} : memref<128xi32, #tpu.memory_space<vmem>>, vector<16xi32>,
      tpu.vector_store_idx %arg20[%get3A_419], %broadcast_in_dim3A_14 {add = true} : memref<10240xf32, #tpu.memory_space<vmem>>[vector<16xi32>], vector<16xf32>,
      %get3A_422 = arith.constant 192 : index
      %get3A_423 = tpu.vector_load %arg9[%get3A_422] {strides = array<i32>} : memref<256xi32, #tpu.memory_space<vmem>>, vector<16xi32>,
      %swap3A_424 = arith.constant 64 : index
      %swap3A_425 = tpu.vector_load %arg19[%swap3A_424] {strides = array<i32>} : memref<128xi32, #tpu.memory_space<vmem>>, vector<16xi32>,
      tpu.vector_store %arg19[%swap3A_424], %get3A_423 {strides = array<i32>} : memref<128xi32, #tpu.memory_space<vmem>>, vector<16xi32>,
      tpu.vector_store_idx %arg20[%get3A_423], %broadcast_in_dim3A_14 {add = true} : memref<10240xf32, #tpu.memory_space<vmem>>[vector<16xi32>], vector<16xf32>,
      %get3A_426 = arith.constant 208 : index
      %get3A_427 = tpu.vector_load %arg9[%get3A_426] {strides = array<i32>} : memref<256xi32, #tpu.memory_space<vmem>>, vector<16xi32>,
      %swap3A_428 = arith.constant 80 : index
      %swap3A_429 = tpu.vector_load %arg19[%swap3A_428] {strides = array<i32>} : memref<128xi32, #tpu.memory_space<vmem>>, vector<16xi32>,
      tpu.vector_store %arg19[%swap3A_428], %get3A_427 {strides = array<i32>} : memref<128xi32, #tpu.memory_space<vmem>>, vector<16xi32>,
      tpu.vector_store_idx %arg20[%get3A_427], %broadcast_in_dim3A_14 {add = true} : memref<10240xf32, #tpu.memory_space<vmem>>[vector<16xi32>], vector<16xf32>,
      %get3A_430 = arith.constant 224 : index
      %get3A_431 = tpu.vector_load %arg9[%get3A_430] {strides = array<i32>} : memref<256xi32, #tpu.memory_space<vmem>>, vector<16xi32>,
      %swap3A_432 = arith.constant 96 : index
      %swap3A_433 = tpu.vector_load %arg19[%swap3A_432] {strides = array<i32>} : memref<128xi32, #tpu.memory_space<vmem>>, vector<16xi32>,
      tpu.vector_store %arg19[%swap3A_432], %get3A_431 {strides = array<i32>} : memref<128xi32, #tpu.memory_space<vmem>>, vector<16xi32>,
      tpu.vector_store_idx %arg20[%get3A_431], %broadcast_in_dim3A_14 {add = true} : memref<10240xf32, #tpu.memory_space<vmem>>[vector<16xi32>], vector<16xf32>,
      %get3A_434 = arith.constant 240 : index
      %get3A_435 = tpu.vector_load %arg9[%get3A_434] {strides = array<i32>} : memref<256xi32, #tpu.memory_space<vmem>>, vector<16xi32>,
      %swap3A_436 = arith.constant 112 : index
      %swap3A_437 = tpu.vector_load %arg19[%swap3A_436] {strides = array<i32>} : memref<128xi32, #tpu.memory_space<vmem>>, vector<16xi32>,
      tpu.vector_store %arg19[%swap3A_436], %get3A_435 {strides = array<i32>} : memref<128xi32, #tpu.memory_space<vmem>>, vector<16xi32>,
      tpu.vector_store_idx %arg20[%get3A_435], %broadcast_in_dim3A_14 {add = true} : memref<10240xf32, #tpu.memory_space<vmem>>[vector<16xi32>], vector<16xf32>,
      %dma_start3A_438 = arith.constant 0 : i32
      %dma_start3A_439 = arith.constant 0 : i32
      %dma_start3A_440 = tpu.memref_slice %arg23[%dma_start3A_438, %dma_start3A_439] : memref<10240x128xf32, #tpu.memory_space<vmem_shared>> -> memref<10240x128xf32, #tpu.memory_space<vmem_shared>>
      tpu.enqueue_indirect_dma source(%arg17 : memref<128x128xf32, #tpu.memory_space<vmem>>) target(%dma_start3A_440 : memref<10240x128xf32, #tpu.memory_space<vmem_shared>>) offsets(%arg19 : memref<128xi32, #tpu.memory_space<vmem>>) semaphore(%arg35 : memref<!tpu.dma_semaphore, #tpu.memory_space<semaphore_mem>>) {add = true}
      %mul3A_441 = arith.constant 8 : i32
      %mul3A_442 = arith.muli %scan3A_300, %mul3A_441 : i32
      %add3A_443 = arith.constant 2 : i32
      %add3A_444 = arith.addi %mul3A_442, %add3A_443 : i32
      %add3A_445 = arith.constant 8 : i32
      %add3A_446 = arith.addi %add3A_444, %add3A_445 : i32
      %sub3A_447 = arith.constant 1 : i32
      %sub3A_448 = arith.subi %add3A_446, %sub3A_447 : i32
      %add3A_449 = arith.addi %mul3A_2, %sub3A_448 : i32
      %dma_start3A_450 = arith.constant 0 : i32
      %dma_start3A_451 = tpu.memref_slice %arg3[%add3A_449, %dma_start3A_450] : memref<2568x256xi32, #tpu.memory_space<hbm>> -> memref<1x256xi32, #tpu.memory_space<hbm>>
      %dma_start3A_452 = tpu.memref_squeeze %dma_start3A_451 : memref<1x256xi32, #tpu.memory_space<hbm>> -> memref<256xi32, #tpu.memory_space<hbm>>
      %dma_start3A_453 = arith.constant 0 : i32
      %dma_start3A_454 = tpu.memref_slice %arg3[%add3A_449, %dma_start3A_453] : memref<2568x256xi32, #tpu.memory_space<hbm>> -> memref<1x256xi32, #tpu.memory_space<hbm>>
      %dma_start3A_455 = tpu.memref_squeeze %dma_start3A_454 : memref<1x256xi32, #tpu.memory_space<hbm>> -> memref<256xi32, #tpu.memory_space<hbm>>
      tpu.enqueue_dma source(%dma_start3A_455 : memref<256xi32, #tpu.memory_space<hbm>>) target(%arg9 : memref<256xi32, #tpu.memory_space<vmem>>) target_semaphore(%arg25 : memref<!tpu.dma_semaphore, #tpu.memory_space<semaphore_mem>>)
      %dma_wait3A_456 = arith.constant 0 : i32
      %dma_wait3A_457 = arith.constant 0 : i32
      %dma_wait3A_458 = tpu.memref_slice %arg23[%dma_wait3A_456, %dma_wait3A_457] : memref<10240x128xf32, #tpu.memory_space<vmem_shared>> -> memref<10240x128xf32, #tpu.memory_space<vmem_shared>>
      tpu.wait_indirect_dma semaphore(%arg35 : memref<!tpu.dma_semaphore, #tpu.memory_space<semaphore_mem>>) src(%arg17 : memref<128x128xf32, #tpu.memory_space<vmem>>) dst(%dma_wait3A_458 : memref<10240x128xf32, #tpu.memory_space<vmem_shared>>)
      %add3A_459 = arith.constant 1 : i32
      %add3A_460 = arith.addi %add3A_444, %add3A_459 : i32
      %add3A_461 = arith.addi %mul3A_2, %add3A_460 : i32
      %dma_wait3A_462 = arith.constant 0 : i32
      %dma_wait3A_463 = tpu.memref_slice %arg3[%add3A_461, %dma_wait3A_462] : memref<2568x256xi32, #tpu.memory_space<hbm>> -> memref<1x256xi32, #tpu.memory_space<hbm>>
      %dma_wait3A_464 = tpu.memref_squeeze %dma_wait3A_463 : memref<1x256xi32, #tpu.memory_space<hbm>> -> memref<256xi32, #tpu.memory_space<hbm>>
      %dma_wait3A_465 = arith.constant 0 : i32
      %dma_wait3A_466 = tpu.memref_slice %arg3[%add3A_461, %dma_wait3A_465] : memref<2568x256xi32, #tpu.memory_space<hbm>> -> memref<1x256xi32, #tpu.memory_space<hbm>>
      %dma_wait3A_467 = tpu.memref_squeeze %dma_wait3A_466 : memref<1x256xi32, #tpu.memory_space<hbm>> -> memref<256xi32, #tpu.memory_space<hbm>>
      tpu.wait_dma2 semaphore(%arg27 : memref<!tpu.dma_semaphore, #tpu.memory_space<semaphore_mem>>) src(%dma_wait3A_467 : memref<256xi32, #tpu.memory_space<hbm>>) dst(%arg11 : memref<256xi32, #tpu.memory_space<vmem>>)
      %dma_start3A_468 = arith.constant 0 : i32
      %dma_start3A_469 = tpu.memref_slice %arg11[%dma_start3A_468] : memref<256xi32, #tpu.memory_space<vmem>> -> memref<128xi32, #tpu.memory_space<vmem>>
      %dma_start3A_470 = arith.constant 0 : i32
      %dma_start3A_471 = arith.constant 0 : i32
      %dma_start3A_472 = tpu.memref_slice %arg2[%dma_start3A_470, %dma_start3A_471] : memref<10000x128xf32, #tpu.memory_space<hbm>> -> memref<10000x128xf32, #tpu.memory_space<hbm>>
      tpu.enqueue_indirect_dma source(%dma_start3A_472 : memref<10000x128xf32, #tpu.memory_space<hbm>>) target(%arg17 : memref<128x128xf32, #tpu.memory_space<vmem>>) offsets(%dma_start3A_469 : memref<128xi32, #tpu.memory_space<vmem>>) semaphore(%arg33 : memref<!tpu.dma_semaphore, #tpu.memory_space<semaphore_mem>>)
      %dma_wait3A_473 = arith.constant 0 : i32
      %dma_wait3A_474 = tpu.memref_slice %arg10[%dma_wait3A_473] : memref<256xi32, #tpu.memory_space<vmem>> -> memref<128xi32, #tpu.memory_space<vmem>>
      %dma_wait3A_475 = arith.constant 0 : i32
      %dma_wait3A_476 = arith.constant 0 : i32
      %dma_wait3A_477 = tpu.memref_slice %arg2[%dma_wait3A_475, %dma_wait3A_476] : memref<10000x128xf32, #tpu.memory_space<hbm>> -> memref<10000x128xf32, #tpu.memory_space<hbm>>
      tpu.wait_indirect_dma semaphore(%arg32 : memref<!tpu.dma_semaphore, #tpu.memory_space<semaphore_mem>>) src(%dma_wait3A_477 : memref<10000x128xf32, #tpu.memory_space<hbm>>) dst(%arg16 : memref<128x128xf32, #tpu.memory_space<vmem>>)
      %get3A_478 = arith.constant 128 : index
      %get3A_479 = tpu.vector_load %arg10[%get3A_478] {strides = array<i32>} : memref<256xi32, #tpu.memory_space<vmem>>, vector<16xi32>,
      %swap3A_480 = arith.constant 0 : index
      %swap3A_481 = tpu.vector_load %arg18[%swap3A_480] {strides = array<i32>} : memref<128xi32, #tpu.memory_space<vmem>>, vector<16xi32>,
      tpu.vector_store %arg18[%swap3A_480], %get3A_479 {strides = array<i32>} : memref<128xi32, #tpu.memory_space<vmem>>, vector<16xi32>,
      tpu.vector_store_idx %arg20[%get3A_479], %broadcast_in_dim3A_14 {add = true} : memref<10240xf32, #tpu.memory_space<vmem>>[vector<16xi32>], vector<16xf32>,
      %get3A_482 = arith.constant 144 : index
      %get3A_483 = tpu.vector_load %arg10[%get3A_482] {strides = array<i32>} : memref<256xi32, #tpu.memory_space<vmem>>, vector<16xi32>,
      %swap3A_484 = arith.constant 16 : index
      %swap3A_485 = tpu.vector_load %arg18[%swap3A_484] {strides = array<i32>} : memref<128xi32, #tpu.memory_space<vmem>>, vector<16xi32>,
      tpu.vector_store %arg18[%swap3A_484], %get3A_483 {strides = array<i32>} : memref<128xi32, #tpu.memory_space<vmem>>, vector<16xi32>,
      tpu.vector_store_idx %arg20[%get3A_483], %broadcast_in_dim3A_14 {add = true} : memref<10240xf32, #tpu.memory_space<vmem>>[vector<16xi32>], vector<16xf32>,
      %get3A_486 = arith.constant 160 : index
      %get3A_487 = tpu.vector_load %arg10[%get3A_486] {strides = array<i32>} : memref<256xi32, #tpu.memory_space<vmem>>, vector<16xi32>,
      %swap3A_488 = arith.constant 32 : index
      %swap3A_489 = tpu.vector_load %arg18[%swap3A_488] {strides = array<i32>} : memref<128xi32, #tpu.memory_space<vmem>>, vector<16xi32>,
      tpu.vector_store %arg18[%swap3A_488], %get3A_487 {strides = array<i32>} : memref<128xi32, #tpu.memory_space<vmem>>, vector<16xi32>,
      tpu.vector_store_idx %arg20[%get3A_487], %broadcast_in_dim3A_14 {add = true} : memref<10240xf32, #tpu.memory_space<vmem>>[vector<16xi32>], vector<16xf32>,
      %get3A_490 = arith.constant 176 : index
      %get3A_491 = tpu.vector_load %arg10[%get3A_490] {strides = array<i32>} : memref<256xi32, #tpu.memory_space<vmem>>, vector<16xi32>,
      %swap3A_492 = arith.constant 48 : index
      %swap3A_493 = tpu.vector_load %arg18[%swap3A_492] {strides = array<i32>} : memref<128xi32, #tpu.memory_space<vmem>>, vector<16xi32>,
      tpu.vector_store %arg18[%swap3A_492], %get3A_491 {strides = array<i32>} : memref<128xi32, #tpu.memory_space<vmem>>, vector<16xi32>,
      tpu.vector_store_idx %arg20[%get3A_491], %broadcast_in_dim3A_14 {add = true} : memref<10240xf32, #tpu.memory_space<vmem>>[vector<16xi32>], vector<16xf32>,
      %get3A_494 = arith.constant 192 : index
      %get3A_495 = tpu.vector_load %arg10[%get3A_494] {strides = array<i32>} : memref<256xi32, #tpu.memory_space<vmem>>, vector<16xi32>,
      %swap3A_496 = arith.constant 64 : index
      %swap3A_497 = tpu.vector_load %arg18[%swap3A_496] {strides = array<i32>} : memref<128xi32, #tpu.memory_space<vmem>>, vector<16xi32>,
      tpu.vector_store %arg18[%swap3A_496], %get3A_495 {strides = array<i32>} : memref<128xi32, #tpu.memory_space<vmem>>, vector<16xi32>,
      tpu.vector_store_idx %arg20[%get3A_495], %broadcast_in_dim3A_14 {add = true} : memref<10240xf32, #tpu.memory_space<vmem>>[vector<16xi32>], vector<16xf32>,
      %get3A_498 = arith.constant 208 : index
      %get3A_499 = tpu.vector_load %arg10[%get3A_498] {strides = array<i32>} : memref<256xi32, #tpu.memory_space<vmem>>, vector<16xi32>,
      %swap3A_500 = arith.constant 80 : index
      %swap3A_501 = tpu.vector_load %arg18[%swap3A_500] {strides = array<i32>} : memref<128xi32, #tpu.memory_space<vmem>>, vector<16xi32>,
      tpu.vector_store %arg18[%swap3A_500], %get3A_499 {strides = array<i32>} : memref<128xi32, #tpu.memory_space<vmem>>, vector<16xi32>,
      tpu.vector_store_idx %arg20[%get3A_499], %broadcast_in_dim3A_14 {add = true} : memref<10240xf32, #tpu.memory_space<vmem>>[vector<16xi32>], vector<16xf32>,
      %get3A_502 = arith.constant 224 : index
      %get3A_503 = tpu.vector_load %arg10[%get3A_502] {strides = array<i32>} : memref<256xi32, #tpu.memory_space<vmem>>, vector<16xi32>,
      %swap3A_504 = arith.constant 96 : index
      %swap3A_505 = tpu.vector_load %arg18[%swap3A_504] {strides = array<i32>} : memref<128xi32, #tpu.memory_space<vmem>>, vector<16xi32>,
      tpu.vector_store %arg18[%swap3A_504], %get3A_503 {strides = array<i32>} : memref<128xi32, #tpu.memory_space<vmem>>, vector<16xi32>,
      tpu.vector_store_idx %arg20[%get3A_503], %broadcast_in_dim3A_14 {add = true} : memref<10240xf32, #tpu.memory_space<vmem>>[vector<16xi32>], vector<16xf32>,
      %get3A_506 = arith.constant 240 : index
      %get3A_507 = tpu.vector_load %arg10[%get3A_506] {strides = array<i32>} : memref<256xi32, #tpu.memory_space<vmem>>, vector<16xi32>,
      %swap3A_508 = arith.constant 112 : index
      %swap3A_509 = tpu.vector_load %arg18[%swap3A_508] {strides = array<i32>} : memref<128xi32, #tpu.memory_space<vmem>>, vector<16xi32>,
      tpu.vector_store %arg18[%swap3A_508], %get3A_507 {strides = array<i32>} : memref<128xi32, #tpu.memory_space<vmem>>, vector<16xi32>,
      tpu.vector_store_idx %arg20[%get3A_507], %broadcast_in_dim3A_14 {add = true} : memref<10240xf32, #tpu.memory_space<vmem>>[vector<16xi32>], vector<16xf32>,
      %dma_start3A_510 = arith.constant 0 : i32
      %dma_start3A_511 = arith.constant 0 : i32
      %dma_start3A_512 = tpu.memref_slice %arg23[%dma_start3A_510, %dma_start3A_511] : memref<10240x128xf32, #tpu.memory_space<vmem_shared>> -> memref<10240x128xf32, #tpu.memory_space<vmem_shared>>
      tpu.enqueue_indirect_dma source(%arg16 : memref<128x128xf32, #tpu.memory_space<vmem>>) target(%dma_start3A_512 : memref<10240x128xf32, #tpu.memory_space<vmem_shared>>) offsets(%arg18 : memref<128xi32, #tpu.memory_space<vmem>>) semaphore(%arg34 : memref<!tpu.dma_semaphore, #tpu.memory_space<semaphore_mem>>) {add = true}
      %mul3A_513 = arith.constant 8 : i32
      %mul3A_514 = arith.muli %scan3A_300, %mul3A_513 : i32
      %add3A_515 = arith.constant 3 : i32
      %add3A_516 = arith.addi %mul3A_514, %add3A_515 : i32
      %add3A_517 = arith.constant 8 : i32
      %add3A_518 = arith.addi %add3A_516, %add3A_517 : i32
      %sub3A_519 = arith.constant 1 : i32
      %sub3A_520 = arith.subi %add3A_518, %sub3A_519 : i32
      %add3A_521 = arith.addi %mul3A_2, %sub3A_520 : i32
      %dma_start3A_522 = arith.constant 0 : i32
      %dma_start3A_523 = tpu.memref_slice %arg3[%add3A_521, %dma_start3A_522] : memref<2568x256xi32, #tpu.memory_space<hbm>> -> memref<1x256xi32, #tpu.memory_space<hbm>>
      %dma_start3A_524 = tpu.memref_squeeze %dma_start3A_523 : memref<1x256xi32, #tpu.memory_space<hbm>> -> memref<256xi32, #tpu.memory_space<hbm>>
      %dma_start3A_525 = arith.constant 0 : i32
      %dma_start3A_526 = tpu.memref_slice %arg3[%add3A_521, %dma_start3A_525] : memref<2568x256xi32, #tpu.memory_space<hbm>> -> memref<1x256xi32, #tpu.memory_space<hbm>>
      %dma_start3A_527 = tpu.memref_squeeze %dma_start3A_526 : memref<1x256xi32, #tpu.memory_space<hbm>> -> memref<256xi32, #tpu.memory_space<hbm>>
      tpu.enqueue_dma source(%dma_start3A_527 : memref<256xi32, #tpu.memory_space<hbm>>) target(%arg10 : memref<256xi32, #tpu.memory_space<vmem>>) target_semaphore(%arg26 : memref<!tpu.dma_semaphore, #tpu.memory_space<semaphore_mem>>)
      %dma_wait3A_528 = arith.constant 0 : i32
      %dma_wait3A_529 = arith.constant 0 : i32
      %dma_wait3A_530 = tpu.memref_slice %arg23[%dma_wait3A_528, %dma_wait3A_529] : memref<10240x128xf32, #tpu.memory_space<vmem_shared>> -> memref<10240x128xf32, #tpu.memory_space<vmem_shared>>
      tpu.wait_indirect_dma semaphore(%arg34 : memref<!tpu.dma_semaphore, #tpu.memory_space<semaphore_mem>>) src(%arg16 : memref<128x128xf32, #tpu.memory_space<vmem>>) dst(%dma_wait3A_530 : memref<10240x128xf32, #tpu.memory_space<vmem_shared>>)
      %add3A_531 = arith.constant 1 : i32
      %add3A_532 = arith.addi %add3A_516, %add3A_531 : i32
      %add3A_533 = arith.addi %mul3A_2, %add3A_532 : i32
      %dma_wait3A_534 = arith.constant 0 : i32
      %dma_wait3A_535 = tpu.memref_slice %arg3[%add3A_533, %dma_wait3A_534] : memref<2568x256xi32, #tpu.memory_space<hbm>> -> memref<1x256xi32, #tpu.memory_space<hbm>>
      %dma_wait3A_536 = tpu.memref_squeeze %dma_wait3A_535 : memref<1x256xi32, #tpu.memory_space<hbm>> -> memref<256xi32, #tpu.memory_space<hbm>>
      %dma_wait3A_537 = arith.constant 0 : i32
      %dma_wait3A_538 = tpu.memref_slice %arg3[%add3A_533, %dma_wait3A_537] : memref<2568x256xi32, #tpu.memory_space<hbm>> -> memref<1x256xi32, #tpu.memory_space<hbm>>
      %dma_wait3A_539 = tpu.memref_squeeze %dma_wait3A_538 : memref<1x256xi32, #tpu.memory_space<hbm>> -> memref<256xi32, #tpu.memory_space<hbm>>
      tpu.wait_dma2 semaphore(%arg28 : memref<!tpu.dma_semaphore, #tpu.memory_space<semaphore_mem>>) src(%dma_wait3A_539 : memref<256xi32, #tpu.memory_space<hbm>>) dst(%arg12 : memref<256xi32, #tpu.memory_space<vmem>>)
      %dma_start3A_540 = arith.constant 0 : i32
      %dma_start3A_541 = tpu.memref_slice %arg12[%dma_start3A_540] : memref<256xi32, #tpu.memory_space<vmem>> -> memref<128xi32, #tpu.memory_space<vmem>>
      %dma_start3A_542 = arith.constant 0 : i32
      %dma_start3A_543 = arith.constant 0 : i32
      %dma_start3A_544 = tpu.memref_slice %arg2[%dma_start3A_542, %dma_start3A_543] : memref<10000x128xf32, #tpu.memory_space<hbm>> -> memref<10000x128xf32, #tpu.memory_space<hbm>>
      tpu.enqueue_indirect_dma source(%dma_start3A_544 : memref<10000x128xf32, #tpu.memory_space<hbm>>) target(%arg16 : memref<128x128xf32, #tpu.memory_space<vmem>>) offsets(%dma_start3A_541 : memref<128xi32, #tpu.memory_space<vmem>>) semaphore(%arg32 : memref<!tpu.dma_semaphore, #tpu.memory_space<semaphore_mem>>)
      %dma_wait3A_545 = arith.constant 0 : i32
      %dma_wait3A_546 = tpu.memref_slice %arg11[%dma_wait3A_545] : memref<256xi32, #tpu.memory_space<vmem>> -> memref<128xi32, #tpu.memory_space<vmem>>
      %dma_wait3A_547 = arith.constant 0 : i32
      %dma_wait3A_548 = arith.constant 0 : i32
      %dma_wait3A_549 = tpu.memref_slice %arg2[%dma_wait3A_547, %dma_wait3A_548] : memref<10000x128xf32, #tpu.memory_space<hbm>> -> memref<10000x128xf32, #tpu.memory_space<hbm>>
      tpu.wait_indirect_dma semaphore(%arg33 : memref<!tpu.dma_semaphore, #tpu.memory_space<semaphore_mem>>) src(%dma_wait3A_549 : memref<10000x128xf32, #tpu.memory_space<hbm>>) dst(%arg17 : memref<128x128xf32, #tpu.memory_space<vmem>>)
      %get3A_550 = arith.constant 128 : index
      %get3A_551 = tpu.vector_load %arg11[%get3A_550] {strides = array<i32>} : memref<256xi32, #tpu.memory_space<vmem>>, vector<16xi32>,
      %swap3A_552 = arith.constant 0 : index
      %swap3A_553 = tpu.vector_load %arg19[%swap3A_552] {strides = array<i32>} : memref<128xi32, #tpu.memory_space<vmem>>, vector<16xi32>,
      tpu.vector_store %arg19[%swap3A_552], %get3A_551 {strides = array<i32>} : memref<128xi32, #tpu.memory_space<vmem>>, vector<16xi32>,
      tpu.vector_store_idx %arg20[%get3A_551], %broadcast_in_dim3A_14 {add = true} : memref<10240xf32, #tpu.memory_space<vmem>>[vector<16xi32>], vector<16xf32>,
      %get3A_554 = arith.constant 144 : index
      %get3A_555 = tpu.vector_load %arg11[%get3A_554] {strides = array<i32>} : memref<256xi32, #tpu.memory_space<vmem>>, vector<16xi32>,
      %swap3A_556 = arith.constant 16 : index
      %swap3A_557 = tpu.vector_load %arg19[%swap3A_556] {strides = array<i32>} : memref<128xi32, #tpu.memory_space<vmem>>, vector<16xi32>,
      tpu.vector_store %arg19[%swap3A_556], %get3A_555 {strides = array<i32>} : memref<128xi32, #tpu.memory_space<vmem>>, vector<16xi32>,
      tpu.vector_store_idx %arg20[%get3A_555], %broadcast_in_dim3A_14 {add = true} : memref<10240xf32, #tpu.memory_space<vmem>>[vector<16xi32>], vector<16xf32>,
      %get3A_558 = arith.constant 160 : index
      %get3A_559 = tpu.vector_load %arg11[%get3A_558] {strides = array<i32>} : memref<256xi32, #tpu.memory_space<vmem>>, vector<16xi32>,
      %swap3A_560 = arith.constant 32 : index
      %swap3A_561 = tpu.vector_load %arg19[%swap3A_560] {strides = array<i32>} : memref<128xi32, #tpu.memory_space<vmem>>, vector<16xi32>,
      tpu.vector_store %arg19[%swap3A_560], %get3A_559 {strides = array<i32>} : memref<128xi32, #tpu.memory_space<vmem>>, vector<16xi32>,
      tpu.vector_store_idx %arg20[%get3A_559], %broadcast_in_dim3A_14 {add = true} : memref<10240xf32, #tpu.memory_space<vmem>>[vector<16xi32>], vector<16xf32>,
      %get3A_562 = arith.constant 176 : index
      %get3A_563 = tpu.vector_load %arg11[%get3A_562] {strides = array<i32>} : memref<256xi32, #tpu.memory_space<vmem>>, vector<16xi32>,
      %swap3A_564 = arith.constant 48 : index
      %swap3A_565 = tpu.vector_load %arg19[%swap3A_564] {strides = array<i32>} : memref<128xi32, #tpu.memory_space<vmem>>, vector<16xi32>,
      tpu.vector_store %arg19[%swap3A_564], %get3A_563 {strides = array<i32>} : memref<128xi32, #tpu.memory_space<vmem>>, vector<16xi32>,
      tpu.vector_store_idx %arg20[%get3A_563], %broadcast_in_dim3A_14 {add = true} : memref<10240xf32, #tpu.memory_space<vmem>>[vector<16xi32>], vector<16xf32>,
      %get3A_566 = arith.constant 192 : index
      %get3A_567 = tpu.vector_load %arg11[%get3A_566] {strides = array<i32>} : memref<256xi32, #tpu.memory_space<vmem>>, vector<16xi32>,
      %swap3A_568 = arith.constant 64 : index
      %swap3A_569 = tpu.vector_load %arg19[%swap3A_568] {strides = array<i32>} : memref<128xi32, #tpu.memory_space<vmem>>, vector<16xi32>,
      tpu.vector_store %arg19[%swap3A_568], %get3A_567 {strides = array<i32>} : memref<128xi32, #tpu.memory_space<vmem>>, vector<16xi32>,
      tpu.vector_store_idx %arg20[%get3A_567], %broadcast_in_dim3A_14 {add = true} : memref<10240xf32, #tpu.memory_space<vmem>>[vector<16xi32>], vector<16xf32>,
      %get3A_570 = arith.constant 208 : index
      %get3A_571 = tpu.vector_load %arg11[%get3A_570] {strides = array<i32>} : memref<256xi32, #tpu.memory_space<vmem>>, vector<16xi32>,
      %swap3A_572 = arith.constant 80 : index
      %swap3A_573 = tpu.vector_load %arg19[%swap3A_572] {strides = array<i32>} : memref<128xi32, #tpu.memory_space<vmem>>, vector<16xi32>,
      tpu.vector_store %arg19[%swap3A_572], %get3A_571 {strides = array<i32>} : memref<128xi32, #tpu.memory_space<vmem>>, vector<16xi32>,
      tpu.vector_store_idx %arg20[%get3A_571], %broadcast_in_dim3A_14 {add = true} : memref<10240xf32, #tpu.memory_space<vmem>>[vector<16xi32>], vector<16xf32>,
      %get3A_574 = arith.constant 224 : index
      %get3A_575 = tpu.vector_load %arg11[%get3A_574] {strides = array<i32>} : memref<256xi32, #tpu.memory_space<vmem>>, vector<16xi32>,
      %swap3A_576 = arith.constant 96 : index
      %swap3A_577 = tpu.vector_load %arg19[%swap3A_576] {strides = array<i32>} : memref<128xi32, #tpu.memory_space<vmem>>, vector<16xi32>,
      tpu.vector_store %arg19[%swap3A_576], %get3A_575 {strides = array<i32>} : memref<128xi32, #tpu.memory_space<vmem>>, vector<16xi32>,
      tpu.vector_store_idx %arg20[%get3A_575], %broadcast_in_dim3A_14 {add = true} : memref<10240xf32, #tpu.memory_space<vmem>>[vector<16xi32>], vector<16xf32>,
      %get3A_578 = arith.constant 240 : index
      %get3A_579 = tpu.vector_load %arg11[%get3A_578] {strides = array<i32>} : memref<256xi32, #tpu.memory_space<vmem>>, vector<16xi32>,
      %swap3A_580 = arith.constant 112 : index
      %swap3A_581 = tpu.vector_load %arg19[%swap3A_580] {strides = array<i32>} : memref<128xi32, #tpu.memory_space<vmem>>, vector<16xi32>,
      tpu.vector_store %arg19[%swap3A_580], %get3A_579 {strides = array<i32>} : memref<128xi32, #tpu.memory_space<vmem>>, vector<16xi32>,
      tpu.vector_store_idx %arg20[%get3A_579], %broadcast_in_dim3A_14 {add = true} : memref<10240xf32, #tpu.memory_space<vmem>>[vector<16xi32>], vector<16xf32>,
      %dma_start3A_582 = arith.constant 0 : i32
      %dma_start3A_583 = arith.constant 0 : i32
      %dma_start3A_584 = tpu.memref_slice %arg23[%dma_start3A_582, %dma_start3A_583] : memref<10240x128xf32, #tpu.memory_space<vmem_shared>> -> memref<10240x128xf32, #tpu.memory_space<vmem_shared>>
      tpu.enqueue_indirect_dma source(%arg17 : memref<128x128xf32, #tpu.memory_space<vmem>>) target(%dma_start3A_584 : memref<10240x128xf32, #tpu.memory_space<vmem_shared>>) offsets(%arg19 : memref<128xi32, #tpu.memory_space<vmem>>) semaphore(%arg35 : memref<!tpu.dma_semaphore, #tpu.memory_space<semaphore_mem>>) {add = true}
      %mul3A_585 = arith.constant 8 : i32
      %mul3A_586 = arith.muli %scan3A_300, %mul3A_585 : i32
      %add3A_587 = arith.constant 4 : i32
      %add3A_588 = arith.addi %mul3A_586, %add3A_587 : i32
      %add3A_589 = arith.constant 8 : i32
      %add3A_590 = arith.addi %add3A_588, %add3A_589 : i32
      %sub3A_591 = arith.constant 1 : i32
      %sub3A_592 = arith.subi %add3A_590, %sub3A_591 : i32
      %add3A_593 = arith.addi %mul3A_2, %sub3A_592 : i32
      %dma_start3A_594 = arith.constant 0 : i32
      %dma_start3A_595 = tpu.memref_slice %arg3[%add3A_593, %dma_start3A_594] : memref<2568x256xi32, #tpu.memory_space<hbm>> -> memref<1x256xi32, #tpu.memory_space<hbm>>
      %dma_start3A_596 = tpu.memref_squeeze %dma_start3A_595 : memref<1x256xi32, #tpu.memory_space<hbm>> -> memref<256xi32, #tpu.memory_space<hbm>>
      %dma_start3A_597 = arith.constant 0 : i32
      %dma_start3A_598 = tpu.memref_slice %arg3[%add3A_593, %dma_start3A_597] : memref<2568x256xi32, #tpu.memory_space<hbm>> -> memref<1x256xi32, #tpu.memory_space<hbm>>
      %dma_start3A_599 = tpu.memref_squeeze %dma_start3A_598 : memref<1x256xi32, #tpu.memory_space<hbm>> -> memref<256xi32, #tpu.memory_space<hbm>>
      tpu.enqueue_dma source(%dma_start3A_599 : memref<256xi32, #tpu.memory_space<hbm>>) target(%arg11 : memref<256xi32, #tpu.memory_space<vmem>>) target_semaphore(%arg27 : memref<!tpu.dma_semaphore, #tpu.memory_space<semaphore_mem>>)
      %dma_wait3A_600 = arith.constant 0 : i32
      %dma_wait3A_601 = arith.constant 0 : i32
      %dma_wait3A_602 = tpu.memref_slice %arg23[%dma_wait3A_600, %dma_wait3A_601] : memref<10240x128xf32, #tpu.memory_space<vmem_shared>> -> memref<10240x128xf32, #tpu.memory_space<vmem_shared>>
      tpu.wait_indirect_dma semaphore(%arg35 : memref<!tpu.dma_semaphore, #tpu.memory_space<semaphore_mem>>) src(%arg17 : memref<128x128xf32, #tpu.memory_space<vmem>>) dst(%dma_wait3A_602 : memref<10240x128xf32, #tpu.memory_space<vmem_shared>>)
      %add3A_603 = arith.constant 1 : i32
      %add3A_604 = arith.addi %add3A_588, %add3A_603 : i32
      %add3A_605 = arith.addi %mul3A_2, %add3A_604 : i32
      %dma_wait3A_606 = arith.constant 0 : i32
      %dma_wait3A_607 = tpu.memref_slice %arg3[%add3A_605, %dma_wait3A_606] : memref<2568x256xi32, #tpu.memory_space<hbm>> -> memref<1x256xi32, #tpu.memory_space<hbm>>
      %dma_wait3A_608 = tpu.memref_squeeze %dma_wait3A_607 : memref<1x256xi32, #tpu.memory_space<hbm>> -> memref<256xi32, #tpu.memory_space<hbm>>
      %dma_wait3A_609 = arith.constant 0 : i32
      %dma_wait3A_610 = tpu.memref_slice %arg3[%add3A_605, %dma_wait3A_609] : memref<2568x256xi32, #tpu.memory_space<hbm>> -> memref<1x256xi32, #tpu.memory_space<hbm>>
      %dma_wait3A_611 = tpu.memref_squeeze %dma_wait3A_610 : memref<1x256xi32, #tpu.memory_space<hbm>> -> memref<256xi32, #tpu.memory_space<hbm>>
      tpu.wait_dma2 semaphore(%arg29 : memref<!tpu.dma_semaphore, #tpu.memory_space<semaphore_mem>>) src(%dma_wait3A_611 : memref<256xi32, #tpu.memory_space<hbm>>) dst(%arg13 : memref<256xi32, #tpu.memory_space<vmem>>)
      %dma_start3A_612 = arith.constant 0 : i32
      %dma_start3A_613 = tpu.memref_slice %arg13[%dma_start3A_612] : memref<256xi32, #tpu.memory_space<vmem>> -> memref<128xi32, #tpu.memory_space<vmem>>
      %dma_start3A_614 = arith.constant 0 : i32
      %dma_start3A_615 = arith.constant 0 : i32
      %dma_start3A_616 = tpu.memref_slice %arg2[%dma_start3A_614, %dma_start3A_615] : memref<10000x128xf32, #tpu.memory_space<hbm>> -> memref<10000x128xf32, #tpu.memory_space<hbm>>
      tpu.enqueue_indirect_dma source(%dma_start3A_616 : memref<10000x128xf32, #tpu.memory_space<hbm>>) target(%arg17 : memref<128x128xf32, #tpu.memory_space<vmem>>) offsets(%dma_start3A_613 : memref<128xi32, #tpu.memory_space<vmem>>) semaphore(%arg33 : memref<!tpu.dma_semaphore, #tpu.memory_space<semaphore_mem>>)
      %dma_wait3A_617 = arith.constant 0 : i32
      %dma_wait3A_618 = tpu.memref_slice %arg12[%dma_wait3A_617] : memref<256xi32, #tpu.memory_space<vmem>> -> memref<128xi32, #tpu.memory_space<vmem>>
      %dma_wait3A_619 = arith.constant 0 : i32
      %dma_wait3A_620 = arith.constant 0 : i32
      %dma_wait3A_621 = tpu.memref_slice %arg2[%dma_wait3A_619, %dma_wait3A_620] : memref<10000x128xf32, #tpu.memory_space<hbm>> -> memref<10000x128xf32, #tpu.memory_space<hbm>>
      tpu.wait_indirect_dma semaphore(%arg32 : memref<!tpu.dma_semaphore, #tpu.memory_space<semaphore_mem>>) src(%dma_wait3A_621 : memref<10000x128xf32, #tpu.memory_space<hbm>>) dst(%arg16 : memref<128x128xf32, #tpu.memory_space<vmem>>)
      %get3A_622 = arith.constant 128 : index
      %get3A_623 = tpu.vector_load %arg12[%get3A_622] {strides = array<i32>} : memref<256xi32, #tpu.memory_space<vmem>>, vector<16xi32>,
      %swap3A_624 = arith.constant 0 : index
      %swap3A_625 = tpu.vector_load %arg18[%swap3A_624] {strides = array<i32>} : memref<128xi32, #tpu.memory_space<vmem>>, vector<16xi32>,
      tpu.vector_store %arg18[%swap3A_624], %get3A_623 {strides = array<i32>} : memref<128xi32, #tpu.memory_space<vmem>>, vector<16xi32>,
      tpu.vector_store_idx %arg20[%get3A_623], %broadcast_in_dim3A_14 {add = true} : memref<10240xf32, #tpu.memory_space<vmem>>[vector<16xi32>], vector<16xf32>,
      %get3A_626 = arith.constant 144 : index
      %get3A_627 = tpu.vector_load %arg12[%get3A_626] {strides = array<i32>} : memref<256xi32, #tpu.memory_space<vmem>>, vector<16xi32>,
      %swap3A_628 = arith.constant 16 : index
      %swap3A_629 = tpu.vector_load %arg18[%swap3A_628] {strides = array<i32>} : memref<128xi32, #tpu.memory_space<vmem>>, vector<16xi32>,
      tpu.vector_store %arg18[%swap3A_628], %get3A_627 {strides = array<i32>} : memref<128xi32, #tpu.memory_space<vmem>>, vector<16xi32>,
      tpu.vector_store_idx %arg20[%get3A_627], %broadcast_in_dim3A_14 {add = true} : memref<10240xf32, #tpu.memory_space<vmem>>[vector<16xi32>], vector<16xf32>,
      %get3A_630 = arith.constant 160 : index
      %get3A_631 = tpu.vector_load %arg12[%get3A_630] {strides = array<i32>} : memref<256xi32, #tpu.memory_space<vmem>>, vector<16xi32>,
      %swap3A_632 = arith.constant 32 : index
      %swap3A_633 = tpu.vector_load %arg18[%swap3A_632] {strides = array<i32>} : memref<128xi32, #tpu.memory_space<vmem>>, vector<16xi32>,
      tpu.vector_store %arg18[%swap3A_632], %get3A_631 {strides = array<i32>} : memref<128xi32, #tpu.memory_space<vmem>>, vector<16xi32>,
      tpu.vector_store_idx %arg20[%get3A_631], %broadcast_in_dim3A_14 {add = true} : memref<10240xf32, #tpu.memory_space<vmem>>[vector<16xi32>], vector<16xf32>,
      %get3A_634 = arith.constant 176 : index
      %get3A_635 = tpu.vector_load %arg12[%get3A_634] {strides = array<i32>} : memref<256xi32, #tpu.memory_space<vmem>>, vector<16xi32>,
      %swap3A_636 = arith.constant 48 : index
      %swap3A_637 = tpu.vector_load %arg18[%swap3A_636] {strides = array<i32>} : memref<128xi32, #tpu.memory_space<vmem>>, vector<16xi32>,
      tpu.vector_store %arg18[%swap3A_636], %get3A_635 {strides = array<i32>} : memref<128xi32, #tpu.memory_space<vmem>>, vector<16xi32>,
      tpu.vector_store_idx %arg20[%get3A_635], %broadcast_in_dim3A_14 {add = true} : memref<10240xf32, #tpu.memory_space<vmem>>[vector<16xi32>], vector<16xf32>,
      %get3A_638 = arith.constant 192 : index
      %get3A_639 = tpu.vector_load %arg12[%get3A_638] {strides = array<i32>} : memref<256xi32, #tpu.memory_space<vmem>>, vector<16xi32>,
      %swap3A_640 = arith.constant 64 : index
      %swap3A_641 = tpu.vector_load %arg18[%swap3A_640] {strides = array<i32>} : memref<128xi32, #tpu.memory_space<vmem>>, vector<16xi32>,
      tpu.vector_store %arg18[%swap3A_640], %get3A_639 {strides = array<i32>} : memref<128xi32, #tpu.memory_space<vmem>>, vector<16xi32>,
      tpu.vector_store_idx %arg20[%get3A_639], %broadcast_in_dim3A_14 {add = true} : memref<10240xf32, #tpu.memory_space<vmem>>[vector<16xi32>], vector<16xf32>,
      %get3A_642 = arith.constant 208 : index
      %get3A_643 = tpu.vector_load %arg12[%get3A_642] {strides = array<i32>} : memref<256xi32, #tpu.memory_space<vmem>>, vector<16xi32>,
      %swap3A_644 = arith.constant 80 : index
      %swap3A_645 = tpu.vector_load %arg18[%swap3A_644] {strides = array<i32>} : memref<128xi32, #tpu.memory_space<vmem>>, vector<16xi32>,
      tpu.vector_store %arg18[%swap3A_644], %get3A_643 {strides = array<i32>} : memref<128xi32, #tpu.memory_space<vmem>>, vector<16xi32>,
      tpu.vector_store_idx %arg20[%get3A_643], %broadcast_in_dim3A_14 {add = true} : memref<10240xf32, #tpu.memory_space<vmem>>[vector<16xi32>], vector<16xf32>,
      %get3A_646 = arith.constant 224 : index
      %get3A_647 = tpu.vector_load %arg12[%get3A_646] {strides = array<i32>} : memref<256xi32, #tpu.memory_space<vmem>>, vector<16xi32>,
      %swap3A_648 = arith.constant 96 : index
      %swap3A_649 = tpu.vector_load %arg18[%swap3A_648] {strides = array<i32>} : memref<128xi32, #tpu.memory_space<vmem>>, vector<16xi32>,
      tpu.vector_store %arg18[%swap3A_648], %get3A_647 {strides = array<i32>} : memref<128xi32, #tpu.memory_space<vmem>>, vector<16xi32>,
      tpu.vector_store_idx %arg20[%get3A_647], %broadcast_in_dim3A_14 {add = true} : memref<10240xf32, #tpu.memory_space<vmem>>[vector<16xi32>], vector<16xf32>,
      %get3A_650 = arith.constant 240 : index
      %get3A_651 = tpu.vector_load %arg12[%get3A_650] {strides = array<i32>} : memref<256xi32, #tpu.memory_space<vmem>>, vector<16xi32>,
      %swap3A_652 = arith.constant 112 : index
      %swap3A_653 = tpu.vector_load %arg18[%swap3A_652] {strides = array<i32>} : memref<128xi32, #tpu.memory_space<vmem>>, vector<16xi32>,
      tpu.vector_store %arg18[%swap3A_652], %get3A_651 {strides = array<i32>} : memref<128xi32, #tpu.memory_space<vmem>>, vector<16xi32>,
      tpu.vector_store_idx %arg20[%get3A_651], %broadcast_in_dim3A_14 {add = true} : memref<10240xf32, #tpu.memory_space<vmem>>[vector<16xi32>], vector<16xf32>,
      %dma_start3A_654 = arith.constant 0 : i32
      %dma_start3A_655 = arith.constant 0 : i32
      %dma_start3A_656 = tpu.memref_slice %arg23[%dma_start3A_654, %dma_start3A_655] : memref<10240x128xf32, #tpu.memory_space<vmem_shared>> -> memref<10240x128xf32, #tpu.memory_space<vmem_shared>>
      tpu.enqueue_indirect_dma source(%arg16 : memref<128x128xf32, #tpu.memory_space<vmem>>) target(%dma_start3A_656 : memref<10240x128xf32, #tpu.memory_space<vmem_shared>>) offsets(%arg18 : memref<128xi32, #tpu.memory_space<vmem>>) semaphore(%arg34 : memref<!tpu.dma_semaphore, #tpu.memory_space<semaphore_mem>>) {add = true}
      %mul3A_657 = arith.constant 8 : i32
      %mul3A_658 = arith.muli %scan3A_300, %mul3A_657 : i32
      %add3A_659 = arith.constant 5 : i32
      %add3A_660 = arith.addi %mul3A_658, %add3A_659 : i32
      %add3A_661 = arith.constant 8 : i32
      %add3A_662 = arith.addi %add3A_660, %add3A_661 : i32
      %sub3A_663 = arith.constant 1 : i32
      %sub3A_664 = arith.subi %add3A_662, %sub3A_663 : i32
      %add3A_665 = arith.addi %mul3A_2, %sub3A_664 : i32
      %dma_start3A_666 = arith.constant 0 : i32
      %dma_start3A_667 = tpu.memref_slice %arg3[%add3A_665, %dma_start3A_666] : memref<2568x256xi32, #tpu.memory_space<hbm>> -> memref<1x256xi32, #tpu.memory_space<hbm>>
      %dma_start3A_668 = tpu.memref_squeeze %dma_start3A_667 : memref<1x256xi32, #tpu.memory_space<hbm>> -> memref<256xi32, #tpu.memory_space<hbm>>
      %dma_start3A_669 = arith.constant 0 : i32
      %dma_start3A_670 = tpu.memref_slice %arg3[%add3A_665, %dma_start3A_669] : memref<2568x256xi32, #tpu.memory_space<hbm>> -> memref<1x256xi32, #tpu.memory_space<hbm>>
      %dma_start3A_671 = tpu.memref_squeeze %dma_start3A_670 : memref<1x256xi32, #tpu.memory_space<hbm>> -> memref<256xi32, #tpu.memory_space<hbm>>
      tpu.enqueue_dma source(%dma_start3A_671 : memref<256xi32, #tpu.memory_space<hbm>>) target(%arg12 : memref<256xi32, #tpu.memory_space<vmem>>) target_semaphore(%arg28 : memref<!tpu.dma_semaphore, #tpu.memory_space<semaphore_mem>>)
      %dma_wait3A_672 = arith.constant 0 : i32
      %dma_wait3A_673 = arith.constant 0 : i32
      %dma_wait3A_674 = tpu.memref_slice %arg23[%dma_wait3A_672, %dma_wait3A_673] : memref<10240x128xf32, #tpu.memory_space<vmem_shared>> -> memref<10240x128xf32, #tpu.memory_space<vmem_shared>>
      tpu.wait_indirect_dma semaphore(%arg34 : memref<!tpu.dma_semaphore, #tpu.memory_space<semaphore_mem>>) src(%arg16 : memref<128x128xf32, #tpu.memory_space<vmem>>) dst(%dma_wait3A_674 : memref<10240x128xf32, #tpu.memory_space<vmem_shared>>)
      %add3A_675 = arith.constant 1 : i32
      %add3A_676 = arith.addi %add3A_660, %add3A_675 : i32
      %add3A_677 = arith.addi %mul3A_2, %add3A_676 : i32
      %dma_wait3A_678 = arith.constant 0 : i32
      %dma_wait3A_679 = tpu.memref_slice %arg3[%add3A_677, %dma_wait3A_678] : memref<2568x256xi32, #tpu.memory_space<hbm>> -> memref<1x256xi32, #tpu.memory_space<hbm>>
      %dma_wait3A_680 = tpu.memref_squeeze %dma_wait3A_679 : memref<1x256xi32, #tpu.memory_space<hbm>> -> memref<256xi32, #tpu.memory_space<hbm>>
      %dma_wait3A_681 = arith.constant 0 : i32
      %dma_wait3A_682 = tpu.memref_slice %arg3[%add3A_677, %dma_wait3A_681] : memref<2568x256xi32, #tpu.memory_space<hbm>> -> memref<1x256xi32, #tpu.memory_space<hbm>>
      %dma_wait3A_683 = tpu.memref_squeeze %dma_wait3A_682 : memref<1x256xi32, #tpu.memory_space<hbm>> -> memref<256xi32, #tpu.memory_space<hbm>>
      tpu.wait_dma2 semaphore(%arg30 : memref<!tpu.dma_semaphore, #tpu.memory_space<semaphore_mem>>) src(%dma_wait3A_683 : memref<256xi32, #tpu.memory_space<hbm>>) dst(%arg14 : memref<256xi32, #tpu.memory_space<vmem>>)
      %dma_start3A_684 = arith.constant 0 : i32
      %dma_start3A_685 = tpu.memref_slice %arg14[%dma_start3A_684] : memref<256xi32, #tpu.memory_space<vmem>> -> memref<128xi32, #tpu.memory_space<vmem>>
      %dma_start3A_686 = arith.constant 0 : i32
      %dma_start3A_687 = arith.constant 0 : i32
      %dma_start3A_688 = tpu.memref_slice %arg2[%dma_start3A_686, %dma_start3A_687] : memref<10000x128xf32, #tpu.memory_space<hbm>> -> memref<10000x128xf32, #tpu.memory_space<hbm>>
      tpu.enqueue_indirect_dma source(%dma_start3A_688 : memref<10000x128xf32, #tpu.memory_space<hbm>>) target(%arg16 : memref<128x128xf32, #tpu.memory_space<vmem>>) offsets(%dma_start3A_685 : memref<128xi32, #tpu.memory_space<vmem>>) semaphore(%arg32 : memref<!tpu.dma_semaphore, #tpu.memory_space<semaphore_mem>>)
      %dma_wait3A_689 = arith.constant 0 : i32
      %dma_wait3A_690 = tpu.memref_slice %arg13[%dma_wait3A_689] : memref<256xi32, #tpu.memory_space<vmem>> -> memref<128xi32, #tpu.memory_space<vmem>>
      %dma_wait3A_691 = arith.constant 0 : i32
      %dma_wait3A_692 = arith.constant 0 : i32
      %dma_wait3A_693 = tpu.memref_slice %arg2[%dma_wait3A_691, %dma_wait3A_692] : memref<10000x128xf32, #tpu.memory_space<hbm>> -> memref<10000x128xf32, #tpu.memory_space<hbm>>
      tpu.wait_indirect_dma semaphore(%arg33 : memref<!tpu.dma_semaphore, #tpu.memory_space<semaphore_mem>>) src(%dma_wait3A_693 : memref<10000x128xf32, #tpu.memory_space<hbm>>) dst(%arg17 : memref<128x128xf32, #tpu.memory_space<vmem>>)
      %get3A_694 = arith.constant 128 : index
      %get3A_695 = tpu.vector_load %arg13[%get3A_694] {strides = array<i32>} : memref<256xi32, #tpu.memory_space<vmem>>, vector<16xi32>,
      %swap3A_696 = arith.constant 0 : index
      %swap3A_697 = tpu.vector_load %arg19[%swap3A_696] {strides = array<i32>} : memref<128xi32, #tpu.memory_space<vmem>>, vector<16xi32>,
      tpu.vector_store %arg19[%swap3A_696], %get3A_695 {strides = array<i32>} : memref<128xi32, #tpu.memory_space<vmem>>, vector<16xi32>,
      tpu.vector_store_idx %arg20[%get3A_695], %broadcast_in_dim3A_14 {add = true} : memref<10240xf32, #tpu.memory_space<vmem>>[vector<16xi32>], vector<16xf32>,
      %get3A_698 = arith.constant 144 : index
      %get3A_699 = tpu.vector_load %arg13[%get3A_698] {strides = array<i32>} : memref<256xi32, #tpu.memory_space<vmem>>, vector<16xi32>,
      %swap3A_700 = arith.constant 16 : index
      %swap3A_701 = tpu.vector_load %arg19[%swap3A_700] {strides = array<i32>} : memref<128xi32, #tpu.memory_space<vmem>>, vector<16xi32>,
      tpu.vector_store %arg19[%swap3A_700], %get3A_699 {strides = array<i32>} : memref<128xi32, #tpu.memory_space<vmem>>, vector<16xi32>,
      tpu.vector_store_idx %arg20[%get3A_699], %broadcast_in_dim3A_14 {add = true} : memref<10240xf32, #tpu.memory_space<vmem>>[vector<16xi32>], vector<16xf32>,
      %get3A_702 = arith.constant 160 : index
      %get3A_703 = tpu.vector_load %arg13[%get3A_702] {strides = array<i32>} : memref<256xi32, #tpu.memory_space<vmem>>, vector<16xi32>,
      %swap3A_704 = arith.constant 32 : index
      %swap3A_705 = tpu.vector_load %arg19[%swap3A_704] {strides = array<i32>} : memref<128xi32, #tpu.memory_space<vmem>>, vector<16xi32>,
      tpu.vector_store %arg19[%swap3A_704], %get3A_703 {strides = array<i32>} : memref<128xi32, #tpu.memory_space<vmem>>, vector<16xi32>,
      tpu.vector_store_idx %arg20[%get3A_703], %broadcast_in_dim3A_14 {add = true} : memref<10240xf32, #tpu.memory_space<vmem>>[vector<16xi32>], vector<16xf32>,
      %get3A_706 = arith.constant 176 : index
      %get3A_707 = tpu.vector_load %arg13[%get3A_706] {strides = array<i32>} : memref<256xi32, #tpu.memory_space<vmem>>, vector<16xi32>,
      %swap3A_708 = arith.constant 48 : index
      %swap3A_709 = tpu.vector_load %arg19[%swap3A_708] {strides = array<i32>} : memref<128xi32, #tpu.memory_space<vmem>>, vector<16xi32>,
      tpu.vector_store %arg19[%swap3A_708], %get3A_707 {strides = array<i32>} : memref<128xi32, #tpu.memory_space<vmem>>, vector<16xi32>,
      tpu.vector_store_idx %arg20[%get3A_707], %broadcast_in_dim3A_14 {add = true} : memref<10240xf32, #tpu.memory_space<vmem>>[vector<16xi32>], vector<16xf32>,
      %get3A_710 = arith.constant 192 : index
      %get3A_711 = tpu.vector_load %arg13[%get3A_710] {strides = array<i32>} : memref<256xi32, #tpu.memory_space<vmem>>, vector<16xi32>,
      %swap3A_712 = arith.constant 64 : index
      %swap3A_713 = tpu.vector_load %arg19[%swap3A_712] {strides = array<i32>} : memref<128xi32, #tpu.memory_space<vmem>>, vector<16xi32>,
      tpu.vector_store %arg19[%swap3A_712], %get3A_711 {strides = array<i32>} : memref<128xi32, #tpu.memory_space<vmem>>, vector<16xi32>,
      tpu.vector_store_idx %arg20[%get3A_711], %broadcast_in_dim3A_14 {add = true} : memref<10240xf32, #tpu.memory_space<vmem>>[vector<16xi32>], vector<16xf32>,
      %get3A_714 = arith.constant 208 : index
      %get3A_715 = tpu.vector_load %arg13[%get3A_714] {strides = array<i32>} : memref<256xi32, #tpu.memory_space<vmem>>, vector<16xi32>,
      %swap3A_716 = arith.constant 80 : index
      %swap3A_717 = tpu.vector_load %arg19[%swap3A_716] {strides = array<i32>} : memref<128xi32, #tpu.memory_space<vmem>>, vector<16xi32>,
      tpu.vector_store %arg19[%swap3A_716], %get3A_715 {strides = array<i32>} : memref<128xi32, #tpu.memory_space<vmem>>, vector<16xi32>,
      tpu.vector_store_idx %arg20[%get3A_715], %broadcast_in_dim3A_14 {add = true} : memref<10240xf32, #tpu.memory_space<vmem>>[vector<16xi32>], vector<16xf32>,
      %get3A_718 = arith.constant 224 : index
      %get3A_719 = tpu.vector_load %arg13[%get3A_718] {strides = array<i32>} : memref<256xi32, #tpu.memory_space<vmem>>, vector<16xi32>,
      %swap3A_720 = arith.constant 96 : index
      %swap3A_721 = tpu.vector_load %arg19[%swap3A_720] {strides = array<i32>} : memref<128xi32, #tpu.memory_space<vmem>>, vector<16xi32>,
      tpu.vector_store %arg19[%swap3A_720], %get3A_719 {strides = array<i32>} : memref<128xi32, #tpu.memory_space<vmem>>, vector<16xi32>,
      tpu.vector_store_idx %arg20[%get3A_719], %broadcast_in_dim3A_14 {add = true} : memref<10240xf32, #tpu.memory_space<vmem>>[vector<16xi32>], vector<16xf32>,
      %get3A_722 = arith.constant 240 : index
      %get3A_723 = tpu.vector_load %arg13[%get3A_722] {strides = array<i32>} : memref<256xi32, #tpu.memory_space<vmem>>, vector<16xi32>,
      %swap3A_724 = arith.constant 112 : index
      %swap3A_725 = tpu.vector_load %arg19[%swap3A_724] {strides = array<i32>} : memref<128xi32, #tpu.memory_space<vmem>>, vector<16xi32>,
      tpu.vector_store %arg19[%swap3A_724], %get3A_723 {strides = array<i32>} : memref<128xi32, #tpu.memory_space<vmem>>, vector<16xi32>,
      tpu.vector_store_idx %arg20[%get3A_723], %broadcast_in_dim3A_14 {add = true} : memref<10240xf32, #tpu.memory_space<vmem>>[vector<16xi32>], vector<16xf32>,
      %dma_start3A_726 = arith.constant 0 : i32
      %dma_start3A_727 = arith.constant 0 : i32
      %dma_start3A_728 = tpu.memref_slice %arg23[%dma_start3A_726, %dma_start3A_727] : memref<10240x128xf32, #tpu.memory_space<vmem_shared>> -> memref<10240x128xf32, #tpu.memory_space<vmem_shared>>
      tpu.enqueue_indirect_dma source(%arg17 : memref<128x128xf32, #tpu.memory_space<vmem>>) target(%dma_start3A_728 : memref<10240x128xf32, #tpu.memory_space<vmem_shared>>) offsets(%arg19 : memref<128xi32, #tpu.memory_space<vmem>>) semaphore(%arg35 : memref<!tpu.dma_semaphore, #tpu.memory_space<semaphore_mem>>) {add = true}
      %mul3A_729 = arith.constant 8 : i32
      %mul3A_730 = arith.muli %scan3A_300, %mul3A_729 : i32
      %add3A_731 = arith.constant 6 : i32
      %add3A_732 = arith.addi %mul3A_730, %add3A_731 : i32
      %add3A_733 = arith.constant 8 : i32
      %add3A_734 = arith.addi %add3A_732, %add3A_733 : i32
      %sub3A_735 = arith.constant 1 : i32
      %sub3A_736 = arith.subi %add3A_734, %sub3A_735 : i32
      %add3A_737 = arith.addi %mul3A_2, %sub3A_736 : i32
      %dma_start3A_738 = arith.constant 0 : i32
      %dma_start3A_739 = tpu.memref_slice %arg3[%add3A_737, %dma_start3A_738] : memref<2568x256xi32, #tpu.memory_space<hbm>> -> memref<1x256xi32, #tpu.memory_space<hbm>>
      %dma_start3A_740 = tpu.memref_squeeze %dma_start3A_739 : memref<1x256xi32, #tpu.memory_space<hbm>> -> memref<256xi32, #tpu.memory_space<hbm>>
      %dma_start3A_741 = arith.constant 0 : i32
      %dma_start3A_742 = tpu.memref_slice %arg3[%add3A_737, %dma_start3A_741] : memref<2568x256xi32, #tpu.memory_space<hbm>> -> memref<1x256xi32, #tpu.memory_space<hbm>>
      %dma_start3A_743 = tpu.memref_squeeze %dma_start3A_742 : memref<1x256xi32, #tpu.memory_space<hbm>> -> memref<256xi32, #tpu.memory_space<hbm>>
      tpu.enqueue_dma source(%dma_start3A_743 : memref<256xi32, #tpu.memory_space<hbm>>) target(%arg13 : memref<256xi32, #tpu.memory_space<vmem>>) target_semaphore(%arg29 : memref<!tpu.dma_semaphore, #tpu.memory_space<semaphore_mem>>)
      %dma_wait3A_744 = arith.constant 0 : i32
      %dma_wait3A_745 = arith.constant 0 : i32
      %dma_wait3A_746 = tpu.memref_slice %arg23[%dma_wait3A_744, %dma_wait3A_745] : memref<10240x128xf32, #tpu.memory_space<vmem_shared>> -> memref<10240x128xf32, #tpu.memory_space<vmem_shared>>
      tpu.wait_indirect_dma semaphore(%arg35 : memref<!tpu.dma_semaphore, #tpu.memory_space<semaphore_mem>>) src(%arg17 : memref<128x128xf32, #tpu.memory_space<vmem>>) dst(%dma_wait3A_746 : memref<10240x128xf32, #tpu.memory_space<vmem_shared>>)
      %add3A_747 = arith.constant 1 : i32
      %add3A_748 = arith.addi %add3A_732, %add3A_747 : i32
      %add3A_749 = arith.addi %mul3A_2, %add3A_748 : i32
      %dma_wait3A_750 = arith.constant 0 : i32
      %dma_wait3A_751 = tpu.memref_slice %arg3[%add3A_749, %dma_wait3A_750] : memref<2568x256xi32, #tpu.memory_space<hbm>> -> memref<1x256xi32, #tpu.memory_space<hbm>>
      %dma_wait3A_752 = tpu.memref_squeeze %dma_wait3A_751 : memref<1x256xi32, #tpu.memory_space<hbm>> -> memref<256xi32, #tpu.memory_space<hbm>>
      %dma_wait3A_753 = arith.constant 0 : i32
      %dma_wait3A_754 = tpu.memref_slice %arg3[%add3A_749, %dma_wait3A_753] : memref<2568x256xi32, #tpu.memory_space<hbm>> -> memref<1x256xi32, #tpu.memory_space<hbm>>
      %dma_wait3A_755 = tpu.memref_squeeze %dma_wait3A_754 : memref<1x256xi32, #tpu.memory_space<hbm>> -> memref<256xi32, #tpu.memory_space<hbm>>
      tpu.wait_dma2 semaphore(%arg31 : memref<!tpu.dma_semaphore, #tpu.memory_space<semaphore_mem>>) src(%dma_wait3A_755 : memref<256xi32, #tpu.memory_space<hbm>>) dst(%arg15 : memref<256xi32, #tpu.memory_space<vmem>>)
      %dma_start3A_756 = arith.constant 0 : i32
      %dma_start3A_757 = tpu.memref_slice %arg15[%dma_start3A_756] : memref<256xi32, #tpu.memory_space<vmem>> -> memref<128xi32, #tpu.memory_space<vmem>>
      %dma_start3A_758 = arith.constant 0 : i32
      %dma_start3A_759 = arith.constant 0 : i32
      %dma_start3A_760 = tpu.memref_slice %arg2[%dma_start3A_758, %dma_start3A_759] : memref<10000x128xf32, #tpu.memory_space<hbm>> -> memref<10000x128xf32, #tpu.memory_space<hbm>>
      tpu.enqueue_indirect_dma source(%dma_start3A_760 : memref<10000x128xf32, #tpu.memory_space<hbm>>) target(%arg17 : memref<128x128xf32, #tpu.memory_space<vmem>>) offsets(%dma_start3A_757 : memref<128xi32, #tpu.memory_space<vmem>>) semaphore(%arg33 : memref<!tpu.dma_semaphore, #tpu.memory_space<semaphore_mem>>)
      %dma_wait3A_761 = arith.constant 0 : i32
      %dma_wait3A_762 = tpu.memref_slice %arg14[%dma_wait3A_761] : memref<256xi32, #tpu.memory_space<vmem>> -> memref<128xi32, #tpu.memory_space<vmem>>
      %dma_wait3A_763 = arith.constant 0 : i32
      %dma_wait3A_764 = arith.constant 0 : i32
      %dma_wait3A_765 = tpu.memref_slice %arg2[%dma_wait3A_763, %dma_wait3A_764] : memref<10000x128xf32, #tpu.memory_space<hbm>> -> memref<10000x128xf32, #tpu.memory_space<hbm>>
      tpu.wait_indirect_dma semaphore(%arg32 : memref<!tpu.dma_semaphore, #tpu.memory_space<semaphore_mem>>) src(%dma_wait3A_765 : memref<10000x128xf32, #tpu.memory_space<hbm>>) dst(%arg16 : memref<128x128xf32, #tpu.memory_space<vmem>>)
      %get3A_766 = arith.constant 128 : index
      %get3A_767 = tpu.vector_load %arg14[%get3A_766] {strides = array<i32>} : memref<256xi32, #tpu.memory_space<vmem>>, vector<16xi32>,
      %swap3A_768 = arith.constant 0 : index
      %swap3A_769 = tpu.vector_load %arg18[%swap3A_768] {strides = array<i32>} : memref<128xi32, #tpu.memory_space<vmem>>, vector<16xi32>,
      tpu.vector_store %arg18[%swap3A_768], %get3A_767 {strides = array<i32>} : memref<128xi32, #tpu.memory_space<vmem>>, vector<16xi32>,
      tpu.vector_store_idx %arg20[%get3A_767], %broadcast_in_dim3A_14 {add = true} : memref<10240xf32, #tpu.memory_space<vmem>>[vector<16xi32>], vector<16xf32>,
      %get3A_770 = arith.constant 144 : index
      %get3A_771 = tpu.vector_load %arg14[%get3A_770] {strides = array<i32>} : memref<256xi32, #tpu.memory_space<vmem>>, vector<16xi32>,
      %swap3A_772 = arith.constant 16 : index
      %swap3A_773 = tpu.vector_load %arg18[%swap3A_772] {strides = array<i32>} : memref<128xi32, #tpu.memory_space<vmem>>, vector<16xi32>,
      tpu.vector_store %arg18[%swap3A_772], %get3A_771 {strides = array<i32>} : memref<128xi32, #tpu.memory_space<vmem>>, vector<16xi32>,
      tpu.vector_store_idx %arg20[%get3A_771], %broadcast_in_dim3A_14 {add = true} : memref<10240xf32, #tpu.memory_space<vmem>>[vector<16xi32>], vector<16xf32>,
      %get3A_774 = arith.constant 160 : index
      %get3A_775 = tpu.vector_load %arg14[%get3A_774] {strides = array<i32>} : memref<256xi32, #tpu.memory_space<vmem>>, vector<16xi32>,
      %swap3A_776 = arith.constant 32 : index
      %swap3A_777 = tpu.vector_load %arg18[%swap3A_776] {strides = array<i32>} : memref<128xi32, #tpu.memory_space<vmem>>, vector<16xi32>,
      tpu.vector_store %arg18[%swap3A_776], %get3A_775 {strides = array<i32>} : memref<128xi32, #tpu.memory_space<vmem>>, vector<16xi32>,
      tpu.vector_store_idx %arg20[%get3A_775], %broadcast_in_dim3A_14 {add = true} : memref<10240xf32, #tpu.memory_space<vmem>>[vector<16xi32>], vector<16xf32>,
      %get3A_778 = arith.constant 176 : index
      %get3A_779 = tpu.vector_load %arg14[%get3A_778] {strides = array<i32>} : memref<256xi32, #tpu.memory_space<vmem>>, vector<16xi32>,
      %swap3A_780 = arith.constant 48 : index
      %swap3A_781 = tpu.vector_load %arg18[%swap3A_780] {strides = array<i32>} : memref<128xi32, #tpu.memory_space<vmem>>, vector<16xi32>,
      tpu.vector_store %arg18[%swap3A_780], %get3A_779 {strides = array<i32>} : memref<128xi32, #tpu.memory_space<vmem>>, vector<16xi32>,
      tpu.vector_store_idx %arg20[%get3A_779], %broadcast_in_dim3A_14 {add = true} : memref<10240xf32, #tpu.memory_space<vmem>>[vector<16xi32>], vector<16xf32>,
      %get3A_782 = arith.constant 192 : index
      %get3A_783 = tpu.vector_load %arg14[%get3A_782] {strides = array<i32>} : memref<256xi32, #tpu.memory_space<vmem>>, vector<16xi32>,
      %swap3A_784 = arith.constant 64 : index
      %swap3A_785 = tpu.vector_load %arg18[%swap3A_784] {strides = array<i32>} : memref<128xi32, #tpu.memory_space<vmem>>, vector<16xi32>,
      tpu.vector_store %arg18[%swap3A_784], %get3A_783 {strides = array<i32>} : memref<128xi32, #tpu.memory_space<vmem>>, vector<16xi32>,
      tpu.vector_store_idx %arg20[%get3A_783], %broadcast_in_dim3A_14 {add = true} : memref<10240xf32, #tpu.memory_space<vmem>>[vector<16xi32>], vector<16xf32>,
      %get3A_786 = arith.constant 208 : index
      %get3A_787 = tpu.vector_load %arg14[%get3A_786] {strides = array<i32>} : memref<256xi32, #tpu.memory_space<vmem>>, vector<16xi32>,
      %swap3A_788 = arith.constant 80 : index
      %swap3A_789 = tpu.vector_load %arg18[%swap3A_788] {strides = array<i32>} : memref<128xi32, #tpu.memory_space<vmem>>, vector<16xi32>,
      tpu.vector_store %arg18[%swap3A_788], %get3A_787 {strides = array<i32>} : memref<128xi32, #tpu.memory_space<vmem>>, vector<16xi32>,
      tpu.vector_store_idx %arg20[%get3A_787], %broadcast_in_dim3A_14 {add = true} : memref<10240xf32, #tpu.memory_space<vmem>>[vector<16xi32>], vector<16xf32>,
      %get3A_790 = arith.constant 224 : index
      %get3A_791 = tpu.vector_load %arg14[%get3A_790] {strides = array<i32>} : memref<256xi32, #tpu.memory_space<vmem>>, vector<16xi32>,
      %swap3A_792 = arith.constant 96 : index
      %swap3A_793 = tpu.vector_load %arg18[%swap3A_792] {strides = array<i32>} : memref<128xi32, #tpu.memory_space<vmem>>, vector<16xi32>,
      tpu.vector_store %arg18[%swap3A_792], %get3A_791 {strides = array<i32>} : memref<128xi32, #tpu.memory_space<vmem>>, vector<16xi32>,
      tpu.vector_store_idx %arg20[%get3A_791], %broadcast_in_dim3A_14 {add = true} : memref<10240xf32, #tpu.memory_space<vmem>>[vector<16xi32>], vector<16xf32>,
      %get3A_794 = arith.constant 240 : index
      %get3A_795 = tpu.vector_load %arg14[%get3A_794] {strides = array<i32>} : memref<256xi32, #tpu.memory_space<vmem>>, vector<16xi32>,
      %swap3A_796 = arith.constant 112 : index
      %swap3A_797 = tpu.vector_load %arg18[%swap3A_796] {strides = array<i32>} : memref<128xi32, #tpu.memory_space<vmem>>, vector<16xi32>,
      tpu.vector_store %arg18[%swap3A_796], %get3A_795 {strides = array<i32>} : memref<128xi32, #tpu.memory_space<vmem>>, vector<16xi32>,
      tpu.vector_store_idx %arg20[%get3A_795], %broadcast_in_dim3A_14 {add = true} : memref<10240xf32, #tpu.memory_space<vmem>>[vector<16xi32>], vector<16xf32>,
      %dma_start3A_798 = arith.constant 0 : i32
      %dma_start3A_799 = arith.constant 0 : i32
      %dma_start3A_800 = tpu.memref_slice %arg23[%dma_start3A_798, %dma_start3A_799] : memref<10240x128xf32, #tpu.memory_space<vmem_shared>> -> memref<10240x128xf32, #tpu.memory_space<vmem_shared>>
      tpu.enqueue_indirect_dma source(%arg16 : memref<128x128xf32, #tpu.memory_space<vmem>>) target(%dma_start3A_800 : memref<10240x128xf32, #tpu.memory_space<vmem_shared>>) offsets(%arg18 : memref<128xi32, #tpu.memory_space<vmem>>) semaphore(%arg34 : memref<!tpu.dma_semaphore, #tpu.memory_space<semaphore_mem>>) {add = true}
      %mul3A_801 = arith.constant 8 : i32
      %mul3A_802 = arith.muli %scan3A_300, %mul3A_801 : i32
      %add3A_803 = arith.constant 7 : i32
      %add3A_804 = arith.addi %mul3A_802, %add3A_803 : i32
      %add3A_805 = arith.constant 8 : i32
      %add3A_806 = arith.addi %add3A_804, %add3A_805 : i32
      %sub3A_807 = arith.constant 1 : i32
      %sub3A_808 = arith.subi %add3A_806, %sub3A_807 : i32
      %add3A_809 = arith.addi %mul3A_2, %sub3A_808 : i32
      %dma_start3A_810 = arith.constant 0 : i32
      %dma_start3A_811 = tpu.memref_slice %arg3[%add3A_809, %dma_start3A_810] : memref<2568x256xi32, #tpu.memory_space<hbm>> -> memref<1x256xi32, #tpu.memory_space<hbm>>
      %dma_start3A_812 = tpu.memref_squeeze %dma_start3A_811 : memref<1x256xi32, #tpu.memory_space<hbm>> -> memref<256xi32, #tpu.memory_space<hbm>>
      %dma_start3A_813 = arith.constant 0 : i32
      %dma_start3A_814 = tpu.memref_slice %arg3[%add3A_809, %dma_start3A_813] : memref<2568x256xi32, #tpu.memory_space<hbm>> -> memref<1x256xi32, #tpu.memory_space<hbm>>
      %dma_start3A_815 = tpu.memref_squeeze %dma_start3A_814 : memref<1x256xi32, #tpu.memory_space<hbm>> -> memref<256xi32, #tpu.memory_space<hbm>>
      tpu.enqueue_dma source(%dma_start3A_815 : memref<256xi32, #tpu.memory_space<hbm>>) target(%arg14 : memref<256xi32, #tpu.memory_space<vmem>>) target_semaphore(%arg30 : memref<!tpu.dma_semaphore, #tpu.memory_space<semaphore_mem>>)
      %dma_wait3A_816 = arith.constant 0 : i32
      %dma_wait3A_817 = arith.constant 0 : i32
      %dma_wait3A_818 = tpu.memref_slice %arg23[%dma_wait3A_816, %dma_wait3A_817] : memref<10240x128xf32, #tpu.memory_space<vmem_shared>> -> memref<10240x128xf32, #tpu.memory_space<vmem_shared>>
      tpu.wait_indirect_dma semaphore(%arg34 : memref<!tpu.dma_semaphore, #tpu.memory_space<semaphore_mem>>) src(%arg16 : memref<128x128xf32, #tpu.memory_space<vmem>>) dst(%dma_wait3A_818 : memref<10240x128xf32, #tpu.memory_space<vmem_shared>>)
      %add3A_819 = arith.constant 1 : i32
      %add3A_820 = arith.addi %add3A_804, %add3A_819 : i32
      %add3A_821 = arith.addi %mul3A_2, %add3A_820 : i32
      %dma_wait3A_822 = arith.constant 0 : i32
      %dma_wait3A_823 = tpu.memref_slice %arg3[%add3A_821, %dma_wait3A_822] : memref<2568x256xi32, #tpu.memory_space<hbm>> -> memref<1x256xi32, #tpu.memory_space<hbm>>
      %dma_wait3A_824 = tpu.memref_squeeze %dma_wait3A_823 : memref<1x256xi32, #tpu.memory_space<hbm>> -> memref<256xi32, #tpu.memory_space<hbm>>
      %dma_wait3A_825 = arith.constant 0 : i32
      %dma_wait3A_826 = tpu.memref_slice %arg3[%add3A_821, %dma_wait3A_825] : memref<2568x256xi32, #tpu.memory_space<hbm>> -> memref<1x256xi32, #tpu.memory_space<hbm>>
      %dma_wait3A_827 = tpu.memref_squeeze %dma_wait3A_826 : memref<1x256xi32, #tpu.memory_space<hbm>> -> memref<256xi32, #tpu.memory_space<hbm>>
      tpu.wait_dma2 semaphore(%arg24 : memref<!tpu.dma_semaphore, #tpu.memory_space<semaphore_mem>>) src(%dma_wait3A_827 : memref<256xi32, #tpu.memory_space<hbm>>) dst(%arg8 : memref<256xi32, #tpu.memory_space<vmem>>)
      %dma_start3A_828 = arith.constant 0 : i32
      %dma_start3A_829 = tpu.memref_slice %arg8[%dma_start3A_828] : memref<256xi32, #tpu.memory_space<vmem>> -> memref<128xi32, #tpu.memory_space<vmem>>
      %dma_start3A_830 = arith.constant 0 : i32
      %dma_start3A_831 = arith.constant 0 : i32
      %dma_start3A_832 = tpu.memref_slice %arg2[%dma_start3A_830, %dma_start3A_831] : memref<10000x128xf32, #tpu.memory_space<hbm>> -> memref<10000x128xf32, #tpu.memory_space<hbm>>
      tpu.enqueue_indirect_dma source(%dma_start3A_832 : memref<10000x128xf32, #tpu.memory_space<hbm>>) target(%arg16 : memref<128x128xf32, #tpu.memory_space<vmem>>) offsets(%dma_start3A_829 : memref<128xi32, #tpu.memory_space<vmem>>) semaphore(%arg32 : memref<!tpu.dma_semaphore, #tpu.memory_space<semaphore_mem>>)
      %dma_wait3A_833 = arith.constant 0 : i32
      %dma_wait3A_834 = tpu.memref_slice %arg15[%dma_wait3A_833] : memref<256xi32, #tpu.memory_space<vmem>> -> memref<128xi32, #tpu.memory_space<vmem>>
      %dma_wait3A_835 = arith.constant 0 : i32
      %dma_wait3A_836 = arith.constant 0 : i32
      %dma_wait3A_837 = tpu.memref_slice %arg2[%dma_wait3A_835, %dma_wait3A_836] : memref<10000x128xf32, #tpu.memory_space<hbm>> -> memref<10000x128xf32, #tpu.memory_space<hbm>>
      tpu.wait_indirect_dma semaphore(%arg33 : memref<!tpu.dma_semaphore, #tpu.memory_space<semaphore_mem>>) src(%dma_wait3A_837 : memref<10000x128xf32, #tpu.memory_space<hbm>>) dst(%arg17 : memref<128x128xf32, #tpu.memory_space<vmem>>)
      %get3A_838 = arith.constant 128 : index
      %get3A_839 = tpu.vector_load %arg15[%get3A_838] {strides = array<i32>} : memref<256xi32, #tpu.memory_space<vmem>>, vector<16xi32>,
      %swap3A_840 = arith.constant 0 : index
      %swap3A_841 = tpu.vector_load %arg19[%swap3A_840] {strides = array<i32>} : memref<128xi32, #tpu.memory_space<vmem>>, vector<16xi32>,
      tpu.vector_store %arg19[%swap3A_840], %get3A_839 {strides = array<i32>} : memref<128xi32, #tpu.memory_space<vmem>>, vector<16xi32>,
      tpu.vector_store_idx %arg20[%get3A_839], %broadcast_in_dim3A_14 {add = true} : memref<10240xf32, #tpu.memory_space<vmem>>[vector<16xi32>], vector<16xf32>,
      %get3A_842 = arith.constant 144 : index
      %get3A_843 = tpu.vector_load %arg15[%get3A_842] {strides = array<i32>} : memref<256xi32, #tpu.memory_space<vmem>>, vector<16xi32>,
      %swap3A_844 = arith.constant 16 : index
      %swap3A_845 = tpu.vector_load %arg19[%swap3A_844] {strides = array<i32>} : memref<128xi32, #tpu.memory_space<vmem>>, vector<16xi32>,
      tpu.vector_store %arg19[%swap3A_844], %get3A_843 {strides = array<i32>} : memref<128xi32, #tpu.memory_space<vmem>>, vector<16xi32>,
      tpu.vector_store_idx %arg20[%get3A_843], %broadcast_in_dim3A_14 {add = true} : memref<10240xf32, #tpu.memory_space<vmem>>[vector<16xi32>], vector<16xf32>,
      %get3A_846 = arith.constant 160 : index
      %get3A_847 = tpu.vector_load %arg15[%get3A_846] {strides = array<i32>} : memref<256xi32, #tpu.memory_space<vmem>>, vector<16xi32>,
      %swap3A_848 = arith.constant 32 : index
      %swap3A_849 = tpu.vector_load %arg19[%swap3A_848] {strides = array<i32>} : memref<128xi32, #tpu.memory_space<vmem>>, vector<16xi32>,
      tpu.vector_store %arg19[%swap3A_848], %get3A_847 {strides = array<i32>} : memref<128xi32, #tpu.memory_space<vmem>>, vector<16xi32>,
      tpu.vector_store_idx %arg20[%get3A_847], %broadcast_in_dim3A_14 {add = true} : memref<10240xf32, #tpu.memory_space<vmem>>[vector<16xi32>], vector<16xf32>,
      %get3A_850 = arith.constant 176 : index
      %get3A_851 = tpu.vector_load %arg15[%get3A_850] {strides = array<i32>} : memref<256xi32, #tpu.memory_space<vmem>>, vector<16xi32>,
      %swap3A_852 = arith.constant 48 : index
      %swap3A_853 = tpu.vector_load %arg19[%swap3A_852] {strides = array<i32>} : memref<128xi32, #tpu.memory_space<vmem>>, vector<16xi32>,
      tpu.vector_store %arg19[%swap3A_852], %get3A_851 {strides = array<i32>} : memref<128xi32, #tpu.memory_space<vmem>>, vector<16xi32>,
      tpu.vector_store_idx %arg20[%get3A_851], %broadcast_in_dim3A_14 {add = true} : memref<10240xf32, #tpu.memory_space<vmem>>[vector<16xi32>], vector<16xf32>,
      %get3A_854 = arith.constant 192 : index
      %get3A_855 = tpu.vector_load %arg15[%get3A_854] {strides = array<i32>} : memref<256xi32, #tpu.memory_space<vmem>>, vector<16xi32>,
      %swap3A_856 = arith.constant 64 : index
      %swap3A_857 = tpu.vector_load %arg19[%swap3A_856] {strides = array<i32>} : memref<128xi32, #tpu.memory_space<vmem>>, vector<16xi32>,
      tpu.vector_store %arg19[%swap3A_856], %get3A_855 {strides = array<i32>} : memref<128xi32, #tpu.memory_space<vmem>>, vector<16xi32>,
      tpu.vector_store_idx %arg20[%get3A_855], %broadcast_in_dim3A_14 {add = true} : memref<10240xf32, #tpu.memory_space<vmem>>[vector<16xi32>], vector<16xf32>,
      %get3A_858 = arith.constant 208 : index
      %get3A_859 = tpu.vector_load %arg15[%get3A_858] {strides = array<i32>} : memref<256xi32, #tpu.memory_space<vmem>>, vector<16xi32>,
      %swap3A_860 = arith.constant 80 : index
      %swap3A_861 = tpu.vector_load %arg19[%swap3A_860] {strides = array<i32>} : memref<128xi32, #tpu.memory_space<vmem>>, vector<16xi32>,
      tpu.vector_store %arg19[%swap3A_860], %get3A_859 {strides = array<i32>} : memref<128xi32, #tpu.memory_space<vmem>>, vector<16xi32>,
      tpu.vector_store_idx %arg20[%get3A_859], %broadcast_in_dim3A_14 {add = true} : memref<10240xf32, #tpu.memory_space<vmem>>[vector<16xi32>], vector<16xf32>,
      %get3A_862 = arith.constant 224 : index
      %get3A_863 = tpu.vector_load %arg15[%get3A_862] {strides = array<i32>} : memref<256xi32, #tpu.memory_space<vmem>>, vector<16xi32>,
      %swap3A_864 = arith.constant 96 : index
      %swap3A_865 = tpu.vector_load %arg19[%swap3A_864] {strides = array<i32>} : memref<128xi32, #tpu.memory_space<vmem>>, vector<16xi32>,
      tpu.vector_store %arg19[%swap3A_864], %get3A_863 {strides = array<i32>} : memref<128xi32, #tpu.memory_space<vmem>>, vector<16xi32>,
      tpu.vector_store_idx %arg20[%get3A_863], %broadcast_in_dim3A_14 {add = true} : memref<10240xf32, #tpu.memory_space<vmem>>[vector<16xi32>], vector<16xf32>,
      %get3A_866 = arith.constant 240 : index
      %get3A_867 = tpu.vector_load %arg15[%get3A_866] {strides = array<i32>} : memref<256xi32, #tpu.memory_space<vmem>>, vector<16xi32>,
      %swap3A_868 = arith.constant 112 : index
      %swap3A_869 = tpu.vector_load %arg19[%swap3A_868] {strides = array<i32>} : memref<128xi32, #tpu.memory_space<vmem>>, vector<16xi32>,
      tpu.vector_store %arg19[%swap3A_868], %get3A_867 {strides = array<i32>} : memref<128xi32, #tpu.memory_space<vmem>>, vector<16xi32>,
      tpu.vector_store_idx %arg20[%get3A_867], %broadcast_in_dim3A_14 {add = true} : memref<10240xf32, #tpu.memory_space<vmem>>[vector<16xi32>], vector<16xf32>,
      %dma_start3A_870 = arith.constant 0 : i32
      %dma_start3A_871 = arith.constant 0 : i32
      %dma_start3A_872 = tpu.memref_slice %arg23[%dma_start3A_870, %dma_start3A_871] : memref<10240x128xf32, #tpu.memory_space<vmem_shared>> -> memref<10240x128xf32, #tpu.memory_space<vmem_shared>>
      tpu.enqueue_indirect_dma source(%arg17 : memref<128x128xf32, #tpu.memory_space<vmem>>) target(%dma_start3A_872 : memref<10240x128xf32, #tpu.memory_space<vmem_shared>>) offsets(%arg19 : memref<128xi32, #tpu.memory_space<vmem>>) semaphore(%arg35 : memref<!tpu.dma_semaphore, #tpu.memory_space<semaphore_mem>>) {add = true}
    }
    %scan3A_87 = arith.constant 10 : i32
    %dma_wait3A_88 = arith.constant 0 : i32
    %dma_wait3A_89 = tpu.memref_slice %arg8[%dma_wait3A_88] : memref<256xi32, #tpu.memory_space<vmem>> -> memref<128xi32, #tpu.memory_space<vmem>>
    %dma_wait3A_90 = arith.constant 0 : i32
    %dma_wait3A_91 = arith.constant 0 : i32
    %dma_wait3A_92 = tpu.memref_slice %arg2[%dma_wait3A_90, %dma_wait3A_91] : memref<10000x128xf32, #tpu.memory_space<hbm>> -> memref<10000x128xf32, #tpu.memory_space<hbm>>
    tpu.wait_indirect_dma semaphore(%arg32 : memref<!tpu.dma_semaphore, #tpu.memory_space<semaphore_mem>>) src(%dma_wait3A_92 : memref<10000x128xf32, #tpu.memory_space<hbm>>) dst(%arg16 : memref<128x128xf32, #tpu.memory_space<vmem>>)
    %add3A_93 = arith.constant 81 : i32
    %add3A_94 = arith.addi %mul3A_2, %add3A_93 : i32
    %dma_wait3A_95 = arith.constant 0 : i32
    %dma_wait3A_96 = tpu.memref_slice %arg3[%add3A_94, %dma_wait3A_95] : memref<2568x256xi32, #tpu.memory_space<hbm>> -> memref<1x256xi32, #tpu.memory_space<hbm>>
    %dma_wait3A_97 = tpu.memref_squeeze %dma_wait3A_96 : memref<1x256xi32, #tpu.memory_space<hbm>> -> memref<256xi32, #tpu.memory_space<hbm>>
    %dma_wait3A_98 = arith.constant 0 : i32
    %dma_wait3A_99 = tpu.memref_slice %arg3[%add3A_94, %dma_wait3A_98] : memref<2568x256xi32, #tpu.memory_space<hbm>> -> memref<1x256xi32, #tpu.memory_space<hbm>>
    %dma_wait3A_100 = tpu.memref_squeeze %dma_wait3A_99 : memref<1x256xi32, #tpu.memory_space<hbm>> -> memref<256xi32, #tpu.memory_space<hbm>>
    tpu.wait_dma2 semaphore(%arg25 : memref<!tpu.dma_semaphore, #tpu.memory_space<semaphore_mem>>) src(%dma_wait3A_100 : memref<256xi32, #tpu.memory_space<hbm>>) dst(%arg9 : memref<256xi32, #tpu.memory_space<vmem>>)
    %add3A_101 = arith.constant 82 : i32
    %add3A_102 = arith.addi %mul3A_2, %add3A_101 : i32
    %dma_wait3A_103 = arith.constant 0 : i32
    %dma_wait3A_104 = tpu.memref_slice %arg3[%add3A_102, %dma_wait3A_103] : memref<2568x256xi32, #tpu.memory_space<hbm>> -> memref<1x256xi32, #tpu.memory_space<hbm>>
    %dma_wait3A_105 = tpu.memref_squeeze %dma_wait3A_104 : memref<1x256xi32, #tpu.memory_space<hbm>> -> memref<256xi32, #tpu.memory_space<hbm>>
    %dma_wait3A_106 = arith.constant 0 : i32
    %dma_wait3A_107 = tpu.memref_slice %arg3[%add3A_102, %dma_wait3A_106] : memref<2568x256xi32, #tpu.memory_space<hbm>> -> memref<1x256xi32, #tpu.memory_space<hbm>>
    %dma_wait3A_108 = tpu.memref_squeeze %dma_wait3A_107 : memref<1x256xi32, #tpu.memory_space<hbm>> -> memref<256xi32, #tpu.memory_space<hbm>>
    tpu.wait_dma2 semaphore(%arg26 : memref<!tpu.dma_semaphore, #tpu.memory_space<semaphore_mem>>) src(%dma_wait3A_108 : memref<256xi32, #tpu.memory_space<hbm>>) dst(%arg10 : memref<256xi32, #tpu.memory_space<vmem>>)
    %add3A_109 = arith.constant 83 : i32
    %add3A_110 = arith.addi %mul3A_2, %add3A_109 : i32
    %dma_wait3A_111 = arith.constant 0 : i32
    %dma_wait3A_112 = tpu.memref_slice %arg3[%add3A_110, %dma_wait3A_111] : memref<2568x256xi32, #tpu.memory_space<hbm>> -> memref<1x256xi32, #tpu.memory_space<hbm>>
    %dma_wait3A_113 = tpu.memref_squeeze %dma_wait3A_112 : memref<1x256xi32, #tpu.memory_space<hbm>> -> memref<256xi32, #tpu.memory_space<hbm>>
    %dma_wait3A_114 = arith.constant 0 : i32
    %dma_wait3A_115 = tpu.memref_slice %arg3[%add3A_110, %dma_wait3A_114] : memref<2568x256xi32, #tpu.memory_space<hbm>> -> memref<1x256xi32, #tpu.memory_space<hbm>>
    %dma_wait3A_116 = tpu.memref_squeeze %dma_wait3A_115 : memref<1x256xi32, #tpu.memory_space<hbm>> -> memref<256xi32, #tpu.memory_space<hbm>>
    tpu.wait_dma2 semaphore(%arg27 : memref<!tpu.dma_semaphore, #tpu.memory_space<semaphore_mem>>) src(%dma_wait3A_116 : memref<256xi32, #tpu.memory_space<hbm>>) dst(%arg11 : memref<256xi32, #tpu.memory_space<vmem>>)
    %add3A_117 = arith.constant 84 : i32
    %add3A_118 = arith.addi %mul3A_2, %add3A_117 : i32
    %dma_wait3A_119 = arith.constant 0 : i32
    %dma_wait3A_120 = tpu.memref_slice %arg3[%add3A_118, %dma_wait3A_119] : memref<2568x256xi32, #tpu.memory_space<hbm>> -> memref<1x256xi32, #tpu.memory_space<hbm>>
    %dma_wait3A_121 = tpu.memref_squeeze %dma_wait3A_120 : memref<1x256xi32, #tpu.memory_space<hbm>> -> memref<256xi32, #tpu.memory_space<hbm>>
    %dma_wait3A_122 = arith.constant 0 : i32
    %dma_wait3A_123 = tpu.memref_slice %arg3[%add3A_118, %dma_wait3A_122] : memref<2568x256xi32, #tpu.memory_space<hbm>> -> memref<1x256xi32, #tpu.memory_space<hbm>>
    %dma_wait3A_124 = tpu.memref_squeeze %dma_wait3A_123 : memref<1x256xi32, #tpu.memory_space<hbm>> -> memref<256xi32, #tpu.memory_space<hbm>>
    tpu.wait_dma2 semaphore(%arg28 : memref<!tpu.dma_semaphore, #tpu.memory_space<semaphore_mem>>) src(%dma_wait3A_124 : memref<256xi32, #tpu.memory_space<hbm>>) dst(%arg12 : memref<256xi32, #tpu.memory_space<vmem>>)
    %add3A_125 = arith.constant 85 : i32
    %add3A_126 = arith.addi %mul3A_2, %add3A_125 : i32
    %dma_wait3A_127 = arith.constant 0 : i32
    %dma_wait3A_128 = tpu.memref_slice %arg3[%add3A_126, %dma_wait3A_127] : memref<2568x256xi32, #tpu.memory_space<hbm>> -> memref<1x256xi32, #tpu.memory_space<hbm>>
    %dma_wait3A_129 = tpu.memref_squeeze %dma_wait3A_128 : memref<1x256xi32, #tpu.memory_space<hbm>> -> memref<256xi32, #tpu.memory_space<hbm>>
    %dma_wait3A_130 = arith.constant 0 : i32
    %dma_wait3A_131 = tpu.memref_slice %arg3[%add3A_126, %dma_wait3A_130] : memref<2568x256xi32, #tpu.memory_space<hbm>> -> memref<1x256xi32, #tpu.memory_space<hbm>>
    %dma_wait3A_132 = tpu.memref_squeeze %dma_wait3A_131 : memref<1x256xi32, #tpu.memory_space<hbm>> -> memref<256xi32, #tpu.memory_space<hbm>>
    tpu.wait_dma2 semaphore(%arg29 : memref<!tpu.dma_semaphore, #tpu.memory_space<semaphore_mem>>) src(%dma_wait3A_132 : memref<256xi32, #tpu.memory_space<hbm>>) dst(%arg13 : memref<256xi32, #tpu.memory_space<vmem>>)
    %add3A_133 = arith.constant 86 : i32
    %add3A_134 = arith.addi %mul3A_2, %add3A_133 : i32
    %dma_wait3A_135 = arith.constant 0 : i32
    %dma_wait3A_136 = tpu.memref_slice %arg3[%add3A_134, %dma_wait3A_135] : memref<2568x256xi32, #tpu.memory_space<hbm>> -> memref<1x256xi32, #tpu.memory_space<hbm>>
    %dma_wait3A_137 = tpu.memref_squeeze %dma_wait3A_136 : memref<1x256xi32, #tpu.memory_space<hbm>> -> memref<256xi32, #tpu.memory_space<hbm>>
    %dma_wait3A_138 = arith.constant 0 : i32
    %dma_wait3A_139 = tpu.memref_slice %arg3[%add3A_134, %dma_wait3A_138] : memref<2568x256xi32, #tpu.memory_space<hbm>> -> memref<1x256xi32, #tpu.memory_space<hbm>>
    %dma_wait3A_140 = tpu.memref_squeeze %dma_wait3A_139 : memref<1x256xi32, #tpu.memory_space<hbm>> -> memref<256xi32, #tpu.memory_space<hbm>>
    tpu.wait_dma2 semaphore(%arg30 : memref<!tpu.dma_semaphore, #tpu.memory_space<semaphore_mem>>) src(%dma_wait3A_140 : memref<256xi32, #tpu.memory_space<hbm>>) dst(%arg14 : memref<256xi32, #tpu.memory_space<vmem>>)
    %dma_wait3A_141 = arith.constant 0 : i32
    %dma_wait3A_142 = arith.constant 0 : i32
    %dma_wait3A_143 = tpu.memref_slice %arg23[%dma_wait3A_141, %dma_wait3A_142] : memref<10240x128xf32, #tpu.memory_space<vmem_shared>> -> memref<10240x128xf32, #tpu.memory_space<vmem_shared>>
    tpu.wait_indirect_dma semaphore(%arg35 : memref<!tpu.dma_semaphore, #tpu.memory_space<semaphore_mem>>) src(%arg17 : memref<128x128xf32, #tpu.memory_space<vmem>>) dst(%dma_wait3A_143 : memref<10240x128xf32, #tpu.memory_space<vmem_shared>>)
    "tpu.region"() ({
      %run_scoped3A_300 = tpu.sem_alloc : memref<!tpu.dma_semaphore, #tpu.memory_space<semaphore_mem>>
      %dma_start3A_301 = arith.constant 0 : i32
      %dma_start3A_302 = arith.constant 0 : i32
      %dma_start3A_303 = tpu.memref_slice %arg7[%arg0, %dma_start3A_301, %dma_start3A_302] : memref<2x16x10240xf32, #tpu.memory_space<hbm>> -> memref<1x16x10240xf32, #tpu.memory_space<hbm>>
      %dma_start3A_304 = tpu.memref_squeeze %dma_start3A_303 : memref<1x16x10240xf32, #tpu.memory_space<hbm>> -> memref<16x10240xf32, #tpu.memory_space<hbm>>
      %dma_start3A_305 = arith.constant 0 : i32
      %dma_start3A_306 = tpu.memref_slice %dma_start3A_304[%arg1, %dma_start3A_305] : memref<16x10240xf32, #tpu.memory_space<hbm>> -> memref<1x10240xf32, #tpu.memory_space<hbm>>
      %dma_start3A_307 = tpu.memref_squeeze %dma_start3A_306 : memref<1x10240xf32, #tpu.memory_space<hbm>> -> memref<10240xf32, #tpu.memory_space<hbm>>
      %dma_start3A_308 = arith.constant 0 : i32
      %dma_start3A_309 = arith.constant 0 : i32
      %dma_start3A_310 = tpu.memref_slice %arg7[%arg0, %dma_start3A_308, %dma_start3A_309] : memref<2x16x10240xf32, #tpu.memory_space<hbm>> -> memref<1x16x10240xf32, #tpu.memory_space<hbm>>
      %dma_start3A_311 = tpu.memref_squeeze %dma_start3A_310 : memref<1x16x10240xf32, #tpu.memory_space<hbm>> -> memref<16x10240xf32, #tpu.memory_space<hbm>>
      %dma_start3A_312 = arith.constant 0 : i32
      %dma_start3A_313 = tpu.memref_slice %dma_start3A_311[%arg1, %dma_start3A_312] : memref<16x10240xf32, #tpu.memory_space<hbm>> -> memref<1x10240xf32, #tpu.memory_space<hbm>>
      %dma_start3A_314 = tpu.memref_squeeze %dma_start3A_313 : memref<1x10240xf32, #tpu.memory_space<hbm>> -> memref<10240xf32, #tpu.memory_space<hbm>>
      tpu.enqueue_dma source(%arg20 : memref<10240xf32, #tpu.memory_space<vmem>>) target(%dma_start3A_314 : memref<10240xf32, #tpu.memory_space<hbm>>) target_semaphore(%run_scoped3A_300 : memref<!tpu.dma_semaphore, #tpu.memory_space<semaphore_mem>>)
      %dma_wait3A_315 = arith.constant 0 : i32
      %dma_wait3A_316 = arith.constant 0 : i32
      %dma_wait3A_317 = tpu.memref_slice %arg7[%arg0, %dma_wait3A_315, %dma_wait3A_316] : memref<2x16x10240xf32, #tpu.memory_space<hbm>> -> memref<1x16x10240xf32, #tpu.memory_space<hbm>>
      %dma_wait3A_318 = tpu.memref_squeeze %dma_wait3A_317 : memref<1x16x10240xf32, #tpu.memory_space<hbm>> -> memref<16x10240xf32, #tpu.memory_space<hbm>>
      %dma_wait3A_319 = arith.constant 0 : i32
      %dma_wait3A_320 = tpu.memref_slice %dma_wait3A_318[%arg1, %dma_wait3A_319] : memref<16x10240xf32, #tpu.memory_space<hbm>> -> memref<1x10240xf32, #tpu.memory_space<hbm>>
      %dma_wait3A_321 = tpu.memref_squeeze %dma_wait3A_320 : memref<1x10240xf32, #tpu.memory_space<hbm>> -> memref<10240xf32, #tpu.memory_space<hbm>>
      %dma_wait3A_322 = arith.constant 0 : i32
      %dma_wait3A_323 = arith.constant 0 : i32
      %dma_wait3A_324 = tpu.memref_slice %arg7[%arg0, %dma_wait3A_322, %dma_wait3A_323] : memref<2x16x10240xf32, #tpu.memory_space<hbm>> -> memref<1x16x10240xf32, #tpu.memory_space<hbm>>
      %dma_wait3A_325 = tpu.memref_squeeze %dma_wait3A_324 : memref<1x16x10240xf32, #tpu.memory_space<hbm>> -> memref<16x10240xf32, #tpu.memory_space<hbm>>
      %dma_wait3A_326 = arith.constant 0 : i32
      %dma_wait3A_327 = tpu.memref_slice %dma_wait3A_325[%arg1, %dma_wait3A_326] : memref<16x10240xf32, #tpu.memory_space<hbm>> -> memref<1x10240xf32, #tpu.memory_space<hbm>>
      %dma_wait3A_328 = tpu.memref_squeeze %dma_wait3A_327 : memref<1x10240xf32, #tpu.memory_space<hbm>> -> memref<10240xf32, #tpu.memory_space<hbm>>
      tpu.wait_dma2 semaphore(%run_scoped3A_300 : memref<!tpu.dma_semaphore, #tpu.memory_space<semaphore_mem>>) src(%arg20 : memref<10240xf32, #tpu.memory_space<vmem>>) dst(%dma_wait3A_328 : memref<10240xf32, #tpu.memory_space<hbm>>)
      tpu.yield
    }) : () -> ()
    %barrier3A_144 = arith.constant 0 : index
    tpu.barrier barrier_id(%barrier3A_144)
    %scan3A_145 = arith.constant 0 : i32
    %scan3A_146 = arith.constant 0 : i32
    %scan3A_147 = arith.constant 40 : i32
    %scan3A_148 = arith.addi %scan3A_146, %scan3A_147 : i32
    %scan3A_149 = arith.constant 1 : i32
    scf.for %scan3A_300 = %scan3A_146 to %scan3A_148 step %scan3A_149  : i32 {
      %mul3A_301 = arith.constant 16 : i32
      %mul3A_302 = arith.muli %scan3A_300, %mul3A_301 : i32
      %swap3A = arith.index_cast %mul3A_302 : i32 to index
      %swap3A_303 = tpu.vector_load %arg21[%swap3A] {strides = array<i32>} : memref<640xf32, #tpu.memory_space<vmem>>, vector<16xf32>,
      tpu.vector_store %arg21[%swap3A], %broadcast_in_dim3A_3 {strides = array<i32>} : memref<640xf32, #tpu.memory_space<vmem>>, vector<16xf32>,
    }
    %scan3A_150 = arith.constant 40 : i32
    %mul3A_151 = arith.constant 640 : i32
    %mul3A_152 = arith.muli %arg1, %mul3A_151 : i32
    %run_scoped3A = arith.constant 0 : i32
    "tpu.region"() ({
      %run_scoped3A_300 = tpu.sem_alloc : memref<!tpu.dma_semaphore, #tpu.memory_space<semaphore_mem>>
      %dma_start3A_301 = arith.constant 0 : i32
      %dma_start3A_302 = arith.constant 0 : i32
      %dma_start3A_303 = tpu.memref_slice %arg7[%arg0, %dma_start3A_301, %dma_start3A_302] : memref<2x16x10240xf32, #tpu.memory_space<hbm>> -> memref<1x16x10240xf32, #tpu.memory_space<hbm>>
      %dma_start3A_304 = tpu.memref_squeeze %dma_start3A_303 : memref<1x16x10240xf32, #tpu.memory_space<hbm>> -> memref<16x10240xf32, #tpu.memory_space<hbm>>
      %dma_start3A_305 = arith.constant 0 : i32
      %dma_start3A_306 = tpu.memref_slice %dma_start3A_304[%run_scoped3A, %dma_start3A_305] : memref<16x10240xf32, #tpu.memory_space<hbm>> -> memref<1x10240xf32, #tpu.memory_space<hbm>>
      %dma_start3A_307 = tpu.memref_squeeze %dma_start3A_306 : memref<1x10240xf32, #tpu.memory_space<hbm>> -> memref<10240xf32, #tpu.memory_space<hbm>>
      %dma_start3A_308 = tpu.memref_slice %dma_start3A_307[%mul3A_152] : memref<10240xf32, #tpu.memory_space<hbm>> -> memref<640xf32, #tpu.memory_space<hbm>>
      %dma_start3A_309 = arith.constant 0 : i32
      %dma_start3A_310 = arith.constant 0 : i32
      %dma_start3A_311 = tpu.memref_slice %arg7[%arg0, %dma_start3A_309, %dma_start3A_310] : memref<2x16x10240xf32, #tpu.memory_space<hbm>> -> memref<1x16x10240xf32, #tpu.memory_space<hbm>>
      %dma_start3A_312 = tpu.memref_squeeze %dma_start3A_311 : memref<1x16x10240xf32, #tpu.memory_space<hbm>> -> memref<16x10240xf32, #tpu.memory_space<hbm>>
      %dma_start3A_313 = arith.constant 0 : i32
      %dma_start3A_314 = tpu.memref_slice %dma_start3A_312[%run_scoped3A, %dma_start3A_313] : memref<16x10240xf32, #tpu.memory_space<hbm>> -> memref<1x10240xf32, #tpu.memory_space<hbm>>
      %dma_start3A_315 = tpu.memref_squeeze %dma_start3A_314 : memref<1x10240xf32, #tpu.memory_space<hbm>> -> memref<10240xf32, #tpu.memory_space<hbm>>
      %dma_start3A_316 = tpu.memref_slice %dma_start3A_315[%mul3A_152] : memref<10240xf32, #tpu.memory_space<hbm>> -> memref<640xf32, #tpu.memory_space<hbm>>
      tpu.enqueue_dma source(%dma_start3A_316 : memref<640xf32, #tpu.memory_space<hbm>>) target(%arg22 : memref<640xf32, #tpu.memory_space<vmem>>) target_semaphore(%run_scoped3A_300 : memref<!tpu.dma_semaphore, #tpu.memory_space<semaphore_mem>>)
      %dma_wait3A_317 = arith.constant 0 : i32
      %dma_wait3A_318 = arith.constant 0 : i32
      %dma_wait3A_319 = tpu.memref_slice %arg7[%arg0, %dma_wait3A_317, %dma_wait3A_318] : memref<2x16x10240xf32, #tpu.memory_space<hbm>> -> memref<1x16x10240xf32, #tpu.memory_space<hbm>>
      %dma_wait3A_320 = tpu.memref_squeeze %dma_wait3A_319 : memref<1x16x10240xf32, #tpu.memory_space<hbm>> -> memref<16x10240xf32, #tpu.memory_space<hbm>>
      %dma_wait3A_321 = arith.constant 0 : i32
      %dma_wait3A_322 = tpu.memref_slice %dma_wait3A_320[%run_scoped3A, %dma_wait3A_321] : memref<16x10240xf32, #tpu.memory_space<hbm>> -> memref<1x10240xf32, #tpu.memory_space<hbm>>
      %dma_wait3A_323 = tpu.memref_squeeze %dma_wait3A_322 : memref<1x10240xf32, #tpu.memory_space<hbm>> -> memref<10240xf32, #tpu.memory_space<hbm>>
      %dma_wait3A_324 = tpu.memref_slice %dma_wait3A_323[%mul3A_152] : memref<10240xf32, #tpu.memory_space<hbm>> -> memref<640xf32, #tpu.memory_space<hbm>>
      %dma_wait3A_325 = arith.constant 0 : i32
      %dma_wait3A_326 = arith.constant 0 : i32
      %dma_wait3A_327 = tpu.memref_slice %arg7[%arg0, %dma_wait3A_325, %dma_wait3A_326] : memref<2x16x10240xf32, #tpu.memory_space<hbm>> -> memref<1x16x10240xf32, #tpu.memory_space<hbm>>
      %dma_wait3A_328 = tpu.memref_squeeze %dma_wait3A_327 : memref<1x16x10240xf32, #tpu.memory_space<hbm>> -> memref<16x10240xf32, #tpu.memory_space<hbm>>
      %dma_wait3A_329 = arith.constant 0 : i32
      %dma_wait3A_330 = tpu.memref_slice %dma_wait3A_328[%run_scoped3A, %dma_wait3A_329] : memref<16x10240xf32, #tpu.memory_space<hbm>> -> memref<1x10240xf32, #tpu.memory_space<hbm>>
      %dma_wait3A_331 = tpu.memref_squeeze %dma_wait3A_330 : memref<1x10240xf32, #tpu.memory_space<hbm>> -> memref<10240xf32, #tpu.memory_space<hbm>>
      %dma_wait3A_332 = tpu.memref_slice %dma_wait3A_331[%mul3A_152] : memref<10240xf32, #tpu.memory_space<hbm>> -> memref<640xf32, #tpu.memory_space<hbm>>
      tpu.wait_dma2 semaphore(%run_scoped3A_300 : memref<!tpu.dma_semaphore, #tpu.memory_space<semaphore_mem>>) src(%dma_wait3A_332 : memref<640xf32, #tpu.memory_space<hbm>>) dst(%arg22 : memref<640xf32, #tpu.memory_space<vmem>>)
      tpu.yield
    }) : () -> ()
    %scan3A_153 = arith.constant 0 : i32
    %scan3A_154 = arith.constant 0 : i32
    %scan3A_155 = arith.constant 40 : i32
    %scan3A_156 = arith.addi %scan3A_154, %scan3A_155 : i32
    %scan3A_157 = arith.constant 1 : i32
    scf.for %scan3A_300 = %scan3A_154 to %scan3A_156 step %scan3A_157  : i32 {
      %mul3A_301 = arith.constant 16 : i32
      %mul3A_302 = arith.muli %scan3A_300, %mul3A_301 : i32
      %get3A = arith.index_cast %mul3A_302 : i32 to index
      %get3A_303 = tpu.vector_load %arg21[%get3A] {strides = array<i32>} : memref<640xf32, #tpu.memory_space<vmem>>, vector<16xf32>,
      %get3A_304 = arith.index_cast %mul3A_302 : i32 to index
      %get3A_305 = tpu.vector_load %arg22[%get3A_304] {strides = array<i32>} : memref<640xf32, #tpu.memory_space<vmem>>, vector<16xf32>,
      %add3A_306 = arith.addf %get3A_303, %get3A_305 : vector<16xf32>
      %swap3A = arith.index_cast %mul3A_302 : i32 to index
      %swap3A_307 = tpu.vector_load %arg21[%swap3A] {strides = array<i32>} : memref<640xf32, #tpu.memory_space<vmem>>, vector<16xf32>,
      tpu.vector_store %arg21[%swap3A], %add3A_306 {strides = array<i32>} : memref<640xf32, #tpu.memory_space<vmem>>, vector<16xf32>,
    }
    %scan3A_158 = arith.constant 40 : i32
    %mul3A_159 = arith.constant 640 : i32
    %mul3A_160 = arith.muli %arg1, %mul3A_159 : i32
    %run_scoped3A_161 = arith.constant 1 : i32
    "tpu.region"() ({
      %run_scoped3A_300 = tpu.sem_alloc : memref<!tpu.dma_semaphore, #tpu.memory_space<semaphore_mem>>
      %dma_start3A_301 = arith.constant 0 : i32
      %dma_start3A_302 = arith.constant 0 : i32
      %dma_start3A_303 = tpu.memref_slice %arg7[%arg0, %dma_start3A_301, %dma_start3A_302] : memref<2x16x10240xf32, #tpu.memory_space<hbm>> -> memref<1x16x10240xf32, #tpu.memory_space<hbm>>
      %dma_start3A_304 = tpu.memref_squeeze %dma_start3A_303 : memref<1x16x10240xf32, #tpu.memory_space<hbm>> -> memref<16x10240xf32, #tpu.memory_space<hbm>>
      %dma_start3A_305 = arith.constant 0 : i32
      %dma_start3A_306 = tpu.memref_slice %dma_start3A_304[%run_scoped3A_161, %dma_start3A_305] : memref<16x10240xf32, #tpu.memory_space<hbm>> -> memref<1x10240xf32, #tpu.memory_space<hbm>>
      %dma_start3A_307 = tpu.memref_squeeze %dma_start3A_306 : memref<1x10240xf32, #tpu.memory_space<hbm>> -> memref<10240xf32, #tpu.memory_space<hbm>>
      %dma_start3A_308 = tpu.memref_slice %dma_start3A_307[%mul3A_160] : memref<10240xf32, #tpu.memory_space<hbm>> -> memref<640xf32, #tpu.memory_space<hbm>>
      %dma_start3A_309 = arith.constant 0 : i32
      %dma_start3A_310 = arith.constant 0 : i32
      %dma_start3A_311 = tpu.memref_slice %arg7[%arg0, %dma_start3A_309, %dma_start3A_310] : memref<2x16x10240xf32, #tpu.memory_space<hbm>> -> memref<1x16x10240xf32, #tpu.memory_space<hbm>>
      %dma_start3A_312 = tpu.memref_squeeze %dma_start3A_311 : memref<1x16x10240xf32, #tpu.memory_space<hbm>> -> memref<16x10240xf32, #tpu.memory_space<hbm>>
      %dma_start3A_313 = arith.constant 0 : i32
      %dma_start3A_314 = tpu.memref_slice %dma_start3A_312[%run_scoped3A_161, %dma_start3A_313] : memref<16x10240xf32, #tpu.memory_space<hbm>> -> memref<1x10240xf32, #tpu.memory_space<hbm>>
      %dma_start3A_315 = tpu.memref_squeeze %dma_start3A_314 : memref<1x10240xf32, #tpu.memory_space<hbm>> -> memref<10240xf32, #tpu.memory_space<hbm>>
      %dma_start3A_316 = tpu.memref_slice %dma_start3A_315[%mul3A_160] : memref<10240xf32, #tpu.memory_space<hbm>> -> memref<640xf32, #tpu.memory_space<hbm>>
      tpu.enqueue_dma source(%dma_start3A_316 : memref<640xf32, #tpu.memory_space<hbm>>) target(%arg22 : memref<640xf32, #tpu.memory_space<vmem>>) target_semaphore(%run_scoped3A_300 : memref<!tpu.dma_semaphore, #tpu.memory_space<semaphore_mem>>)
      %dma_wait3A_317 = arith.constant 0 : i32
      %dma_wait3A_318 = arith.constant 0 : i32
      %dma_wait3A_319 = tpu.memref_slice %arg7[%arg0, %dma_wait3A_317, %dma_wait3A_318] : memref<2x16x10240xf32, #tpu.memory_space<hbm>> -> memref<1x16x10240xf32, #tpu.memory_space<hbm>>
      %dma_wait3A_320 = tpu.memref_squeeze %dma_wait3A_319 : memref<1x16x10240xf32, #tpu.memory_space<hbm>> -> memref<16x10240xf32, #tpu.memory_space<hbm>>
      %dma_wait3A_321 = arith.constant 0 : i32
      %dma_wait3A_322 = tpu.memref_slice %dma_wait3A_320[%run_scoped3A_161, %dma_wait3A_321] : memref<16x10240xf32, #tpu.memory_space<hbm>> -> memref<1x10240xf32, #tpu.memory_space<hbm>>
      %dma_wait3A_323 = tpu.memref_squeeze %dma_wait3A_322 : memref<1x10240xf32, #tpu.memory_space<hbm>> -> memref<10240xf32, #tpu.memory_space<hbm>>
      %dma_wait3A_324 = tpu.memref_slice %dma_wait3A_323[%mul3A_160] : memref<10240xf32, #tpu.memory_space<hbm>> -> memref<640xf32, #tpu.memory_space<hbm>>
      %dma_wait3A_325 = arith.constant 0 : i32
      %dma_wait3A_326 = arith.constant 0 : i32
      %dma_wait3A_327 = tpu.memref_slice %arg7[%arg0, %dma_wait3A_325, %dma_wait3A_326] : memref<2x16x10240xf32, #tpu.memory_space<hbm>> -> memref<1x16x10240xf32, #tpu.memory_space<hbm>>
      %dma_wait3A_328 = tpu.memref_squeeze %dma_wait3A_327 : memref<1x16x10240xf32, #tpu.memory_space<hbm>> -> memref<16x10240xf32, #tpu.memory_space<hbm>>
      %dma_wait3A_329 = arith.constant 0 : i32
      %dma_wait3A_330 = tpu.memref_slice %dma_wait3A_328[%run_scoped3A_161, %dma_wait3A_329] : memref<16x10240xf32, #tpu.memory_space<hbm>> -> memref<1x10240xf32, #tpu.memory_space<hbm>>
      %dma_wait3A_331 = tpu.memref_squeeze %dma_wait3A_330 : memref<1x10240xf32, #tpu.memory_space<hbm>> -> memref<10240xf32, #tpu.memory_space<hbm>>
      %dma_wait3A_332 = tpu.memref_slice %dma_wait3A_331[%mul3A_160] : memref<10240xf32, #tpu.memory_space<hbm>> -> memref<640xf32, #tpu.memory_space<hbm>>
      tpu.wait_dma2 semaphore(%run_scoped3A_300 : memref<!tpu.dma_semaphore, #tpu.memory_space<semaphore_mem>>) src(%dma_wait3A_332 : memref<640xf32, #tpu.memory_space<hbm>>) dst(%arg22 : memref<640xf32, #tpu.memory_space<vmem>>)
      tpu.yield
    }) : () -> ()
    %scan3A_162 = arith.constant 0 : i32
    %scan3A_163 = arith.constant 0 : i32
    %scan3A_164 = arith.constant 40 : i32
    %scan3A_165 = arith.addi %scan3A_163, %scan3A_164 : i32
    %scan3A_166 = arith.constant 1 : i32
    scf.for %scan3A_300 = %scan3A_163 to %scan3A_165 step %scan3A_166  : i32 {
      %mul3A_301 = arith.constant 16 : i32
      %mul3A_302 = arith.muli %scan3A_300, %mul3A_301 : i32
      %get3A = arith.index_cast %mul3A_302 : i32 to index
      %get3A_303 = tpu.vector_load %arg21[%get3A] {strides = array<i32>} : memref<640xf32, #tpu.memory_space<vmem>>, vector<16xf32>,
      %get3A_304 = arith.index_cast %mul3A_302 : i32 to index
      %get3A_305 = tpu.vector_load %arg22[%get3A_304] {strides = array<i32>} : memref<640xf32, #tpu.memory_space<vmem>>, vector<16xf32>,
      %add3A_306 = arith.addf %get3A_303, %get3A_305 : vector<16xf32>
      %swap3A = arith.index_cast %mul3A_302 : i32 to index
      %swap3A_307 = tpu.vector_load %arg21[%swap3A] {strides = array<i32>} : memref<640xf32, #tpu.memory_space<vmem>>, vector<16xf32>,
      tpu.vector_store %arg21[%swap3A], %add3A_306 {strides = array<i32>} : memref<640xf32, #tpu.memory_space<vmem>>, vector<16xf32>,
    }
    %scan3A_167 = arith.constant 40 : i32
    %mul3A_168 = arith.constant 640 : i32
    %mul3A_169 = arith.muli %arg1, %mul3A_168 : i32
    %run_scoped3A_170 = arith.constant 2 : i32
    "tpu.region"() ({
      %run_scoped3A_300 = tpu.sem_alloc : memref<!tpu.dma_semaphore, #tpu.memory_space<semaphore_mem>>
      %dma_start3A_301 = arith.constant 0 : i32
      %dma_start3A_302 = arith.constant 0 : i32
      %dma_start3A_303 = tpu.memref_slice %arg7[%arg0, %dma_start3A_301, %dma_start3A_302] : memref<2x16x10240xf32, #tpu.memory_space<hbm>> -> memref<1x16x10240xf32, #tpu.memory_space<hbm>>
      %dma_start3A_304 = tpu.memref_squeeze %dma_start3A_303 : memref<1x16x10240xf32, #tpu.memory_space<hbm>> -> memref<16x10240xf32, #tpu.memory_space<hbm>>
      %dma_start3A_305 = arith.constant 0 : i32
      %dma_start3A_306 = tpu.memref_slice %dma_start3A_304[%run_scoped3A_170, %dma_start3A_305] : memref<16x10240xf32, #tpu.memory_space<hbm>> -> memref<1x10240xf32, #tpu.memory_space<hbm>>
      %dma_start3A_307 = tpu.memref_squeeze %dma_start3A_306 : memref<1x10240xf32, #tpu.memory_space<hbm>> -> memref<10240xf32, #tpu.memory_space<hbm>>
      %dma_start3A_308 = tpu.memref_slice %dma_start3A_307[%mul3A_169] : memref<10240xf32, #tpu.memory_space<hbm>> -> memref<640xf32, #tpu.memory_space<hbm>>
      %dma_start3A_309 = arith.constant 0 : i32
      %dma_start3A_310 = arith.constant 0 : i32
      %dma_start3A_311 = tpu.memref_slice %arg7[%arg0, %dma_start3A_309, %dma_start3A_310] : memref<2x16x10240xf32, #tpu.memory_space<hbm>> -> memref<1x16x10240xf32, #tpu.memory_space<hbm>>
      %dma_start3A_312 = tpu.memref_squeeze %dma_start3A_311 : memref<1x16x10240xf32, #tpu.memory_space<hbm>> -> memref<16x10240xf32, #tpu.memory_space<hbm>>
      %dma_start3A_313 = arith.constant 0 : i32
      %dma_start3A_314 = tpu.memref_slice %dma_start3A_312[%run_scoped3A_170, %dma_start3A_313] : memref<16x10240xf32, #tpu.memory_space<hbm>> -> memref<1x10240xf32, #tpu.memory_space<hbm>>
      %dma_start3A_315 = tpu.memref_squeeze %dma_start3A_314 : memref<1x10240xf32, #tpu.memory_space<hbm>> -> memref<10240xf32, #tpu.memory_space<hbm>>
      %dma_start3A_316 = tpu.memref_slice %dma_start3A_315[%mul3A_169] : memref<10240xf32, #tpu.memory_space<hbm>> -> memref<640xf32, #tpu.memory_space<hbm>>
      tpu.enqueue_dma source(%dma_start3A_316 : memref<640xf32, #tpu.memory_space<hbm>>) target(%arg22 : memref<640xf32, #tpu.memory_space<vmem>>) target_semaphore(%run_scoped3A_300 : memref<!tpu.dma_semaphore, #tpu.memory_space<semaphore_mem>>)
      %dma_wait3A_317 = arith.constant 0 : i32
      %dma_wait3A_318 = arith.constant 0 : i32
      %dma_wait3A_319 = tpu.memref_slice %arg7[%arg0, %dma_wait3A_317, %dma_wait3A_318] : memref<2x16x10240xf32, #tpu.memory_space<hbm>> -> memref<1x16x10240xf32, #tpu.memory_space<hbm>>
      %dma_wait3A_320 = tpu.memref_squeeze %dma_wait3A_319 : memref<1x16x10240xf32, #tpu.memory_space<hbm>> -> memref<16x10240xf32, #tpu.memory_space<hbm>>
      %dma_wait3A_321 = arith.constant 0 : i32
      %dma_wait3A_322 = tpu.memref_slice %dma_wait3A_320[%run_scoped3A_170, %dma_wait3A_321] : memref<16x10240xf32, #tpu.memory_space<hbm>> -> memref<1x10240xf32, #tpu.memory_space<hbm>>
      %dma_wait3A_323 = tpu.memref_squeeze %dma_wait3A_322 : memref<1x10240xf32, #tpu.memory_space<hbm>> -> memref<10240xf32, #tpu.memory_space<hbm>>
      %dma_wait3A_324 = tpu.memref_slice %dma_wait3A_323[%mul3A_169] : memref<10240xf32, #tpu.memory_space<hbm>> -> memref<640xf32, #tpu.memory_space<hbm>>
      %dma_wait3A_325 = arith.constant 0 : i32
      %dma_wait3A_326 = arith.constant 0 : i32
      %dma_wait3A_327 = tpu.memref_slice %arg7[%arg0, %dma_wait3A_325, %dma_wait3A_326] : memref<2x16x10240xf32, #tpu.memory_space<hbm>> -> memref<1x16x10240xf32, #tpu.memory_space<hbm>>
      %dma_wait3A_328 = tpu.memref_squeeze %dma_wait3A_327 : memref<1x16x10240xf32, #tpu.memory_space<hbm>> -> memref<16x10240xf32, #tpu.memory_space<hbm>>
      %dma_wait3A_329 = arith.constant 0 : i32
      %dma_wait3A_330 = tpu.memref_slice %dma_wait3A_328[%run_scoped3A_170, %dma_wait3A_329] : memref<16x10240xf32, #tpu.memory_space<hbm>> -> memref<1x10240xf32, #tpu.memory_space<hbm>>
      %dma_wait3A_331 = tpu.memref_squeeze %dma_wait3A_330 : memref<1x10240xf32, #tpu.memory_space<hbm>> -> memref<10240xf32, #tpu.memory_space<hbm>>
      %dma_wait3A_332 = tpu.memref_slice %dma_wait3A_331[%mul3A_169] : memref<10240xf32, #tpu.memory_space<hbm>> -> memref<640xf32, #tpu.memory_space<hbm>>
      tpu.wait_dma2 semaphore(%run_scoped3A_300 : memref<!tpu.dma_semaphore, #tpu.memory_space<semaphore_mem>>) src(%dma_wait3A_332 : memref<640xf32, #tpu.memory_space<hbm>>) dst(%arg22 : memref<640xf32, #tpu.memory_space<vmem>>)
      tpu.yield
    }) : () -> ()
    %scan3A_171 = arith.constant 0 : i32
    %scan3A_172 = arith.constant 0 : i32
    %scan3A_173 = arith.constant 40 : i32
    %scan3A_174 = arith.addi %scan3A_172, %scan3A_173 : i32
    %scan3A_175 = arith.constant 1 : i32
    scf.for %scan3A_300 = %scan3A_172 to %scan3A_174 step %scan3A_175  : i32 {
      %mul3A_301 = arith.constant 16 : i32
      %mul3A_302 = arith.muli %scan3A_300, %mul3A_301 : i32
      %get3A = arith.index_cast %mul3A_302 : i32 to index
      %get3A_303 = tpu.vector_load %arg21[%get3A] {strides = array<i32>} : memref<640xf32, #tpu.memory_space<vmem>>, vector<16xf32>,
      %get3A_304 = arith.index_cast %mul3A_302 : i32 to index
      %get3A_305 = tpu.vector_load %arg22[%get3A_304] {strides = array<i32>} : memref<640xf32, #tpu.memory_space<vmem>>, vector<16xf32>,
      %add3A_306 = arith.addf %get3A_303, %get3A_305 : vector<16xf32>
      %swap3A = arith.index_cast %mul3A_302 : i32 to index
      %swap3A_307 = tpu.vector_load %arg21[%swap3A] {strides = array<i32>} : memref<640xf32, #tpu.memory_space<vmem>>, vector<16xf32>,
      tpu.vector_store %arg21[%swap3A], %add3A_306 {strides = array<i32>} : memref<640xf32, #tpu.memory_space<vmem>>, vector<16xf32>,
    }
    %scan3A_176 = arith.constant 40 : i32
    %mul3A_177 = arith.constant 640 : i32
    %mul3A_178 = arith.muli %arg1, %mul3A_177 : i32
    %run_scoped3A_179 = arith.constant 3 : i32
    "tpu.region"() ({
      %run_scoped3A_300 = tpu.sem_alloc : memref<!tpu.dma_semaphore, #tpu.memory_space<semaphore_mem>>
      %dma_start3A_301 = arith.constant 0 : i32
      %dma_start3A_302 = arith.constant 0 : i32
      %dma_start3A_303 = tpu.memref_slice %arg7[%arg0, %dma_start3A_301, %dma_start3A_302] : memref<2x16x10240xf32, #tpu.memory_space<hbm>> -> memref<1x16x10240xf32, #tpu.memory_space<hbm>>
      %dma_start3A_304 = tpu.memref_squeeze %dma_start3A_303 : memref<1x16x10240xf32, #tpu.memory_space<hbm>> -> memref<16x10240xf32, #tpu.memory_space<hbm>>
      %dma_start3A_305 = arith.constant 0 : i32
      %dma_start3A_306 = tpu.memref_slice %dma_start3A_304[%run_scoped3A_179, %dma_start3A_305] : memref<16x10240xf32, #tpu.memory_space<hbm>> -> memref<1x10240xf32, #tpu.memory_space<hbm>>
      %dma_start3A_307 = tpu.memref_squeeze %dma_start3A_306 : memref<1x10240xf32, #tpu.memory_space<hbm>> -> memref<10240xf32, #tpu.memory_space<hbm>>
      %dma_start3A_308 = tpu.memref_slice %dma_start3A_307[%mul3A_178] : memref<10240xf32, #tpu.memory_space<hbm>> -> memref<640xf32, #tpu.memory_space<hbm>>
      %dma_start3A_309 = arith.constant 0 : i32
      %dma_start3A_310 = arith.constant 0 : i32
      %dma_start3A_311 = tpu.memref_slice %arg7[%arg0, %dma_start3A_309, %dma_start3A_310] : memref<2x16x10240xf32, #tpu.memory_space<hbm>> -> memref<1x16x10240xf32, #tpu.memory_space<hbm>>
      %dma_start3A_312 = tpu.memref_squeeze %dma_start3A_311 : memref<1x16x10240xf32, #tpu.memory_space<hbm>> -> memref<16x10240xf32, #tpu.memory_space<hbm>>
      %dma_start3A_313 = arith.constant 0 : i32
      %dma_start3A_314 = tpu.memref_slice %dma_start3A_312[%run_scoped3A_179, %dma_start3A_313] : memref<16x10240xf32, #tpu.memory_space<hbm>> -> memref<1x10240xf32, #tpu.memory_space<hbm>>
      %dma_start3A_315 = tpu.memref_squeeze %dma_start3A_314 : memref<1x10240xf32, #tpu.memory_space<hbm>> -> memref<10240xf32, #tpu.memory_space<hbm>>
      %dma_start3A_316 = tpu.memref_slice %dma_start3A_315[%mul3A_178] : memref<10240xf32, #tpu.memory_space<hbm>> -> memref<640xf32, #tpu.memory_space<hbm>>
      tpu.enqueue_dma source(%dma_start3A_316 : memref<640xf32, #tpu.memory_space<hbm>>) target(%arg22 : memref<640xf32, #tpu.memory_space<vmem>>) target_semaphore(%run_scoped3A_300 : memref<!tpu.dma_semaphore, #tpu.memory_space<semaphore_mem>>)
      %dma_wait3A_317 = arith.constant 0 : i32
      %dma_wait3A_318 = arith.constant 0 : i32
      %dma_wait3A_319 = tpu.memref_slice %arg7[%arg0, %dma_wait3A_317, %dma_wait3A_318] : memref<2x16x10240xf32, #tpu.memory_space<hbm>> -> memref<1x16x10240xf32, #tpu.memory_space<hbm>>
      %dma_wait3A_320 = tpu.memref_squeeze %dma_wait3A_319 : memref<1x16x10240xf32, #tpu.memory_space<hbm>> -> memref<16x10240xf32, #tpu.memory_space<hbm>>
      %dma_wait3A_321 = arith.constant 0 : i32
      %dma_wait3A_322 = tpu.memref_slice %dma_wait3A_320[%run_scoped3A_179, %dma_wait3A_321] : memref<16x10240xf32, #tpu.memory_space<hbm>> -> memref<1x10240xf32, #tpu.memory_space<hbm>>
      %dma_wait3A_323 = tpu.memref_squeeze %dma_wait3A_322 : memref<1x10240xf32, #tpu.memory_space<hbm>> -> memref<10240xf32, #tpu.memory_space<hbm>>
      %dma_wait3A_324 = tpu.memref_slice %dma_wait3A_323[%mul3A_178] : memref<10240xf32, #tpu.memory_space<hbm>> -> memref<640xf32, #tpu.memory_space<hbm>>
      %dma_wait3A_325 = arith.constant 0 : i32
      %dma_wait3A_326 = arith.constant 0 : i32
      %dma_wait3A_327 = tpu.memref_slice %arg7[%arg0, %dma_wait3A_325, %dma_wait3A_326] : memref<2x16x10240xf32, #tpu.memory_space<hbm>> -> memref<1x16x10240xf32, #tpu.memory_space<hbm>>
      %dma_wait3A_328 = tpu.memref_squeeze %dma_wait3A_327 : memref<1x16x10240xf32, #tpu.memory_space<hbm>> -> memref<16x10240xf32, #tpu.memory_space<hbm>>
      %dma_wait3A_329 = arith.constant 0 : i32
      %dma_wait3A_330 = tpu.memref_slice %dma_wait3A_328[%run_scoped3A_179, %dma_wait3A_329] : memref<16x10240xf32, #tpu.memory_space<hbm>> -> memref<1x10240xf32, #tpu.memory_space<hbm>>
      %dma_wait3A_331 = tpu.memref_squeeze %dma_wait3A_330 : memref<1x10240xf32, #tpu.memory_space<hbm>> -> memref<10240xf32, #tpu.memory_space<hbm>>
      %dma_wait3A_332 = tpu.memref_slice %dma_wait3A_331[%mul3A_178] : memref<10240xf32, #tpu.memory_space<hbm>> -> memref<640xf32, #tpu.memory_space<hbm>>
      tpu.wait_dma2 semaphore(%run_scoped3A_300 : memref<!tpu.dma_semaphore, #tpu.memory_space<semaphore_mem>>) src(%dma_wait3A_332 : memref<640xf32, #tpu.memory_space<hbm>>) dst(%arg22 : memref<640xf32, #tpu.memory_space<vmem>>)
      tpu.yield
    }) : () -> ()
    %scan3A_180 = arith.constant 0 : i32
    %scan3A_181 = arith.constant 0 : i32
    %scan3A_182 = arith.constant 40 : i32
    %scan3A_183 = arith.addi %scan3A_181, %scan3A_182 : i32
    %scan3A_184 = arith.constant 1 : i32
    scf.for %scan3A_300 = %scan3A_181 to %scan3A_183 step %scan3A_184  : i32 {
      %mul3A_301 = arith.constant 16 : i32
      %mul3A_302 = arith.muli %scan3A_300, %mul3A_301 : i32
      %get3A = arith.index_cast %mul3A_302 : i32 to index
      %get3A_303 = tpu.vector_load %arg21[%get3A] {strides = array<i32>} : memref<640xf32, #tpu.memory_space<vmem>>, vector<16xf32>,
      %get3A_304 = arith.index_cast %mul3A_302 : i32 to index
      %get3A_305 = tpu.vector_load %arg22[%get3A_304] {strides = array<i32>} : memref<640xf32, #tpu.memory_space<vmem>>, vector<16xf32>,
      %add3A_306 = arith.addf %get3A_303, %get3A_305 : vector<16xf32>
      %swap3A = arith.index_cast %mul3A_302 : i32 to index
      %swap3A_307 = tpu.vector_load %arg21[%swap3A] {strides = array<i32>} : memref<640xf32, #tpu.memory_space<vmem>>, vector<16xf32>,
      tpu.vector_store %arg21[%swap3A], %add3A_306 {strides = array<i32>} : memref<640xf32, #tpu.memory_space<vmem>>, vector<16xf32>,
    }
    %scan3A_185 = arith.constant 40 : i32
    %mul3A_186 = arith.constant 640 : i32
    %mul3A_187 = arith.muli %arg1, %mul3A_186 : i32
    %run_scoped3A_188 = arith.constant 4 : i32
    "tpu.region"() ({
      %run_scoped3A_300 = tpu.sem_alloc : memref<!tpu.dma_semaphore, #tpu.memory_space<semaphore_mem>>
      %dma_start3A_301 = arith.constant 0 : i32
      %dma_start3A_302 = arith.constant 0 : i32
      %dma_start3A_303 = tpu.memref_slice %arg7[%arg0, %dma_start3A_301, %dma_start3A_302] : memref<2x16x10240xf32, #tpu.memory_space<hbm>> -> memref<1x16x10240xf32, #tpu.memory_space<hbm>>
      %dma_start3A_304 = tpu.memref_squeeze %dma_start3A_303 : memref<1x16x10240xf32, #tpu.memory_space<hbm>> -> memref<16x10240xf32, #tpu.memory_space<hbm>>
      %dma_start3A_305 = arith.constant 0 : i32
      %dma_start3A_306 = tpu.memref_slice %dma_start3A_304[%run_scoped3A_188, %dma_start3A_305] : memref<16x10240xf32, #tpu.memory_space<hbm>> -> memref<1x10240xf32, #tpu.memory_space<hbm>>
      %dma_start3A_307 = tpu.memref_squeeze %dma_start3A_306 : memref<1x10240xf32, #tpu.memory_space<hbm>> -> memref<10240xf32, #tpu.memory_space<hbm>>
      %dma_start3A_308 = tpu.memref_slice %dma_start3A_307[%mul3A_187] : memref<10240xf32, #tpu.memory_space<hbm>> -> memref<640xf32, #tpu.memory_space<hbm>>
      %dma_start3A_309 = arith.constant 0 : i32
      %dma_start3A_310 = arith.constant 0 : i32
      %dma_start3A_311 = tpu.memref_slice %arg7[%arg0, %dma_start3A_309, %dma_start3A_310] : memref<2x16x10240xf32, #tpu.memory_space<hbm>> -> memref<1x16x10240xf32, #tpu.memory_space<hbm>>
      %dma_start3A_312 = tpu.memref_squeeze %dma_start3A_311 : memref<1x16x10240xf32, #tpu.memory_space<hbm>> -> memref<16x10240xf32, #tpu.memory_space<hbm>>
      %dma_start3A_313 = arith.constant 0 : i32
      %dma_start3A_314 = tpu.memref_slice %dma_start3A_312[%run_scoped3A_188, %dma_start3A_313] : memref<16x10240xf32, #tpu.memory_space<hbm>> -> memref<1x10240xf32, #tpu.memory_space<hbm>>
      %dma_start3A_315 = tpu.memref_squeeze %dma_start3A_314 : memref<1x10240xf32, #tpu.memory_space<hbm>> -> memref<10240xf32, #tpu.memory_space<hbm>>
      %dma_start3A_316 = tpu.memref_slice %dma_start3A_315[%mul3A_187] : memref<10240xf32, #tpu.memory_space<hbm>> -> memref<640xf32, #tpu.memory_space<hbm>>
      tpu.enqueue_dma source(%dma_start3A_316 : memref<640xf32, #tpu.memory_space<hbm>>) target(%arg22 : memref<640xf32, #tpu.memory_space<vmem>>) target_semaphore(%run_scoped3A_300 : memref<!tpu.dma_semaphore, #tpu.memory_space<semaphore_mem>>)
      %dma_wait3A_317 = arith.constant 0 : i32
      %dma_wait3A_318 = arith.constant 0 : i32
      %dma_wait3A_319 = tpu.memref_slice %arg7[%arg0, %dma_wait3A_317, %dma_wait3A_318] : memref<2x16x10240xf32, #tpu.memory_space<hbm>> -> memref<1x16x10240xf32, #tpu.memory_space<hbm>>
      %dma_wait3A_320 = tpu.memref_squeeze %dma_wait3A_319 : memref<1x16x10240xf32, #tpu.memory_space<hbm>> -> memref<16x10240xf32, #tpu.memory_space<hbm>>
      %dma_wait3A_321 = arith.constant 0 : i32
      %dma_wait3A_322 = tpu.memref_slice %dma_wait3A_320[%run_scoped3A_188, %dma_wait3A_321] : memref<16x10240xf32, #tpu.memory_space<hbm>> -> memref<1x10240xf32, #tpu.memory_space<hbm>>
      %dma_wait3A_323 = tpu.memref_squeeze %dma_wait3A_322 : memref<1x10240xf32, #tpu.memory_space<hbm>> -> memref<10240xf32, #tpu.memory_space<hbm>>
      %dma_wait3A_324 = tpu.memref_slice %dma_wait3A_323[%mul3A_187] : memref<10240xf32, #tpu.memory_space<hbm>> -> memref<640xf32, #tpu.memory_space<hbm>>
      %dma_wait3A_325 = arith.constant 0 : i32
      %dma_wait3A_326 = arith.constant 0 : i32
      %dma_wait3A_327 = tpu.memref_slice %arg7[%arg0, %dma_wait3A_325, %dma_wait3A_326] : memref<2x16x10240xf32, #tpu.memory_space<hbm>> -> memref<1x16x10240xf32, #tpu.memory_space<hbm>>
      %dma_wait3A_328 = tpu.memref_squeeze %dma_wait3A_327 : memref<1x16x10240xf32, #tpu.memory_space<hbm>> -> memref<16x10240xf32, #tpu.memory_space<hbm>>
      %dma_wait3A_329 = arith.constant 0 : i32
      %dma_wait3A_330 = tpu.memref_slice %dma_wait3A_328[%run_scoped3A_188, %dma_wait3A_329] : memref<16x10240xf32, #tpu.memory_space<hbm>> -> memref<1x10240xf32, #tpu.memory_space<hbm>>
      %dma_wait3A_331 = tpu.memref_squeeze %dma_wait3A_330 : memref<1x10240xf32, #tpu.memory_space<hbm>> -> memref<10240xf32, #tpu.memory_space<hbm>>
      %dma_wait3A_332 = tpu.memref_slice %dma_wait3A_331[%mul3A_187] : memref<10240xf32, #tpu.memory_space<hbm>> -> memref<640xf32, #tpu.memory_space<hbm>>
      tpu.wait_dma2 semaphore(%run_scoped3A_300 : memref<!tpu.dma_semaphore, #tpu.memory_space<semaphore_mem>>) src(%dma_wait3A_332 : memref<640xf32, #tpu.memory_space<hbm>>) dst(%arg22 : memref<640xf32, #tpu.memory_space<vmem>>)
      tpu.yield
    }) : () -> ()
    %scan3A_189 = arith.constant 0 : i32
    %scan3A_190 = arith.constant 0 : i32
    %scan3A_191 = arith.constant 40 : i32
    %scan3A_192 = arith.addi %scan3A_190, %scan3A_191 : i32
    %scan3A_193 = arith.constant 1 : i32
    scf.for %scan3A_300 = %scan3A_190 to %scan3A_192 step %scan3A_193  : i32 {
      %mul3A_301 = arith.constant 16 : i32
      %mul3A_302 = arith.muli %scan3A_300, %mul3A_301 : i32
      %get3A = arith.index_cast %mul3A_302 : i32 to index
      %get3A_303 = tpu.vector_load %arg21[%get3A] {strides = array<i32>} : memref<640xf32, #tpu.memory_space<vmem>>, vector<16xf32>,
      %get3A_304 = arith.index_cast %mul3A_302 : i32 to index
      %get3A_305 = tpu.vector_load %arg22[%get3A_304] {strides = array<i32>} : memref<640xf32, #tpu.memory_space<vmem>>, vector<16xf32>,
      %add3A_306 = arith.addf %get3A_303, %get3A_305 : vector<16xf32>
      %swap3A = arith.index_cast %mul3A_302 : i32 to index
      %swap3A_307 = tpu.vector_load %arg21[%swap3A] {strides = array<i32>} : memref<640xf32, #tpu.memory_space<vmem>>, vector<16xf32>,
      tpu.vector_store %arg21[%swap3A], %add3A_306 {strides = array<i32>} : memref<640xf32, #tpu.memory_space<vmem>>, vector<16xf32>,
    }
    %scan3A_194 = arith.constant 40 : i32
    %mul3A_195 = arith.constant 640 : i32
    %mul3A_196 = arith.muli %arg1, %mul3A_195 : i32
    %run_scoped3A_197 = arith.constant 5 : i32
    "tpu.region"() ({
      %run_scoped3A_300 = tpu.sem_alloc : memref<!tpu.dma_semaphore, #tpu.memory_space<semaphore_mem>>
      %dma_start3A_301 = arith.constant 0 : i32
      %dma_start3A_302 = arith.constant 0 : i32
      %dma_start3A_303 = tpu.memref_slice %arg7[%arg0, %dma_start3A_301, %dma_start3A_302] : memref<2x16x10240xf32, #tpu.memory_space<hbm>> -> memref<1x16x10240xf32, #tpu.memory_space<hbm>>
      %dma_start3A_304 = tpu.memref_squeeze %dma_start3A_303 : memref<1x16x10240xf32, #tpu.memory_space<hbm>> -> memref<16x10240xf32, #tpu.memory_space<hbm>>
      %dma_start3A_305 = arith.constant 0 : i32
      %dma_start3A_306 = tpu.memref_slice %dma_start3A_304[%run_scoped3A_197, %dma_start3A_305] : memref<16x10240xf32, #tpu.memory_space<hbm>> -> memref<1x10240xf32, #tpu.memory_space<hbm>>
      %dma_start3A_307 = tpu.memref_squeeze %dma_start3A_306 : memref<1x10240xf32, #tpu.memory_space<hbm>> -> memref<10240xf32, #tpu.memory_space<hbm>>
      %dma_start3A_308 = tpu.memref_slice %dma_start3A_307[%mul3A_196] : memref<10240xf32, #tpu.memory_space<hbm>> -> memref<640xf32, #tpu.memory_space<hbm>>
      %dma_start3A_309 = arith.constant 0 : i32
      %dma_start3A_310 = arith.constant 0 : i32
      %dma_start3A_311 = tpu.memref_slice %arg7[%arg0, %dma_start3A_309, %dma_start3A_310] : memref<2x16x10240xf32, #tpu.memory_space<hbm>> -> memref<1x16x10240xf32, #tpu.memory_space<hbm>>
      %dma_start3A_312 = tpu.memref_squeeze %dma_start3A_311 : memref<1x16x10240xf32, #tpu.memory_space<hbm>> -> memref<16x10240xf32, #tpu.memory_space<hbm>>
      %dma_start3A_313 = arith.constant 0 : i32
      %dma_start3A_314 = tpu.memref_slice %dma_start3A_312[%run_scoped3A_197, %dma_start3A_313] : memref<16x10240xf32, #tpu.memory_space<hbm>> -> memref<1x10240xf32, #tpu.memory_space<hbm>>
      %dma_start3A_315 = tpu.memref_squeeze %dma_start3A_314 : memref<1x10240xf32, #tpu.memory_space<hbm>> -> memref<10240xf32, #tpu.memory_space<hbm>>
      %dma_start3A_316 = tpu.memref_slice %dma_start3A_315[%mul3A_196] : memref<10240xf32, #tpu.memory_space<hbm>> -> memref<640xf32, #tpu.memory_space<hbm>>
      tpu.enqueue_dma source(%dma_start3A_316 : memref<640xf32, #tpu.memory_space<hbm>>) target(%arg22 : memref<640xf32, #tpu.memory_space<vmem>>) target_semaphore(%run_scoped3A_300 : memref<!tpu.dma_semaphore, #tpu.memory_space<semaphore_mem>>)
      %dma_wait3A_317 = arith.constant 0 : i32
      %dma_wait3A_318 = arith.constant 0 : i32
      %dma_wait3A_319 = tpu.memref_slice %arg7[%arg0, %dma_wait3A_317, %dma_wait3A_318] : memref<2x16x10240xf32, #tpu.memory_space<hbm>> -> memref<1x16x10240xf32, #tpu.memory_space<hbm>>
      %dma_wait3A_320 = tpu.memref_squeeze %dma_wait3A_319 : memref<1x16x10240xf32, #tpu.memory_space<hbm>> -> memref<16x10240xf32, #tpu.memory_space<hbm>>
      %dma_wait3A_321 = arith.constant 0 : i32
      %dma_wait3A_322 = tpu.memref_slice %dma_wait3A_320[%run_scoped3A_197, %dma_wait3A_321] : memref<16x10240xf32, #tpu.memory_space<hbm>> -> memref<1x10240xf32, #tpu.memory_space<hbm>>
      %dma_wait3A_323 = tpu.memref_squeeze %dma_wait3A_322 : memref<1x10240xf32, #tpu.memory_space<hbm>> -> memref<10240xf32, #tpu.memory_space<hbm>>
      %dma_wait3A_324 = tpu.memref_slice %dma_wait3A_323[%mul3A_196] : memref<10240xf32, #tpu.memory_space<hbm>> -> memref<640xf32, #tpu.memory_space<hbm>>
      %dma_wait3A_325 = arith.constant 0 : i32
      %dma_wait3A_326 = arith.constant 0 : i32
      %dma_wait3A_327 = tpu.memref_slice %arg7[%arg0, %dma_wait3A_325, %dma_wait3A_326] : memref<2x16x10240xf32, #tpu.memory_space<hbm>> -> memref<1x16x10240xf32, #tpu.memory_space<hbm>>
      %dma_wait3A_328 = tpu.memref_squeeze %dma_wait3A_327 : memref<1x16x10240xf32, #tpu.memory_space<hbm>> -> memref<16x10240xf32, #tpu.memory_space<hbm>>
      %dma_wait3A_329 = arith.constant 0 : i32
      %dma_wait3A_330 = tpu.memref_slice %dma_wait3A_328[%run_scoped3A_197, %dma_wait3A_329] : memref<16x10240xf32, #tpu.memory_space<hbm>> -> memref<1x10240xf32, #tpu.memory_space<hbm>>
      %dma_wait3A_331 = tpu.memref_squeeze %dma_wait3A_330 : memref<1x10240xf32, #tpu.memory_space<hbm>> -> memref<10240xf32, #tpu.memory_space<hbm>>
      %dma_wait3A_332 = tpu.memref_slice %dma_wait3A_331[%mul3A_196] : memref<10240xf32, #tpu.memory_space<hbm>> -> memref<640xf32, #tpu.memory_space<hbm>>
      tpu.wait_dma2 semaphore(%run_scoped3A_300 : memref<!tpu.dma_semaphore, #tpu.memory_space<semaphore_mem>>) src(%dma_wait3A_332 : memref<640xf32, #tpu.memory_space<hbm>>) dst(%arg22 : memref<640xf32, #tpu.memory_space<vmem>>)
      tpu.yield
    }) : () -> ()
    %scan3A_198 = arith.constant 0 : i32
    %scan3A_199 = arith.constant 0 : i32
    %scan3A_200 = arith.constant 40 : i32
    %scan3A_201 = arith.addi %scan3A_199, %scan3A_200 : i32
    %scan3A_202 = arith.constant 1 : i32
    scf.for %scan3A_300 = %scan3A_199 to %scan3A_201 step %scan3A_202  : i32 {
      %mul3A_301 = arith.constant 16 : i32
      %mul3A_302 = arith.muli %scan3A_300, %mul3A_301 : i32
      %get3A = arith.index_cast %mul3A_302 : i32 to index
      %get3A_303 = tpu.vector_load %arg21[%get3A] {strides = array<i32>} : memref<640xf32, #tpu.memory_space<vmem>>, vector<16xf32>,
      %get3A_304 = arith.index_cast %mul3A_302 : i32 to index
      %get3A_305 = tpu.vector_load %arg22[%get3A_304] {strides = array<i32>} : memref<640xf32, #tpu.memory_space<vmem>>, vector<16xf32>,
      %add3A_306 = arith.addf %get3A_303, %get3A_305 : vector<16xf32>
      %swap3A = arith.index_cast %mul3A_302 : i32 to index
      %swap3A_307 = tpu.vector_load %arg21[%swap3A] {strides = array<i32>} : memref<640xf32, #tpu.memory_space<vmem>>, vector<16xf32>,
      tpu.vector_store %arg21[%swap3A], %add3A_306 {strides = array<i32>} : memref<640xf32, #tpu.memory_space<vmem>>, vector<16xf32>,
    }
    %scan3A_203 = arith.constant 40 : i32
    %mul3A_204 = arith.constant 640 : i32
    %mul3A_205 = arith.muli %arg1, %mul3A_204 : i32
    %run_scoped3A_206 = arith.constant 6 : i32
    "tpu.region"() ({
      %run_scoped3A_300 = tpu.sem_alloc : memref<!tpu.dma_semaphore, #tpu.memory_space<semaphore_mem>>
      %dma_start3A_301 = arith.constant 0 : i32
      %dma_start3A_302 = arith.constant 0 : i32
      %dma_start3A_303 = tpu.memref_slice %arg7[%arg0, %dma_start3A_301, %dma_start3A_302] : memref<2x16x10240xf32, #tpu.memory_space<hbm>> -> memref<1x16x10240xf32, #tpu.memory_space<hbm>>
      %dma_start3A_304 = tpu.memref_squeeze %dma_start3A_303 : memref<1x16x10240xf32, #tpu.memory_space<hbm>> -> memref<16x10240xf32, #tpu.memory_space<hbm>>
      %dma_start3A_305 = arith.constant 0 : i32
      %dma_start3A_306 = tpu.memref_slice %dma_start3A_304[%run_scoped3A_206, %dma_start3A_305] : memref<16x10240xf32, #tpu.memory_space<hbm>> -> memref<1x10240xf32, #tpu.memory_space<hbm>>
      %dma_start3A_307 = tpu.memref_squeeze %dma_start3A_306 : memref<1x10240xf32, #tpu.memory_space<hbm>> -> memref<10240xf32, #tpu.memory_space<hbm>>
      %dma_start3A_308 = tpu.memref_slice %dma_start3A_307[%mul3A_205] : memref<10240xf32, #tpu.memory_space<hbm>> -> memref<640xf32, #tpu.memory_space<hbm>>
      %dma_start3A_309 = arith.constant 0 : i32
      %dma_start3A_310 = arith.constant 0 : i32
      %dma_start3A_311 = tpu.memref_slice %arg7[%arg0, %dma_start3A_309, %dma_start3A_310] : memref<2x16x10240xf32, #tpu.memory_space<hbm>> -> memref<1x16x10240xf32, #tpu.memory_space<hbm>>
      %dma_start3A_312 = tpu.memref_squeeze %dma_start3A_311 : memref<1x16x10240xf32, #tpu.memory_space<hbm>> -> memref<16x10240xf32, #tpu.memory_space<hbm>>
      %dma_start3A_313 = arith.constant 0 : i32
      %dma_start3A_314 = tpu.memref_slice %dma_start3A_312[%run_scoped3A_206, %dma_start3A_313] : memref<16x10240xf32, #tpu.memory_space<hbm>> -> memref<1x10240xf32, #tpu.memory_space<hbm>>
      %dma_start3A_315 = tpu.memref_squeeze %dma_start3A_314 : memref<1x10240xf32, #tpu.memory_space<hbm>> -> memref<10240xf32, #tpu.memory_space<hbm>>
      %dma_start3A_316 = tpu.memref_slice %dma_start3A_315[%mul3A_205] : memref<10240xf32, #tpu.memory_space<hbm>> -> memref<640xf32, #tpu.memory_space<hbm>>
      tpu.enqueue_dma source(%dma_start3A_316 : memref<640xf32, #tpu.memory_space<hbm>>) target(%arg22 : memref<640xf32, #tpu.memory_space<vmem>>) target_semaphore(%run_scoped3A_300 : memref<!tpu.dma_semaphore, #tpu.memory_space<semaphore_mem>>)
      %dma_wait3A_317 = arith.constant 0 : i32
      %dma_wait3A_318 = arith.constant 0 : i32
      %dma_wait3A_319 = tpu.memref_slice %arg7[%arg0, %dma_wait3A_317, %dma_wait3A_318] : memref<2x16x10240xf32, #tpu.memory_space<hbm>> -> memref<1x16x10240xf32, #tpu.memory_space<hbm>>
      %dma_wait3A_320 = tpu.memref_squeeze %dma_wait3A_319 : memref<1x16x10240xf32, #tpu.memory_space<hbm>> -> memref<16x10240xf32, #tpu.memory_space<hbm>>
      %dma_wait3A_321 = arith.constant 0 : i32
      %dma_wait3A_322 = tpu.memref_slice %dma_wait3A_320[%run_scoped3A_206, %dma_wait3A_321] : memref<16x10240xf32, #tpu.memory_space<hbm>> -> memref<1x10240xf32, #tpu.memory_space<hbm>>
      %dma_wait3A_323 = tpu.memref_squeeze %dma_wait3A_322 : memref<1x10240xf32, #tpu.memory_space<hbm>> -> memref<10240xf32, #tpu.memory_space<hbm>>
      %dma_wait3A_324 = tpu.memref_slice %dma_wait3A_323[%mul3A_205] : memref<10240xf32, #tpu.memory_space<hbm>> -> memref<640xf32, #tpu.memory_space<hbm>>
      %dma_wait3A_325 = arith.constant 0 : i32
      %dma_wait3A_326 = arith.constant 0 : i32
      %dma_wait3A_327 = tpu.memref_slice %arg7[%arg0, %dma_wait3A_325, %dma_wait3A_326] : memref<2x16x10240xf32, #tpu.memory_space<hbm>> -> memref<1x16x10240xf32, #tpu.memory_space<hbm>>
      %dma_wait3A_328 = tpu.memref_squeeze %dma_wait3A_327 : memref<1x16x10240xf32, #tpu.memory_space<hbm>> -> memref<16x10240xf32, #tpu.memory_space<hbm>>
      %dma_wait3A_329 = arith.constant 0 : i32
      %dma_wait3A_330 = tpu.memref_slice %dma_wait3A_328[%run_scoped3A_206, %dma_wait3A_329] : memref<16x10240xf32, #tpu.memory_space<hbm>> -> memref<1x10240xf32, #tpu.memory_space<hbm>>
      %dma_wait3A_331 = tpu.memref_squeeze %dma_wait3A_330 : memref<1x10240xf32, #tpu.memory_space<hbm>> -> memref<10240xf32, #tpu.memory_space<hbm>>
      %dma_wait3A_332 = tpu.memref_slice %dma_wait3A_331[%mul3A_205] : memref<10240xf32, #tpu.memory_space<hbm>> -> memref<640xf32, #tpu.memory_space<hbm>>
      tpu.wait_dma2 semaphore(%run_scoped3A_300 : memref<!tpu.dma_semaphore, #tpu.memory_space<semaphore_mem>>) src(%dma_wait3A_332 : memref<640xf32, #tpu.memory_space<hbm>>) dst(%arg22 : memref<640xf32, #tpu.memory_space<vmem>>)
      tpu.yield
    }) : () -> ()
    %scan3A_207 = arith.constant 0 : i32
    %scan3A_208 = arith.constant 0 : i32
    %scan3A_209 = arith.constant 40 : i32
    %scan3A_210 = arith.addi %scan3A_208, %scan3A_209 : i32
    %scan3A_211 = arith.constant 1 : i32
    scf.for %scan3A_300 = %scan3A_208 to %scan3A_210 step %scan3A_211  : i32 {
      %mul3A_301 = arith.constant 16 : i32
      %mul3A_302 = arith.muli %scan3A_300, %mul3A_301 : i32
      %get3A = arith.index_cast %mul3A_302 : i32 to index
      %get3A_303 = tpu.vector_load %arg21[%get3A] {strides = array<i32>} : memref<640xf32, #tpu.memory_space<vmem>>, vector<16xf32>,
      %get3A_304 = arith.index_cast %mul3A_302 : i32 to index
      %get3A_305 = tpu.vector_load %arg22[%get3A_304] {strides = array<i32>} : memref<640xf32, #tpu.memory_space<vmem>>, vector<16xf32>,
      %add3A_306 = arith.addf %get3A_303, %get3A_305 : vector<16xf32>
      %swap3A = arith.index_cast %mul3A_302 : i32 to index
      %swap3A_307 = tpu.vector_load %arg21[%swap3A] {strides = array<i32>} : memref<640xf32, #tpu.memory_space<vmem>>, vector<16xf32>,
      tpu.vector_store %arg21[%swap3A], %add3A_306 {strides = array<i32>} : memref<640xf32, #tpu.memory_space<vmem>>, vector<16xf32>,
    }
    %scan3A_212 = arith.constant 40 : i32
    %mul3A_213 = arith.constant 640 : i32
    %mul3A_214 = arith.muli %arg1, %mul3A_213 : i32
    %run_scoped3A_215 = arith.constant 7 : i32
    "tpu.region"() ({
      %run_scoped3A_300 = tpu.sem_alloc : memref<!tpu.dma_semaphore, #tpu.memory_space<semaphore_mem>>
      %dma_start3A_301 = arith.constant 0 : i32
      %dma_start3A_302 = arith.constant 0 : i32
      %dma_start3A_303 = tpu.memref_slice %arg7[%arg0, %dma_start3A_301, %dma_start3A_302] : memref<2x16x10240xf32, #tpu.memory_space<hbm>> -> memref<1x16x10240xf32, #tpu.memory_space<hbm>>
      %dma_start3A_304 = tpu.memref_squeeze %dma_start3A_303 : memref<1x16x10240xf32, #tpu.memory_space<hbm>> -> memref<16x10240xf32, #tpu.memory_space<hbm>>
      %dma_start3A_305 = arith.constant 0 : i32
      %dma_start3A_306 = tpu.memref_slice %dma_start3A_304[%run_scoped3A_215, %dma_start3A_305] : memref<16x10240xf32, #tpu.memory_space<hbm>> -> memref<1x10240xf32, #tpu.memory_space<hbm>>
      %dma_start3A_307 = tpu.memref_squeeze %dma_start3A_306 : memref<1x10240xf32, #tpu.memory_space<hbm>> -> memref<10240xf32, #tpu.memory_space<hbm>>
      %dma_start3A_308 = tpu.memref_slice %dma_start3A_307[%mul3A_214] : memref<10240xf32, #tpu.memory_space<hbm>> -> memref<640xf32, #tpu.memory_space<hbm>>
      %dma_start3A_309 = arith.constant 0 : i32
      %dma_start3A_310 = arith.constant 0 : i32
      %dma_start3A_311 = tpu.memref_slice %arg7[%arg0, %dma_start3A_309, %dma_start3A_310] : memref<2x16x10240xf32, #tpu.memory_space<hbm>> -> memref<1x16x10240xf32, #tpu.memory_space<hbm>>
      %dma_start3A_312 = tpu.memref_squeeze %dma_start3A_311 : memref<1x16x10240xf32, #tpu.memory_space<hbm>> -> memref<16x10240xf32, #tpu.memory_space<hbm>>
      %dma_start3A_313 = arith.constant 0 : i32
      %dma_start3A_314 = tpu.memref_slice %dma_start3A_312[%run_scoped3A_215, %dma_start3A_313] : memref<16x10240xf32, #tpu.memory_space<hbm>> -> memref<1x10240xf32, #tpu.memory_space<hbm>>
      %dma_start3A_315 = tpu.memref_squeeze %dma_start3A_314 : memref<1x10240xf32, #tpu.memory_space<hbm>> -> memref<10240xf32, #tpu.memory_space<hbm>>
      %dma_start3A_316 = tpu.memref_slice %dma_start3A_315[%mul3A_214] : memref<10240xf32, #tpu.memory_space<hbm>> -> memref<640xf32, #tpu.memory_space<hbm>>
      tpu.enqueue_dma source(%dma_start3A_316 : memref<640xf32, #tpu.memory_space<hbm>>) target(%arg22 : memref<640xf32, #tpu.memory_space<vmem>>) target_semaphore(%run_scoped3A_300 : memref<!tpu.dma_semaphore, #tpu.memory_space<semaphore_mem>>)
      %dma_wait3A_317 = arith.constant 0 : i32
      %dma_wait3A_318 = arith.constant 0 : i32
      %dma_wait3A_319 = tpu.memref_slice %arg7[%arg0, %dma_wait3A_317, %dma_wait3A_318] : memref<2x16x10240xf32, #tpu.memory_space<hbm>> -> memref<1x16x10240xf32, #tpu.memory_space<hbm>>
      %dma_wait3A_320 = tpu.memref_squeeze %dma_wait3A_319 : memref<1x16x10240xf32, #tpu.memory_space<hbm>> -> memref<16x10240xf32, #tpu.memory_space<hbm>>
      %dma_wait3A_321 = arith.constant 0 : i32
      %dma_wait3A_322 = tpu.memref_slice %dma_wait3A_320[%run_scoped3A_215, %dma_wait3A_321] : memref<16x10240xf32, #tpu.memory_space<hbm>> -> memref<1x10240xf32, #tpu.memory_space<hbm>>
      %dma_wait3A_323 = tpu.memref_squeeze %dma_wait3A_322 : memref<1x10240xf32, #tpu.memory_space<hbm>> -> memref<10240xf32, #tpu.memory_space<hbm>>
      %dma_wait3A_324 = tpu.memref_slice %dma_wait3A_323[%mul3A_214] : memref<10240xf32, #tpu.memory_space<hbm>> -> memref<640xf32, #tpu.memory_space<hbm>>
      %dma_wait3A_325 = arith.constant 0 : i32
      %dma_wait3A_326 = arith.constant 0 : i32
      %dma_wait3A_327 = tpu.memref_slice %arg7[%arg0, %dma_wait3A_325, %dma_wait3A_326] : memref<2x16x10240xf32, #tpu.memory_space<hbm>> -> memref<1x16x10240xf32, #tpu.memory_space<hbm>>
      %dma_wait3A_328 = tpu.memref_squeeze %dma_wait3A_327 : memref<1x16x10240xf32, #tpu.memory_space<hbm>> -> memref<16x10240xf32, #tpu.memory_space<hbm>>
      %dma_wait3A_329 = arith.constant 0 : i32
      %dma_wait3A_330 = tpu.memref_slice %dma_wait3A_328[%run_scoped3A_215, %dma_wait3A_329] : memref<16x10240xf32, #tpu.memory_space<hbm>> -> memref<1x10240xf32, #tpu.memory_space<hbm>>
      %dma_wait3A_331 = tpu.memref_squeeze %dma_wait3A_330 : memref<1x10240xf32, #tpu.memory_space<hbm>> -> memref<10240xf32, #tpu.memory_space<hbm>>
      %dma_wait3A_332 = tpu.memref_slice %dma_wait3A_331[%mul3A_214] : memref<10240xf32, #tpu.memory_space<hbm>> -> memref<640xf32, #tpu.memory_space<hbm>>
      tpu.wait_dma2 semaphore(%run_scoped3A_300 : memref<!tpu.dma_semaphore, #tpu.memory_space<semaphore_mem>>) src(%dma_wait3A_332 : memref<640xf32, #tpu.memory_space<hbm>>) dst(%arg22 : memref<640xf32, #tpu.memory_space<vmem>>)
      tpu.yield
    }) : () -> ()
    %scan3A_216 = arith.constant 0 : i32
    %scan3A_217 = arith.constant 0 : i32
    %scan3A_218 = arith.constant 40 : i32
    %scan3A_219 = arith.addi %scan3A_217, %scan3A_218 : i32
    %scan3A_220 = arith.constant 1 : i32
    scf.for %scan3A_300 = %scan3A_217 to %scan3A_219 step %scan3A_220  : i32 {
      %mul3A_301 = arith.constant 16 : i32
      %mul3A_302 = arith.muli %scan3A_300, %mul3A_301 : i32
      %get3A = arith.index_cast %mul3A_302 : i32 to index
      %get3A_303 = tpu.vector_load %arg21[%get3A] {strides = array<i32>} : memref<640xf32, #tpu.memory_space<vmem>>, vector<16xf32>,
      %get3A_304 = arith.index_cast %mul3A_302 : i32 to index
      %get3A_305 = tpu.vector_load %arg22[%get3A_304] {strides = array<i32>} : memref<640xf32, #tpu.memory_space<vmem>>, vector<16xf32>,
      %add3A_306 = arith.addf %get3A_303, %get3A_305 : vector<16xf32>
      %swap3A = arith.index_cast %mul3A_302 : i32 to index
      %swap3A_307 = tpu.vector_load %arg21[%swap3A] {strides = array<i32>} : memref<640xf32, #tpu.memory_space<vmem>>, vector<16xf32>,
      tpu.vector_store %arg21[%swap3A], %add3A_306 {strides = array<i32>} : memref<640xf32, #tpu.memory_space<vmem>>, vector<16xf32>,
    }
    %scan3A_221 = arith.constant 40 : i32
    %mul3A_222 = arith.constant 640 : i32
    %mul3A_223 = arith.muli %arg1, %mul3A_222 : i32
    %run_scoped3A_224 = arith.constant 8 : i32
    "tpu.region"() ({
      %run_scoped3A_300 = tpu.sem_alloc : memref<!tpu.dma_semaphore, #tpu.memory_space<semaphore_mem>>
      %dma_start3A_301 = arith.constant 0 : i32
      %dma_start3A_302 = arith.constant 0 : i32
      %dma_start3A_303 = tpu.memref_slice %arg7[%arg0, %dma_start3A_301, %dma_start3A_302] : memref<2x16x10240xf32, #tpu.memory_space<hbm>> -> memref<1x16x10240xf32, #tpu.memory_space<hbm>>
      %dma_start3A_304 = tpu.memref_squeeze %dma_start3A_303 : memref<1x16x10240xf32, #tpu.memory_space<hbm>> -> memref<16x10240xf32, #tpu.memory_space<hbm>>
      %dma_start3A_305 = arith.constant 0 : i32
      %dma_start3A_306 = tpu.memref_slice %dma_start3A_304[%run_scoped3A_224, %dma_start3A_305] : memref<16x10240xf32, #tpu.memory_space<hbm>> -> memref<1x10240xf32, #tpu.memory_space<hbm>>
      %dma_start3A_307 = tpu.memref_squeeze %dma_start3A_306 : memref<1x10240xf32, #tpu.memory_space<hbm>> -> memref<10240xf32, #tpu.memory_space<hbm>>
      %dma_start3A_308 = tpu.memref_slice %dma_start3A_307[%mul3A_223] : memref<10240xf32, #tpu.memory_space<hbm>> -> memref<640xf32, #tpu.memory_space<hbm>>
      %dma_start3A_309 = arith.constant 0 : i32
      %dma_start3A_310 = arith.constant 0 : i32
      %dma_start3A_311 = tpu.memref_slice %arg7[%arg0, %dma_start3A_309, %dma_start3A_310] : memref<2x16x10240xf32, #tpu.memory_space<hbm>> -> memref<1x16x10240xf32, #tpu.memory_space<hbm>>
      %dma_start3A_312 = tpu.memref_squeeze %dma_start3A_311 : memref<1x16x10240xf32, #tpu.memory_space<hbm>> -> memref<16x10240xf32, #tpu.memory_space<hbm>>
      %dma_start3A_313 = arith.constant 0 : i32
      %dma_start3A_314 = tpu.memref_slice %dma_start3A_312[%run_scoped3A_224, %dma_start3A_313] : memref<16x10240xf32, #tpu.memory_space<hbm>> -> memref<1x10240xf32, #tpu.memory_space<hbm>>
      %dma_start3A_315 = tpu.memref_squeeze %dma_start3A_314 : memref<1x10240xf32, #tpu.memory_space<hbm>> -> memref<10240xf32, #tpu.memory_space<hbm>>
      %dma_start3A_316 = tpu.memref_slice %dma_start3A_315[%mul3A_223] : memref<10240xf32, #tpu.memory_space<hbm>> -> memref<640xf32, #tpu.memory_space<hbm>>
      tpu.enqueue_dma source(%dma_start3A_316 : memref<640xf32, #tpu.memory_space<hbm>>) target(%arg22 : memref<640xf32, #tpu.memory_space<vmem>>) target_semaphore(%run_scoped3A_300 : memref<!tpu.dma_semaphore, #tpu.memory_space<semaphore_mem>>)
      %dma_wait3A_317 = arith.constant 0 : i32
      %dma_wait3A_318 = arith.constant 0 : i32
      %dma_wait3A_319 = tpu.memref_slice %arg7[%arg0, %dma_wait3A_317, %dma_wait3A_318] : memref<2x16x10240xf32, #tpu.memory_space<hbm>> -> memref<1x16x10240xf32, #tpu.memory_space<hbm>>
      %dma_wait3A_320 = tpu.memref_squeeze %dma_wait3A_319 : memref<1x16x10240xf32, #tpu.memory_space<hbm>> -> memref<16x10240xf32, #tpu.memory_space<hbm>>
      %dma_wait3A_321 = arith.constant 0 : i32
      %dma_wait3A_322 = tpu.memref_slice %dma_wait3A_320[%run_scoped3A_224, %dma_wait3A_321] : memref<16x10240xf32, #tpu.memory_space<hbm>> -> memref<1x10240xf32, #tpu.memory_space<hbm>>
      %dma_wait3A_323 = tpu.memref_squeeze %dma_wait3A_322 : memref<1x10240xf32, #tpu.memory_space<hbm>> -> memref<10240xf32, #tpu.memory_space<hbm>>
      %dma_wait3A_324 = tpu.memref_slice %dma_wait3A_323[%mul3A_223] : memref<10240xf32, #tpu.memory_space<hbm>> -> memref<640xf32, #tpu.memory_space<hbm>>
      %dma_wait3A_325 = arith.constant 0 : i32
      %dma_wait3A_326 = arith.constant 0 : i32
      %dma_wait3A_327 = tpu.memref_slice %arg7[%arg0, %dma_wait3A_325, %dma_wait3A_326] : memref<2x16x10240xf32, #tpu.memory_space<hbm>> -> memref<1x16x10240xf32, #tpu.memory_space<hbm>>
      %dma_wait3A_328 = tpu.memref_squeeze %dma_wait3A_327 : memref<1x16x10240xf32, #tpu.memory_space<hbm>> -> memref<16x10240xf32, #tpu.memory_space<hbm>>
      %dma_wait3A_329 = arith.constant 0 : i32
      %dma_wait3A_330 = tpu.memref_slice %dma_wait3A_328[%run_scoped3A_224, %dma_wait3A_329] : memref<16x10240xf32, #tpu.memory_space<hbm>> -> memref<1x10240xf32, #tpu.memory_space<hbm>>
      %dma_wait3A_331 = tpu.memref_squeeze %dma_wait3A_330 : memref<1x10240xf32, #tpu.memory_space<hbm>> -> memref<10240xf32, #tpu.memory_space<hbm>>
      %dma_wait3A_332 = tpu.memref_slice %dma_wait3A_331[%mul3A_223] : memref<10240xf32, #tpu.memory_space<hbm>> -> memref<640xf32, #tpu.memory_space<hbm>>
      tpu.wait_dma2 semaphore(%run_scoped3A_300 : memref<!tpu.dma_semaphore, #tpu.memory_space<semaphore_mem>>) src(%dma_wait3A_332 : memref<640xf32, #tpu.memory_space<hbm>>) dst(%arg22 : memref<640xf32, #tpu.memory_space<vmem>>)
      tpu.yield
    }) : () -> ()
    %scan3A_225 = arith.constant 0 : i32
    %scan3A_226 = arith.constant 0 : i32
    %scan3A_227 = arith.constant 40 : i32
    %scan3A_228 = arith.addi %scan3A_226, %scan3A_227 : i32
    %scan3A_229 = arith.constant 1 : i32
    scf.for %scan3A_300 = %scan3A_226 to %scan3A_228 step %scan3A_229  : i32 {
      %mul3A_301 = arith.constant 16 : i32
      %mul3A_302 = arith.muli %scan3A_300, %mul3A_301 : i32
      %get3A = arith.index_cast %mul3A_302 : i32 to index
      %get3A_303 = tpu.vector_load %arg21[%get3A] {strides = array<i32>} : memref<640xf32, #tpu.memory_space<vmem>>, vector<16xf32>,
      %get3A_304 = arith.index_cast %mul3A_302 : i32 to index
      %get3A_305 = tpu.vector_load %arg22[%get3A_304] {strides = array<i32>} : memref<640xf32, #tpu.memory_space<vmem>>, vector<16xf32>,
      %add3A_306 = arith.addf %get3A_303, %get3A_305 : vector<16xf32>
      %swap3A = arith.index_cast %mul3A_302 : i32 to index
      %swap3A_307 = tpu.vector_load %arg21[%swap3A] {strides = array<i32>} : memref<640xf32, #tpu.memory_space<vmem>>, vector<16xf32>,
      tpu.vector_store %arg21[%swap3A], %add3A_306 {strides = array<i32>} : memref<640xf32, #tpu.memory_space<vmem>>, vector<16xf32>,
    }
    %scan3A_230 = arith.constant 40 : i32
    %mul3A_231 = arith.constant 640 : i32
    %mul3A_232 = arith.muli %arg1, %mul3A_231 : i32
    %run_scoped3A_233 = arith.constant 9 : i32
    "tpu.region"() ({
      %run_scoped3A_300 = tpu.sem_alloc : memref<!tpu.dma_semaphore, #tpu.memory_space<semaphore_mem>>
      %dma_start3A_301 = arith.constant 0 : i32
      %dma_start3A_302 = arith.constant 0 : i32
      %dma_start3A_303 = tpu.memref_slice %arg7[%arg0, %dma_start3A_301, %dma_start3A_302] : memref<2x16x10240xf32, #tpu.memory_space<hbm>> -> memref<1x16x10240xf32, #tpu.memory_space<hbm>>
      %dma_start3A_304 = tpu.memref_squeeze %dma_start3A_303 : memref<1x16x10240xf32, #tpu.memory_space<hbm>> -> memref<16x10240xf32, #tpu.memory_space<hbm>>
      %dma_start3A_305 = arith.constant 0 : i32
      %dma_start3A_306 = tpu.memref_slice %dma_start3A_304[%run_scoped3A_233, %dma_start3A_305] : memref<16x10240xf32, #tpu.memory_space<hbm>> -> memref<1x10240xf32, #tpu.memory_space<hbm>>
      %dma_start3A_307 = tpu.memref_squeeze %dma_start3A_306 : memref<1x10240xf32, #tpu.memory_space<hbm>> -> memref<10240xf32, #tpu.memory_space<hbm>>
      %dma_start3A_308 = tpu.memref_slice %dma_start3A_307[%mul3A_232] : memref<10240xf32, #tpu.memory_space<hbm>> -> memref<640xf32, #tpu.memory_space<hbm>>
      %dma_start3A_309 = arith.constant 0 : i32
      %dma_start3A_310 = arith.constant 0 : i32
      %dma_start3A_311 = tpu.memref_slice %arg7[%arg0, %dma_start3A_309, %dma_start3A_310] : memref<2x16x10240xf32, #tpu.memory_space<hbm>> -> memref<1x16x10240xf32, #tpu.memory_space<hbm>>
      %dma_start3A_312 = tpu.memref_squeeze %dma_start3A_311 : memref<1x16x10240xf32, #tpu.memory_space<hbm>> -> memref<16x10240xf32, #tpu.memory_space<hbm>>
      %dma_start3A_313 = arith.constant 0 : i32
      %dma_start3A_314 = tpu.memref_slice %dma_start3A_312[%run_scoped3A_233, %dma_start3A_313] : memref<16x10240xf32, #tpu.memory_space<hbm>> -> memref<1x10240xf32, #tpu.memory_space<hbm>>
      %dma_start3A_315 = tpu.memref_squeeze %dma_start3A_314 : memref<1x10240xf32, #tpu.memory_space<hbm>> -> memref<10240xf32, #tpu.memory_space<hbm>>
      %dma_start3A_316 = tpu.memref_slice %dma_start3A_315[%mul3A_232] : memref<10240xf32, #tpu.memory_space<hbm>> -> memref<640xf32, #tpu.memory_space<hbm>>
      tpu.enqueue_dma source(%dma_start3A_316 : memref<640xf32, #tpu.memory_space<hbm>>) target(%arg22 : memref<640xf32, #tpu.memory_space<vmem>>) target_semaphore(%run_scoped3A_300 : memref<!tpu.dma_semaphore, #tpu.memory_space<semaphore_mem>>)
      %dma_wait3A_317 = arith.constant 0 : i32
      %dma_wait3A_318 = arith.constant 0 : i32
      %dma_wait3A_319 = tpu.memref_slice %arg7[%arg0, %dma_wait3A_317, %dma_wait3A_318] : memref<2x16x10240xf32, #tpu.memory_space<hbm>> -> memref<1x16x10240xf32, #tpu.memory_space<hbm>>
      %dma_wait3A_320 = tpu.memref_squeeze %dma_wait3A_319 : memref<1x16x10240xf32, #tpu.memory_space<hbm>> -> memref<16x10240xf32, #tpu.memory_space<hbm>>
      %dma_wait3A_321 = arith.constant 0 : i32
      %dma_wait3A_322 = tpu.memref_slice %dma_wait3A_320[%run_scoped3A_233, %dma_wait3A_321] : memref<16x10240xf32, #tpu.memory_space<hbm>> -> memref<1x10240xf32, #tpu.memory_space<hbm>>
      %dma_wait3A_323 = tpu.memref_squeeze %dma_wait3A_322 : memref<1x10240xf32, #tpu.memory_space<hbm>> -> memref<10240xf32, #tpu.memory_space<hbm>>
      %dma_wait3A_324 = tpu.memref_slice %dma_wait3A_323[%mul3A_232] : memref<10240xf32, #tpu.memory_space<hbm>> -> memref<640xf32, #tpu.memory_space<hbm>>
      %dma_wait3A_325 = arith.constant 0 : i32
      %dma_wait3A_326 = arith.constant 0 : i32
      %dma_wait3A_327 = tpu.memref_slice %arg7[%arg0, %dma_wait3A_325, %dma_wait3A_326] : memref<2x16x10240xf32, #tpu.memory_space<hbm>> -> memref<1x16x10240xf32, #tpu.memory_space<hbm>>
      %dma_wait3A_328 = tpu.memref_squeeze %dma_wait3A_327 : memref<1x16x10240xf32, #tpu.memory_space<hbm>> -> memref<16x10240xf32, #tpu.memory_space<hbm>>
      %dma_wait3A_329 = arith.constant 0 : i32
      %dma_wait3A_330 = tpu.memref_slice %dma_wait3A_328[%run_scoped3A_233, %dma_wait3A_329] : memref<16x10240xf32, #tpu.memory_space<hbm>> -> memref<1x10240xf32, #tpu.memory_space<hbm>>
      %dma_wait3A_331 = tpu.memref_squeeze %dma_wait3A_330 : memref<1x10240xf32, #tpu.memory_space<hbm>> -> memref<10240xf32, #tpu.memory_space<hbm>>
      %dma_wait3A_332 = tpu.memref_slice %dma_wait3A_331[%mul3A_232] : memref<10240xf32, #tpu.memory_space<hbm>> -> memref<640xf32, #tpu.memory_space<hbm>>
      tpu.wait_dma2 semaphore(%run_scoped3A_300 : memref<!tpu.dma_semaphore, #tpu.memory_space<semaphore_mem>>) src(%dma_wait3A_332 : memref<640xf32, #tpu.memory_space<hbm>>) dst(%arg22 : memref<640xf32, #tpu.memory_space<vmem>>)
      tpu.yield
    }) : () -> ()
    %scan3A_234 = arith.constant 0 : i32
    %scan3A_235 = arith.constant 0 : i32
    %scan3A_236 = arith.constant 40 : i32
    %scan3A_237 = arith.addi %scan3A_235, %scan3A_236 : i32
    %scan3A_238 = arith.constant 1 : i32
    scf.for %scan3A_300 = %scan3A_235 to %scan3A_237 step %scan3A_238  : i32 {
      %mul3A_301 = arith.constant 16 : i32
      %mul3A_302 = arith.muli %scan3A_300, %mul3A_301 : i32
      %get3A = arith.index_cast %mul3A_302 : i32 to index
      %get3A_303 = tpu.vector_load %arg21[%get3A] {strides = array<i32>} : memref<640xf32, #tpu.memory_space<vmem>>, vector<16xf32>,
      %get3A_304 = arith.index_cast %mul3A_302 : i32 to index
      %get3A_305 = tpu.vector_load %arg22[%get3A_304] {strides = array<i32>} : memref<640xf32, #tpu.memory_space<vmem>>, vector<16xf32>,
      %add3A_306 = arith.addf %get3A_303, %get3A_305 : vector<16xf32>
      %swap3A = arith.index_cast %mul3A_302 : i32 to index
      %swap3A_307 = tpu.vector_load %arg21[%swap3A] {strides = array<i32>} : memref<640xf32, #tpu.memory_space<vmem>>, vector<16xf32>,
      tpu.vector_store %arg21[%swap3A], %add3A_306 {strides = array<i32>} : memref<640xf32, #tpu.memory_space<vmem>>, vector<16xf32>,
    }
    %scan3A_239 = arith.constant 40 : i32
    %mul3A_240 = arith.constant 640 : i32
    %mul3A_241 = arith.muli %arg1, %mul3A_240 : i32
    %run_scoped3A_242 = arith.constant 10 : i32
    "tpu.region"() ({
      %run_scoped3A_300 = tpu.sem_alloc : memref<!tpu.dma_semaphore, #tpu.memory_space<semaphore_mem>>
      %dma_start3A_301 = arith.constant 0 : i32
      %dma_start3A_302 = arith.constant 0 : i32
      %dma_start3A_303 = tpu.memref_slice %arg7[%arg0, %dma_start3A_301, %dma_start3A_302] : memref<2x16x10240xf32, #tpu.memory_space<hbm>> -> memref<1x16x10240xf32, #tpu.memory_space<hbm>>
      %dma_start3A_304 = tpu.memref_squeeze %dma_start3A_303 : memref<1x16x10240xf32, #tpu.memory_space<hbm>> -> memref<16x10240xf32, #tpu.memory_space<hbm>>
      %dma_start3A_305 = arith.constant 0 : i32
      %dma_start3A_306 = tpu.memref_slice %dma_start3A_304[%run_scoped3A_242, %dma_start3A_305] : memref<16x10240xf32, #tpu.memory_space<hbm>> -> memref<1x10240xf32, #tpu.memory_space<hbm>>
      %dma_start3A_307 = tpu.memref_squeeze %dma_start3A_306 : memref<1x10240xf32, #tpu.memory_space<hbm>> -> memref<10240xf32, #tpu.memory_space<hbm>>
      %dma_start3A_308 = tpu.memref_slice %dma_start3A_307[%mul3A_241] : memref<10240xf32, #tpu.memory_space<hbm>> -> memref<640xf32, #tpu.memory_space<hbm>>
      %dma_start3A_309 = arith.constant 0 : i32
      %dma_start3A_310 = arith.constant 0 : i32
      %dma_start3A_311 = tpu.memref_slice %arg7[%arg0, %dma_start3A_309, %dma_start3A_310] : memref<2x16x10240xf32, #tpu.memory_space<hbm>> -> memref<1x16x10240xf32, #tpu.memory_space<hbm>>
      %dma_start3A_312 = tpu.memref_squeeze %dma_start3A_311 : memref<1x16x10240xf32, #tpu.memory_space<hbm>> -> memref<16x10240xf32, #tpu.memory_space<hbm>>
      %dma_start3A_313 = arith.constant 0 : i32
      %dma_start3A_314 = tpu.memref_slice %dma_start3A_312[%run_scoped3A_242, %dma_start3A_313] : memref<16x10240xf32, #tpu.memory_space<hbm>> -> memref<1x10240xf32, #tpu.memory_space<hbm>>
      %dma_start3A_315 = tpu.memref_squeeze %dma_start3A_314 : memref<1x10240xf32, #tpu.memory_space<hbm>> -> memref<10240xf32, #tpu.memory_space<hbm>>
      %dma_start3A_316 = tpu.memref_slice %dma_start3A_315[%mul3A_241] : memref<10240xf32, #tpu.memory_space<hbm>> -> memref<640xf32, #tpu.memory_space<hbm>>
      tpu.enqueue_dma source(%dma_start3A_316 : memref<640xf32, #tpu.memory_space<hbm>>) target(%arg22 : memref<640xf32, #tpu.memory_space<vmem>>) target_semaphore(%run_scoped3A_300 : memref<!tpu.dma_semaphore, #tpu.memory_space<semaphore_mem>>)
      %dma_wait3A_317 = arith.constant 0 : i32
      %dma_wait3A_318 = arith.constant 0 : i32
      %dma_wait3A_319 = tpu.memref_slice %arg7[%arg0, %dma_wait3A_317, %dma_wait3A_318] : memref<2x16x10240xf32, #tpu.memory_space<hbm>> -> memref<1x16x10240xf32, #tpu.memory_space<hbm>>
      %dma_wait3A_320 = tpu.memref_squeeze %dma_wait3A_319 : memref<1x16x10240xf32, #tpu.memory_space<hbm>> -> memref<16x10240xf32, #tpu.memory_space<hbm>>
      %dma_wait3A_321 = arith.constant 0 : i32
      %dma_wait3A_322 = tpu.memref_slice %dma_wait3A_320[%run_scoped3A_242, %dma_wait3A_321] : memref<16x10240xf32, #tpu.memory_space<hbm>> -> memref<1x10240xf32, #tpu.memory_space<hbm>>
      %dma_wait3A_323 = tpu.memref_squeeze %dma_wait3A_322 : memref<1x10240xf32, #tpu.memory_space<hbm>> -> memref<10240xf32, #tpu.memory_space<hbm>>
      %dma_wait3A_324 = tpu.memref_slice %dma_wait3A_323[%mul3A_241] : memref<10240xf32, #tpu.memory_space<hbm>> -> memref<640xf32, #tpu.memory_space<hbm>>
      %dma_wait3A_325 = arith.constant 0 : i32
      %dma_wait3A_326 = arith.constant 0 : i32
      %dma_wait3A_327 = tpu.memref_slice %arg7[%arg0, %dma_wait3A_325, %dma_wait3A_326] : memref<2x16x10240xf32, #tpu.memory_space<hbm>> -> memref<1x16x10240xf32, #tpu.memory_space<hbm>>
      %dma_wait3A_328 = tpu.memref_squeeze %dma_wait3A_327 : memref<1x16x10240xf32, #tpu.memory_space<hbm>> -> memref<16x10240xf32, #tpu.memory_space<hbm>>
      %dma_wait3A_329 = arith.constant 0 : i32
      %dma_wait3A_330 = tpu.memref_slice %dma_wait3A_328[%run_scoped3A_242, %dma_wait3A_329] : memref<16x10240xf32, #tpu.memory_space<hbm>> -> memref<1x10240xf32, #tpu.memory_space<hbm>>
      %dma_wait3A_331 = tpu.memref_squeeze %dma_wait3A_330 : memref<1x10240xf32, #tpu.memory_space<hbm>> -> memref<10240xf32, #tpu.memory_space<hbm>>
      %dma_wait3A_332 = tpu.memref_slice %dma_wait3A_331[%mul3A_241] : memref<10240xf32, #tpu.memory_space<hbm>> -> memref<640xf32, #tpu.memory_space<hbm>>
      tpu.wait_dma2 semaphore(%run_scoped3A_300 : memref<!tpu.dma_semaphore, #tpu.memory_space<semaphore_mem>>) src(%dma_wait3A_332 : memref<640xf32, #tpu.memory_space<hbm>>) dst(%arg22 : memref<640xf32, #tpu.memory_space<vmem>>)
      tpu.yield
    }) : () -> ()
    %scan3A_243 = arith.constant 0 : i32
    %scan3A_244 = arith.constant 0 : i32
    %scan3A_245 = arith.constant 40 : i32
    %scan3A_246 = arith.addi %scan3A_244, %scan3A_245 : i32
    %scan3A_247 = arith.constant 1 : i32
    scf.for %scan3A_300 = %scan3A_244 to %scan3A_246 step %scan3A_247  : i32 {
      %mul3A_301 = arith.constant 16 : i32
      %mul3A_302 = arith.muli %scan3A_300, %mul3A_301 : i32
      %get3A = arith.index_cast %mul3A_302 : i32 to index
      %get3A_303 = tpu.vector_load %arg21[%get3A] {strides = array<i32>} : memref<640xf32, #tpu.memory_space<vmem>>, vector<16xf32>,
      %get3A_304 = arith.index_cast %mul3A_302 : i32 to index
      %get3A_305 = tpu.vector_load %arg22[%get3A_304] {strides = array<i32>} : memref<640xf32, #tpu.memory_space<vmem>>, vector<16xf32>,
      %add3A_306 = arith.addf %get3A_303, %get3A_305 : vector<16xf32>
      %swap3A = arith.index_cast %mul3A_302 : i32 to index
      %swap3A_307 = tpu.vector_load %arg21[%swap3A] {strides = array<i32>} : memref<640xf32, #tpu.memory_space<vmem>>, vector<16xf32>,
      tpu.vector_store %arg21[%swap3A], %add3A_306 {strides = array<i32>} : memref<640xf32, #tpu.memory_space<vmem>>, vector<16xf32>,
    }
    %scan3A_248 = arith.constant 40 : i32
    %mul3A_249 = arith.constant 640 : i32
    %mul3A_250 = arith.muli %arg1, %mul3A_249 : i32
    %run_scoped3A_251 = arith.constant 11 : i32
    "tpu.region"() ({
      %run_scoped3A_300 = tpu.sem_alloc : memref<!tpu.dma_semaphore, #tpu.memory_space<semaphore_mem>>
      %dma_start3A_301 = arith.constant 0 : i32
      %dma_start3A_302 = arith.constant 0 : i32
      %dma_start3A_303 = tpu.memref_slice %arg7[%arg0, %dma_start3A_301, %dma_start3A_302] : memref<2x16x10240xf32, #tpu.memory_space<hbm>> -> memref<1x16x10240xf32, #tpu.memory_space<hbm>>
      %dma_start3A_304 = tpu.memref_squeeze %dma_start3A_303 : memref<1x16x10240xf32, #tpu.memory_space<hbm>> -> memref<16x10240xf32, #tpu.memory_space<hbm>>
      %dma_start3A_305 = arith.constant 0 : i32
      %dma_start3A_306 = tpu.memref_slice %dma_start3A_304[%run_scoped3A_251, %dma_start3A_305] : memref<16x10240xf32, #tpu.memory_space<hbm>> -> memref<1x10240xf32, #tpu.memory_space<hbm>>
      %dma_start3A_307 = tpu.memref_squeeze %dma_start3A_306 : memref<1x10240xf32, #tpu.memory_space<hbm>> -> memref<10240xf32, #tpu.memory_space<hbm>>
      %dma_start3A_308 = tpu.memref_slice %dma_start3A_307[%mul3A_250] : memref<10240xf32, #tpu.memory_space<hbm>> -> memref<640xf32, #tpu.memory_space<hbm>>
      %dma_start3A_309 = arith.constant 0 : i32
      %dma_start3A_310 = arith.constant 0 : i32
      %dma_start3A_311 = tpu.memref_slice %arg7[%arg0, %dma_start3A_309, %dma_start3A_310] : memref<2x16x10240xf32, #tpu.memory_space<hbm>> -> memref<1x16x10240xf32, #tpu.memory_space<hbm>>
      %dma_start3A_312 = tpu.memref_squeeze %dma_start3A_311 : memref<1x16x10240xf32, #tpu.memory_space<hbm>> -> memref<16x10240xf32, #tpu.memory_space<hbm>>
      %dma_start3A_313 = arith.constant 0 : i32
      %dma_start3A_314 = tpu.memref_slice %dma_start3A_312[%run_scoped3A_251, %dma_start3A_313] : memref<16x10240xf32, #tpu.memory_space<hbm>> -> memref<1x10240xf32, #tpu.memory_space<hbm>>
      %dma_start3A_315 = tpu.memref_squeeze %dma_start3A_314 : memref<1x10240xf32, #tpu.memory_space<hbm>> -> memref<10240xf32, #tpu.memory_space<hbm>>
      %dma_start3A_316 = tpu.memref_slice %dma_start3A_315[%mul3A_250] : memref<10240xf32, #tpu.memory_space<hbm>> -> memref<640xf32, #tpu.memory_space<hbm>>
      tpu.enqueue_dma source(%dma_start3A_316 : memref<640xf32, #tpu.memory_space<hbm>>) target(%arg22 : memref<640xf32, #tpu.memory_space<vmem>>) target_semaphore(%run_scoped3A_300 : memref<!tpu.dma_semaphore, #tpu.memory_space<semaphore_mem>>)
      %dma_wait3A_317 = arith.constant 0 : i32
      %dma_wait3A_318 = arith.constant 0 : i32
      %dma_wait3A_319 = tpu.memref_slice %arg7[%arg0, %dma_wait3A_317, %dma_wait3A_318] : memref<2x16x10240xf32, #tpu.memory_space<hbm>> -> memref<1x16x10240xf32, #tpu.memory_space<hbm>>
      %dma_wait3A_320 = tpu.memref_squeeze %dma_wait3A_319 : memref<1x16x10240xf32, #tpu.memory_space<hbm>> -> memref<16x10240xf32, #tpu.memory_space<hbm>>
      %dma_wait3A_321 = arith.constant 0 : i32
      %dma_wait3A_322 = tpu.memref_slice %dma_wait3A_320[%run_scoped3A_251, %dma_wait3A_321] : memref<16x10240xf32, #tpu.memory_space<hbm>> -> memref<1x10240xf32, #tpu.memory_space<hbm>>
      %dma_wait3A_323 = tpu.memref_squeeze %dma_wait3A_322 : memref<1x10240xf32, #tpu.memory_space<hbm>> -> memref<10240xf32, #tpu.memory_space<hbm>>
      %dma_wait3A_324 = tpu.memref_slice %dma_wait3A_323[%mul3A_250] : memref<10240xf32, #tpu.memory_space<hbm>> -> memref<640xf32, #tpu.memory_space<hbm>>
      %dma_wait3A_325 = arith.constant 0 : i32
      %dma_wait3A_326 = arith.constant 0 : i32
      %dma_wait3A_327 = tpu.memref_slice %arg7[%arg0, %dma_wait3A_325, %dma_wait3A_326] : memref<2x16x10240xf32, #tpu.memory_space<hbm>> -> memref<1x16x10240xf32, #tpu.memory_space<hbm>>
      %dma_wait3A_328 = tpu.memref_squeeze %dma_wait3A_327 : memref<1x16x10240xf32, #tpu.memory_space<hbm>> -> memref<16x10240xf32, #tpu.memory_space<hbm>>
      %dma_wait3A_329 = arith.constant 0 : i32
      %dma_wait3A_330 = tpu.memref_slice %dma_wait3A_328[%run_scoped3A_251, %dma_wait3A_329] : memref<16x10240xf32, #tpu.memory_space<hbm>> -> memref<1x10240xf32, #tpu.memory_space<hbm>>
      %dma_wait3A_331 = tpu.memref_squeeze %dma_wait3A_330 : memref<1x10240xf32, #tpu.memory_space<hbm>> -> memref<10240xf32, #tpu.memory_space<hbm>>
      %dma_wait3A_332 = tpu.memref_slice %dma_wait3A_331[%mul3A_250] : memref<10240xf32, #tpu.memory_space<hbm>> -> memref<640xf32, #tpu.memory_space<hbm>>
      tpu.wait_dma2 semaphore(%run_scoped3A_300 : memref<!tpu.dma_semaphore, #tpu.memory_space<semaphore_mem>>) src(%dma_wait3A_332 : memref<640xf32, #tpu.memory_space<hbm>>) dst(%arg22 : memref<640xf32, #tpu.memory_space<vmem>>)
      tpu.yield
    }) : () -> ()
    %scan3A_252 = arith.constant 0 : i32
    %scan3A_253 = arith.constant 0 : i32
    %scan3A_254 = arith.constant 40 : i32
    %scan3A_255 = arith.addi %scan3A_253, %scan3A_254 : i32
    %scan3A_256 = arith.constant 1 : i32
    scf.for %scan3A_300 = %scan3A_253 to %scan3A_255 step %scan3A_256  : i32 {
      %mul3A_301 = arith.constant 16 : i32
      %mul3A_302 = arith.muli %scan3A_300, %mul3A_301 : i32
      %get3A = arith.index_cast %mul3A_302 : i32 to index
      %get3A_303 = tpu.vector_load %arg21[%get3A] {strides = array<i32>} : memref<640xf32, #tpu.memory_space<vmem>>, vector<16xf32>,
      %get3A_304 = arith.index_cast %mul3A_302 : i32 to index
      %get3A_305 = tpu.vector_load %arg22[%get3A_304] {strides = array<i32>} : memref<640xf32, #tpu.memory_space<vmem>>, vector<16xf32>,
      %add3A_306 = arith.addf %get3A_303, %get3A_305 : vector<16xf32>
      %swap3A = arith.index_cast %mul3A_302 : i32 to index
      %swap3A_307 = tpu.vector_load %arg21[%swap3A] {strides = array<i32>} : memref<640xf32, #tpu.memory_space<vmem>>, vector<16xf32>,
      tpu.vector_store %arg21[%swap3A], %add3A_306 {strides = array<i32>} : memref<640xf32, #tpu.memory_space<vmem>>, vector<16xf32>,
    }
    %scan3A_257 = arith.constant 40 : i32
    %mul3A_258 = arith.constant 640 : i32
    %mul3A_259 = arith.muli %arg1, %mul3A_258 : i32
    %run_scoped3A_260 = arith.constant 12 : i32
    "tpu.region"() ({
      %run_scoped3A_300 = tpu.sem_alloc : memref<!tpu.dma_semaphore, #tpu.memory_space<semaphore_mem>>
      %dma_start3A_301 = arith.constant 0 : i32
      %dma_start3A_302 = arith.constant 0 : i32
      %dma_start3A_303 = tpu.memref_slice %arg7[%arg0, %dma_start3A_301, %dma_start3A_302] : memref<2x16x10240xf32, #tpu.memory_space<hbm>> -> memref<1x16x10240xf32, #tpu.memory_space<hbm>>
      %dma_start3A_304 = tpu.memref_squeeze %dma_start3A_303 : memref<1x16x10240xf32, #tpu.memory_space<hbm>> -> memref<16x10240xf32, #tpu.memory_space<hbm>>
      %dma_start3A_305 = arith.constant 0 : i32
      %dma_start3A_306 = tpu.memref_slice %dma_start3A_304[%run_scoped3A_260, %dma_start3A_305] : memref<16x10240xf32, #tpu.memory_space<hbm>> -> memref<1x10240xf32, #tpu.memory_space<hbm>>
      %dma_start3A_307 = tpu.memref_squeeze %dma_start3A_306 : memref<1x10240xf32, #tpu.memory_space<hbm>> -> memref<10240xf32, #tpu.memory_space<hbm>>
      %dma_start3A_308 = tpu.memref_slice %dma_start3A_307[%mul3A_259] : memref<10240xf32, #tpu.memory_space<hbm>> -> memref<640xf32, #tpu.memory_space<hbm>>
      %dma_start3A_309 = arith.constant 0 : i32
      %dma_start3A_310 = arith.constant 0 : i32
      %dma_start3A_311 = tpu.memref_slice %arg7[%arg0, %dma_start3A_309, %dma_start3A_310] : memref<2x16x10240xf32, #tpu.memory_space<hbm>> -> memref<1x16x10240xf32, #tpu.memory_space<hbm>>
      %dma_start3A_312 = tpu.memref_squeeze %dma_start3A_311 : memref<1x16x10240xf32, #tpu.memory_space<hbm>> -> memref<16x10240xf32, #tpu.memory_space<hbm>>
      %dma_start3A_313 = arith.constant 0 : i32
      %dma_start3A_314 = tpu.memref_slice %dma_start3A_312[%run_scoped3A_260, %dma_start3A_313] : memref<16x10240xf32, #tpu.memory_space<hbm>> -> memref<1x10240xf32, #tpu.memory_space<hbm>>
      %dma_start3A_315 = tpu.memref_squeeze %dma_start3A_314 : memref<1x10240xf32, #tpu.memory_space<hbm>> -> memref<10240xf32, #tpu.memory_space<hbm>>
      %dma_start3A_316 = tpu.memref_slice %dma_start3A_315[%mul3A_259] : memref<10240xf32, #tpu.memory_space<hbm>> -> memref<640xf32, #tpu.memory_space<hbm>>
      tpu.enqueue_dma source(%dma_start3A_316 : memref<640xf32, #tpu.memory_space<hbm>>) target(%arg22 : memref<640xf32, #tpu.memory_space<vmem>>) target_semaphore(%run_scoped3A_300 : memref<!tpu.dma_semaphore, #tpu.memory_space<semaphore_mem>>)
      %dma_wait3A_317 = arith.constant 0 : i32
      %dma_wait3A_318 = arith.constant 0 : i32
      %dma_wait3A_319 = tpu.memref_slice %arg7[%arg0, %dma_wait3A_317, %dma_wait3A_318] : memref<2x16x10240xf32, #tpu.memory_space<hbm>> -> memref<1x16x10240xf32, #tpu.memory_space<hbm>>
      %dma_wait3A_320 = tpu.memref_squeeze %dma_wait3A_319 : memref<1x16x10240xf32, #tpu.memory_space<hbm>> -> memref<16x10240xf32, #tpu.memory_space<hbm>>
      %dma_wait3A_321 = arith.constant 0 : i32
      %dma_wait3A_322 = tpu.memref_slice %dma_wait3A_320[%run_scoped3A_260, %dma_wait3A_321] : memref<16x10240xf32, #tpu.memory_space<hbm>> -> memref<1x10240xf32, #tpu.memory_space<hbm>>
      %dma_wait3A_323 = tpu.memref_squeeze %dma_wait3A_322 : memref<1x10240xf32, #tpu.memory_space<hbm>> -> memref<10240xf32, #tpu.memory_space<hbm>>
      %dma_wait3A_324 = tpu.memref_slice %dma_wait3A_323[%mul3A_259] : memref<10240xf32, #tpu.memory_space<hbm>> -> memref<640xf32, #tpu.memory_space<hbm>>
      %dma_wait3A_325 = arith.constant 0 : i32
      %dma_wait3A_326 = arith.constant 0 : i32
      %dma_wait3A_327 = tpu.memref_slice %arg7[%arg0, %dma_wait3A_325, %dma_wait3A_326] : memref<2x16x10240xf32, #tpu.memory_space<hbm>> -> memref<1x16x10240xf32, #tpu.memory_space<hbm>>
      %dma_wait3A_328 = tpu.memref_squeeze %dma_wait3A_327 : memref<1x16x10240xf32, #tpu.memory_space<hbm>> -> memref<16x10240xf32, #tpu.memory_space<hbm>>
      %dma_wait3A_329 = arith.constant 0 : i32
      %dma_wait3A_330 = tpu.memref_slice %dma_wait3A_328[%run_scoped3A_260, %dma_wait3A_329] : memref<16x10240xf32, #tpu.memory_space<hbm>> -> memref<1x10240xf32, #tpu.memory_space<hbm>>
      %dma_wait3A_331 = tpu.memref_squeeze %dma_wait3A_330 : memref<1x10240xf32, #tpu.memory_space<hbm>> -> memref<10240xf32, #tpu.memory_space<hbm>>
      %dma_wait3A_332 = tpu.memref_slice %dma_wait3A_331[%mul3A_259] : memref<10240xf32, #tpu.memory_space<hbm>> -> memref<640xf32, #tpu.memory_space<hbm>>
      tpu.wait_dma2 semaphore(%run_scoped3A_300 : memref<!tpu.dma_semaphore, #tpu.memory_space<semaphore_mem>>) src(%dma_wait3A_332 : memref<640xf32, #tpu.memory_space<hbm>>) dst(%arg22 : memref<640xf32, #tpu.memory_space<vmem>>)
      tpu.yield
    }) : () -> ()
    %scan3A_261 = arith.constant 0 : i32
    %scan3A_262 = arith.constant 0 : i32
    %scan3A_263 = arith.constant 40 : i32
    %scan3A_264 = arith.addi %scan3A_262, %scan3A_263 : i32
    %scan3A_265 = arith.constant 1 : i32
    scf.for %scan3A_300 = %scan3A_262 to %scan3A_264 step %scan3A_265  : i32 {
      %mul3A_301 = arith.constant 16 : i32
      %mul3A_302 = arith.muli %scan3A_300, %mul3A_301 : i32
      %get3A = arith.index_cast %mul3A_302 : i32 to index
      %get3A_303 = tpu.vector_load %arg21[%get3A] {strides = array<i32>} : memref<640xf32, #tpu.memory_space<vmem>>, vector<16xf32>,
      %get3A_304 = arith.index_cast %mul3A_302 : i32 to index
      %get3A_305 = tpu.vector_load %arg22[%get3A_304] {strides = array<i32>} : memref<640xf32, #tpu.memory_space<vmem>>, vector<16xf32>,
      %add3A_306 = arith.addf %get3A_303, %get3A_305 : vector<16xf32>
      %swap3A = arith.index_cast %mul3A_302 : i32 to index
      %swap3A_307 = tpu.vector_load %arg21[%swap3A] {strides = array<i32>} : memref<640xf32, #tpu.memory_space<vmem>>, vector<16xf32>,
      tpu.vector_store %arg21[%swap3A], %add3A_306 {strides = array<i32>} : memref<640xf32, #tpu.memory_space<vmem>>, vector<16xf32>,
    }
    %scan3A_266 = arith.constant 40 : i32
    %mul3A_267 = arith.constant 640 : i32
    %mul3A_268 = arith.muli %arg1, %mul3A_267 : i32
    %run_scoped3A_269 = arith.constant 13 : i32
    "tpu.region"() ({
      %run_scoped3A_300 = tpu.sem_alloc : memref<!tpu.dma_semaphore, #tpu.memory_space<semaphore_mem>>
      %dma_start3A_301 = arith.constant 0 : i32
      %dma_start3A_302 = arith.constant 0 : i32
      %dma_start3A_303 = tpu.memref_slice %arg7[%arg0, %dma_start3A_301, %dma_start3A_302] : memref<2x16x10240xf32, #tpu.memory_space<hbm>> -> memref<1x16x10240xf32, #tpu.memory_space<hbm>>
      %dma_start3A_304 = tpu.memref_squeeze %dma_start3A_303 : memref<1x16x10240xf32, #tpu.memory_space<hbm>> -> memref<16x10240xf32, #tpu.memory_space<hbm>>
      %dma_start3A_305 = arith.constant 0 : i32
      %dma_start3A_306 = tpu.memref_slice %dma_start3A_304[%run_scoped3A_269, %dma_start3A_305] : memref<16x10240xf32, #tpu.memory_space<hbm>> -> memref<1x10240xf32, #tpu.memory_space<hbm>>
      %dma_start3A_307 = tpu.memref_squeeze %dma_start3A_306 : memref<1x10240xf32, #tpu.memory_space<hbm>> -> memref<10240xf32, #tpu.memory_space<hbm>>
      %dma_start3A_308 = tpu.memref_slice %dma_start3A_307[%mul3A_268] : memref<10240xf32, #tpu.memory_space<hbm>> -> memref<640xf32, #tpu.memory_space<hbm>>
      %dma_start3A_309 = arith.constant 0 : i32
      %dma_start3A_310 = arith.constant 0 : i32
      %dma_start3A_311 = tpu.memref_slice %arg7[%arg0, %dma_start3A_309, %dma_start3A_310] : memref<2x16x10240xf32, #tpu.memory_space<hbm>> -> memref<1x16x10240xf32, #tpu.memory_space<hbm>>
      %dma_start3A_312 = tpu.memref_squeeze %dma_start3A_311 : memref<1x16x10240xf32, #tpu.memory_space<hbm>> -> memref<16x10240xf32, #tpu.memory_space<hbm>>
      %dma_start3A_313 = arith.constant 0 : i32
      %dma_start3A_314 = tpu.memref_slice %dma_start3A_312[%run_scoped3A_269, %dma_start3A_313] : memref<16x10240xf32, #tpu.memory_space<hbm>> -> memref<1x10240xf32, #tpu.memory_space<hbm>>
      %dma_start3A_315 = tpu.memref_squeeze %dma_start3A_314 : memref<1x10240xf32, #tpu.memory_space<hbm>> -> memref<10240xf32, #tpu.memory_space<hbm>>
      %dma_start3A_316 = tpu.memref_slice %dma_start3A_315[%mul3A_268] : memref<10240xf32, #tpu.memory_space<hbm>> -> memref<640xf32, #tpu.memory_space<hbm>>
      tpu.enqueue_dma source(%dma_start3A_316 : memref<640xf32, #tpu.memory_space<hbm>>) target(%arg22 : memref<640xf32, #tpu.memory_space<vmem>>) target_semaphore(%run_scoped3A_300 : memref<!tpu.dma_semaphore, #tpu.memory_space<semaphore_mem>>)
      %dma_wait3A_317 = arith.constant 0 : i32
      %dma_wait3A_318 = arith.constant 0 : i32
      %dma_wait3A_319 = tpu.memref_slice %arg7[%arg0, %dma_wait3A_317, %dma_wait3A_318] : memref<2x16x10240xf32, #tpu.memory_space<hbm>> -> memref<1x16x10240xf32, #tpu.memory_space<hbm>>
      %dma_wait3A_320 = tpu.memref_squeeze %dma_wait3A_319 : memref<1x16x10240xf32, #tpu.memory_space<hbm>> -> memref<16x10240xf32, #tpu.memory_space<hbm>>
      %dma_wait3A_321 = arith.constant 0 : i32
      %dma_wait3A_322 = tpu.memref_slice %dma_wait3A_320[%run_scoped3A_269, %dma_wait3A_321] : memref<16x10240xf32, #tpu.memory_space<hbm>> -> memref<1x10240xf32, #tpu.memory_space<hbm>>
      %dma_wait3A_323 = tpu.memref_squeeze %dma_wait3A_322 : memref<1x10240xf32, #tpu.memory_space<hbm>> -> memref<10240xf32, #tpu.memory_space<hbm>>
      %dma_wait3A_324 = tpu.memref_slice %dma_wait3A_323[%mul3A_268] : memref<10240xf32, #tpu.memory_space<hbm>> -> memref<640xf32, #tpu.memory_space<hbm>>
      %dma_wait3A_325 = arith.constant 0 : i32
      %dma_wait3A_326 = arith.constant 0 : i32
      %dma_wait3A_327 = tpu.memref_slice %arg7[%arg0, %dma_wait3A_325, %dma_wait3A_326] : memref<2x16x10240xf32, #tpu.memory_space<hbm>> -> memref<1x16x10240xf32, #tpu.memory_space<hbm>>
      %dma_wait3A_328 = tpu.memref_squeeze %dma_wait3A_327 : memref<1x16x10240xf32, #tpu.memory_space<hbm>> -> memref<16x10240xf32, #tpu.memory_space<hbm>>
      %dma_wait3A_329 = arith.constant 0 : i32
      %dma_wait3A_330 = tpu.memref_slice %dma_wait3A_328[%run_scoped3A_269, %dma_wait3A_329] : memref<16x10240xf32, #tpu.memory_space<hbm>> -> memref<1x10240xf32, #tpu.memory_space<hbm>>
      %dma_wait3A_331 = tpu.memref_squeeze %dma_wait3A_330 : memref<1x10240xf32, #tpu.memory_space<hbm>> -> memref<10240xf32, #tpu.memory_space<hbm>>
      %dma_wait3A_332 = tpu.memref_slice %dma_wait3A_331[%mul3A_268] : memref<10240xf32, #tpu.memory_space<hbm>> -> memref<640xf32, #tpu.memory_space<hbm>>
      tpu.wait_dma2 semaphore(%run_scoped3A_300 : memref<!tpu.dma_semaphore, #tpu.memory_space<semaphore_mem>>) src(%dma_wait3A_332 : memref<640xf32, #tpu.memory_space<hbm>>) dst(%arg22 : memref<640xf32, #tpu.memory_space<vmem>>)
      tpu.yield
    }) : () -> ()
    %scan3A_270 = arith.constant 0 : i32
    %scan3A_271 = arith.constant 0 : i32
    %scan3A_272 = arith.constant 40 : i32
    %scan3A_273 = arith.addi %scan3A_271, %scan3A_272 : i32
    %scan3A_274 = arith.constant 1 : i32
    scf.for %scan3A_300 = %scan3A_271 to %scan3A_273 step %scan3A_274  : i32 {
      %mul3A_301 = arith.constant 16 : i32
      %mul3A_302 = arith.muli %scan3A_300, %mul3A_301 : i32
      %get3A = arith.index_cast %mul3A_302 : i32 to index
      %get3A_303 = tpu.vector_load %arg21[%get3A] {strides = array<i32>} : memref<640xf32, #tpu.memory_space<vmem>>, vector<16xf32>,
      %get3A_304 = arith.index_cast %mul3A_302 : i32 to index
      %get3A_305 = tpu.vector_load %arg22[%get3A_304] {strides = array<i32>} : memref<640xf32, #tpu.memory_space<vmem>>, vector<16xf32>,
      %add3A_306 = arith.addf %get3A_303, %get3A_305 : vector<16xf32>
      %swap3A = arith.index_cast %mul3A_302 : i32 to index
      %swap3A_307 = tpu.vector_load %arg21[%swap3A] {strides = array<i32>} : memref<640xf32, #tpu.memory_space<vmem>>, vector<16xf32>,
      tpu.vector_store %arg21[%swap3A], %add3A_306 {strides = array<i32>} : memref<640xf32, #tpu.memory_space<vmem>>, vector<16xf32>,
    }
    %scan3A_275 = arith.constant 40 : i32
    %mul3A_276 = arith.constant 640 : i32
    %mul3A_277 = arith.muli %arg1, %mul3A_276 : i32
    %run_scoped3A_278 = arith.constant 14 : i32
    "tpu.region"() ({
      %run_scoped3A_300 = tpu.sem_alloc : memref<!tpu.dma_semaphore, #tpu.memory_space<semaphore_mem>>
      %dma_start3A_301 = arith.constant 0 : i32
      %dma_start3A_302 = arith.constant 0 : i32
      %dma_start3A_303 = tpu.memref_slice %arg7[%arg0, %dma_start3A_301, %dma_start3A_302] : memref<2x16x10240xf32, #tpu.memory_space<hbm>> -> memref<1x16x10240xf32, #tpu.memory_space<hbm>>
      %dma_start3A_304 = tpu.memref_squeeze %dma_start3A_303 : memref<1x16x10240xf32, #tpu.memory_space<hbm>> -> memref<16x10240xf32, #tpu.memory_space<hbm>>
      %dma_start3A_305 = arith.constant 0 : i32
      %dma_start3A_306 = tpu.memref_slice %dma_start3A_304[%run_scoped3A_278, %dma_start3A_305] : memref<16x10240xf32, #tpu.memory_space<hbm>> -> memref<1x10240xf32, #tpu.memory_space<hbm>>
      %dma_start3A_307 = tpu.memref_squeeze %dma_start3A_306 : memref<1x10240xf32, #tpu.memory_space<hbm>> -> memref<10240xf32, #tpu.memory_space<hbm>>
      %dma_start3A_308 = tpu.memref_slice %dma_start3A_307[%mul3A_277] : memref<10240xf32, #tpu.memory_space<hbm>> -> memref<640xf32, #tpu.memory_space<hbm>>
      %dma_start3A_309 = arith.constant 0 : i32
      %dma_start3A_310 = arith.constant 0 : i32
      %dma_start3A_311 = tpu.memref_slice %arg7[%arg0, %dma_start3A_309, %dma_start3A_310] : memref<2x16x10240xf32, #tpu.memory_space<hbm>> -> memref<1x16x10240xf32, #tpu.memory_space<hbm>>
      %dma_start3A_312 = tpu.memref_squeeze %dma_start3A_311 : memref<1x16x10240xf32, #tpu.memory_space<hbm>> -> memref<16x10240xf32, #tpu.memory_space<hbm>>
      %dma_start3A_313 = arith.constant 0 : i32
      %dma_start3A_314 = tpu.memref_slice %dma_start3A_312[%run_scoped3A_278, %dma_start3A_313] : memref<16x10240xf32, #tpu.memory_space<hbm>> -> memref<1x10240xf32, #tpu.memory_space<hbm>>
      %dma_start3A_315 = tpu.memref_squeeze %dma_start3A_314 : memref<1x10240xf32, #tpu.memory_space<hbm>> -> memref<10240xf32, #tpu.memory_space<hbm>>
      %dma_start3A_316 = tpu.memref_slice %dma_start3A_315[%mul3A_277] : memref<10240xf32, #tpu.memory_space<hbm>> -> memref<640xf32, #tpu.memory_space<hbm>>
      tpu.enqueue_dma source(%dma_start3A_316 : memref<640xf32, #tpu.memory_space<hbm>>) target(%arg22 : memref<640xf32, #tpu.memory_space<vmem>>) target_semaphore(%run_scoped3A_300 : memref<!tpu.dma_semaphore, #tpu.memory_space<semaphore_mem>>)
      %dma_wait3A_317 = arith.constant 0 : i32
      %dma_wait3A_318 = arith.constant 0 : i32
      %dma_wait3A_319 = tpu.memref_slice %arg7[%arg0, %dma_wait3A_317, %dma_wait3A_318] : memref<2x16x10240xf32, #tpu.memory_space<hbm>> -> memref<1x16x10240xf32, #tpu.memory_space<hbm>>
      %dma_wait3A_320 = tpu.memref_squeeze %dma_wait3A_319 : memref<1x16x10240xf32, #tpu.memory_space<hbm>> -> memref<16x10240xf32, #tpu.memory_space<hbm>>
      %dma_wait3A_321 = arith.constant 0 : i32
      %dma_wait3A_322 = tpu.memref_slice %dma_wait3A_320[%run_scoped3A_278, %dma_wait3A_321] : memref<16x10240xf32, #tpu.memory_space<hbm>> -> memref<1x10240xf32, #tpu.memory_space<hbm>>
      %dma_wait3A_323 = tpu.memref_squeeze %dma_wait3A_322 : memref<1x10240xf32, #tpu.memory_space<hbm>> -> memref<10240xf32, #tpu.memory_space<hbm>>
      %dma_wait3A_324 = tpu.memref_slice %dma_wait3A_323[%mul3A_277] : memref<10240xf32, #tpu.memory_space<hbm>> -> memref<640xf32, #tpu.memory_space<hbm>>
      %dma_wait3A_325 = arith.constant 0 : i32
      %dma_wait3A_326 = arith.constant 0 : i32
      %dma_wait3A_327 = tpu.memref_slice %arg7[%arg0, %dma_wait3A_325, %dma_wait3A_326] : memref<2x16x10240xf32, #tpu.memory_space<hbm>> -> memref<1x16x10240xf32, #tpu.memory_space<hbm>>
      %dma_wait3A_328 = tpu.memref_squeeze %dma_wait3A_327 : memref<1x16x10240xf32, #tpu.memory_space<hbm>> -> memref<16x10240xf32, #tpu.memory_space<hbm>>
      %dma_wait3A_329 = arith.constant 0 : i32
      %dma_wait3A_330 = tpu.memref_slice %dma_wait3A_328[%run_scoped3A_278, %dma_wait3A_329] : memref<16x10240xf32, #tpu.memory_space<hbm>> -> memref<1x10240xf32, #tpu.memory_space<hbm>>
      %dma_wait3A_331 = tpu.memref_squeeze %dma_wait3A_330 : memref<1x10240xf32, #tpu.memory_space<hbm>> -> memref<10240xf32, #tpu.memory_space<hbm>>
      %dma_wait3A_332 = tpu.memref_slice %dma_wait3A_331[%mul3A_277] : memref<10240xf32, #tpu.memory_space<hbm>> -> memref<640xf32, #tpu.memory_space<hbm>>
      tpu.wait_dma2 semaphore(%run_scoped3A_300 : memref<!tpu.dma_semaphore, #tpu.memory_space<semaphore_mem>>) src(%dma_wait3A_332 : memref<640xf32, #tpu.memory_space<hbm>>) dst(%arg22 : memref<640xf32, #tpu.memory_space<vmem>>)
      tpu.yield
    }) : () -> ()
    %scan3A_279 = arith.constant 0 : i32
    %scan3A_280 = arith.constant 0 : i32
    %scan3A_281 = arith.constant 40 : i32
    %scan3A_282 = arith.addi %scan3A_280, %scan3A_281 : i32
    %scan3A_283 = arith.constant 1 : i32
    scf.for %scan3A_300 = %scan3A_280 to %scan3A_282 step %scan3A_283  : i32 {
      %mul3A_301 = arith.constant 16 : i32
      %mul3A_302 = arith.muli %scan3A_300, %mul3A_301 : i32
      %get3A = arith.index_cast %mul3A_302 : i32 to index
      %get3A_303 = tpu.vector_load %arg21[%get3A] {strides = array<i32>} : memref<640xf32, #tpu.memory_space<vmem>>, vector<16xf32>,
      %get3A_304 = arith.index_cast %mul3A_302 : i32 to index
      %get3A_305 = tpu.vector_load %arg22[%get3A_304] {strides = array<i32>} : memref<640xf32, #tpu.memory_space<vmem>>, vector<16xf32>,
      %add3A_306 = arith.addf %get3A_303, %get3A_305 : vector<16xf32>
      %swap3A = arith.index_cast %mul3A_302 : i32 to index
      %swap3A_307 = tpu.vector_load %arg21[%swap3A] {strides = array<i32>} : memref<640xf32, #tpu.memory_space<vmem>>, vector<16xf32>,
      tpu.vector_store %arg21[%swap3A], %add3A_306 {strides = array<i32>} : memref<640xf32, #tpu.memory_space<vmem>>, vector<16xf32>,
    }
    %scan3A_284 = arith.constant 40 : i32
    %mul3A_285 = arith.constant 640 : i32
    %mul3A_286 = arith.muli %arg1, %mul3A_285 : i32
    %run_scoped3A_287 = arith.constant 15 : i32
    "tpu.region"() ({
      %run_scoped3A_300 = tpu.sem_alloc : memref<!tpu.dma_semaphore, #tpu.memory_space<semaphore_mem>>
      %dma_start3A_301 = arith.constant 0 : i32
      %dma_start3A_302 = arith.constant 0 : i32
      %dma_start3A_303 = tpu.memref_slice %arg7[%arg0, %dma_start3A_301, %dma_start3A_302] : memref<2x16x10240xf32, #tpu.memory_space<hbm>> -> memref<1x16x10240xf32, #tpu.memory_space<hbm>>
      %dma_start3A_304 = tpu.memref_squeeze %dma_start3A_303 : memref<1x16x10240xf32, #tpu.memory_space<hbm>> -> memref<16x10240xf32, #tpu.memory_space<hbm>>
      %dma_start3A_305 = arith.constant 0 : i32
      %dma_start3A_306 = tpu.memref_slice %dma_start3A_304[%run_scoped3A_287, %dma_start3A_305] : memref<16x10240xf32, #tpu.memory_space<hbm>> -> memref<1x10240xf32, #tpu.memory_space<hbm>>
      %dma_start3A_307 = tpu.memref_squeeze %dma_start3A_306 : memref<1x10240xf32, #tpu.memory_space<hbm>> -> memref<10240xf32, #tpu.memory_space<hbm>>
      %dma_start3A_308 = tpu.memref_slice %dma_start3A_307[%mul3A_286] : memref<10240xf32, #tpu.memory_space<hbm>> -> memref<640xf32, #tpu.memory_space<hbm>>
      %dma_start3A_309 = arith.constant 0 : i32
      %dma_start3A_310 = arith.constant 0 : i32
      %dma_start3A_311 = tpu.memref_slice %arg7[%arg0, %dma_start3A_309, %dma_start3A_310] : memref<2x16x10240xf32, #tpu.memory_space<hbm>> -> memref<1x16x10240xf32, #tpu.memory_space<hbm>>
      %dma_start3A_312 = tpu.memref_squeeze %dma_start3A_311 : memref<1x16x10240xf32, #tpu.memory_space<hbm>> -> memref<16x10240xf32, #tpu.memory_space<hbm>>
      %dma_start3A_313 = arith.constant 0 : i32
      %dma_start3A_314 = tpu.memref_slice %dma_start3A_312[%run_scoped3A_287, %dma_start3A_313] : memref<16x10240xf32, #tpu.memory_space<hbm>> -> memref<1x10240xf32, #tpu.memory_space<hbm>>
      %dma_start3A_315 = tpu.memref_squeeze %dma_start3A_314 : memref<1x10240xf32, #tpu.memory_space<hbm>> -> memref<10240xf32, #tpu.memory_space<hbm>>
      %dma_start3A_316 = tpu.memref_slice %dma_start3A_315[%mul3A_286] : memref<10240xf32, #tpu.memory_space<hbm>> -> memref<640xf32, #tpu.memory_space<hbm>>
      tpu.enqueue_dma source(%dma_start3A_316 : memref<640xf32, #tpu.memory_space<hbm>>) target(%arg22 : memref<640xf32, #tpu.memory_space<vmem>>) target_semaphore(%run_scoped3A_300 : memref<!tpu.dma_semaphore, #tpu.memory_space<semaphore_mem>>)
      %dma_wait3A_317 = arith.constant 0 : i32
      %dma_wait3A_318 = arith.constant 0 : i32
      %dma_wait3A_319 = tpu.memref_slice %arg7[%arg0, %dma_wait3A_317, %dma_wait3A_318] : memref<2x16x10240xf32, #tpu.memory_space<hbm>> -> memref<1x16x10240xf32, #tpu.memory_space<hbm>>
      %dma_wait3A_320 = tpu.memref_squeeze %dma_wait3A_319 : memref<1x16x10240xf32, #tpu.memory_space<hbm>> -> memref<16x10240xf32, #tpu.memory_space<hbm>>
      %dma_wait3A_321 = arith.constant 0 : i32
      %dma_wait3A_322 = tpu.memref_slice %dma_wait3A_320[%run_scoped3A_287, %dma_wait3A_321] : memref<16x10240xf32, #tpu.memory_space<hbm>> -> memref<1x10240xf32, #tpu.memory_space<hbm>>
      %dma_wait3A_323 = tpu.memref_squeeze %dma_wait3A_322 : memref<1x10240xf32, #tpu.memory_space<hbm>> -> memref<10240xf32, #tpu.memory_space<hbm>>
      %dma_wait3A_324 = tpu.memref_slice %dma_wait3A_323[%mul3A_286] : memref<10240xf32, #tpu.memory_space<hbm>> -> memref<640xf32, #tpu.memory_space<hbm>>
      %dma_wait3A_325 = arith.constant 0 : i32
      %dma_wait3A_326 = arith.constant 0 : i32
      %dma_wait3A_327 = tpu.memref_slice %arg7[%arg0, %dma_wait3A_325, %dma_wait3A_326] : memref<2x16x10240xf32, #tpu.memory_space<hbm>> -> memref<1x16x10240xf32, #tpu.memory_space<hbm>>
      %dma_wait3A_328 = tpu.memref_squeeze %dma_wait3A_327 : memref<1x16x10240xf32, #tpu.memory_space<hbm>> -> memref<16x10240xf32, #tpu.memory_space<hbm>>
      %dma_wait3A_329 = arith.constant 0 : i32
      %dma_wait3A_330 = tpu.memref_slice %dma_wait3A_328[%run_scoped3A_287, %dma_wait3A_329] : memref<16x10240xf32, #tpu.memory_space<hbm>> -> memref<1x10240xf32, #tpu.memory_space<hbm>>
      %dma_wait3A_331 = tpu.memref_squeeze %dma_wait3A_330 : memref<1x10240xf32, #tpu.memory_space<hbm>> -> memref<10240xf32, #tpu.memory_space<hbm>>
      %dma_wait3A_332 = tpu.memref_slice %dma_wait3A_331[%mul3A_286] : memref<10240xf32, #tpu.memory_space<hbm>> -> memref<640xf32, #tpu.memory_space<hbm>>
      tpu.wait_dma2 semaphore(%run_scoped3A_300 : memref<!tpu.dma_semaphore, #tpu.memory_space<semaphore_mem>>) src(%dma_wait3A_332 : memref<640xf32, #tpu.memory_space<hbm>>) dst(%arg22 : memref<640xf32, #tpu.memory_space<vmem>>)
      tpu.yield
    }) : () -> ()
    %scan3A_288 = arith.constant 0 : i32
    %scan3A_289 = arith.constant 0 : i32
    %scan3A_290 = arith.constant 40 : i32
    %scan3A_291 = arith.addi %scan3A_289, %scan3A_290 : i32
    %scan3A_292 = arith.constant 1 : i32
    scf.for %scan3A_300 = %scan3A_289 to %scan3A_291 step %scan3A_292  : i32 {
      %mul3A_301 = arith.constant 16 : i32
      %mul3A_302 = arith.muli %scan3A_300, %mul3A_301 : i32
      %get3A = arith.index_cast %mul3A_302 : i32 to index
      %get3A_303 = tpu.vector_load %arg21[%get3A] {strides = array<i32>} : memref<640xf32, #tpu.memory_space<vmem>>, vector<16xf32>,
      %get3A_304 = arith.index_cast %mul3A_302 : i32 to index
      %get3A_305 = tpu.vector_load %arg22[%get3A_304] {strides = array<i32>} : memref<640xf32, #tpu.memory_space<vmem>>, vector<16xf32>,
      %add3A_306 = arith.addf %get3A_303, %get3A_305 : vector<16xf32>
      %swap3A = arith.index_cast %mul3A_302 : i32 to index
      %swap3A_307 = tpu.vector_load %arg21[%swap3A] {strides = array<i32>} : memref<640xf32, #tpu.memory_space<vmem>>, vector<16xf32>,
      tpu.vector_store %arg21[%swap3A], %add3A_306 {strides = array<i32>} : memref<640xf32, #tpu.memory_space<vmem>>, vector<16xf32>,
    }
    %scan3A_293 = arith.constant 40 : i32
    %mul3A_294 = arith.constant 640 : i32
    %mul3A_295 = arith.muli %arg1, %mul3A_294 : i32
    %mul3A_296 = arith.constant 640 : i32
    %mul3A_297 = arith.muli %arg1, %mul3A_296 : i32
    "tpu.region"() ({
      %run_scoped3A_300 = tpu.sem_alloc : memref<!tpu.dma_semaphore, #tpu.memory_space<semaphore_mem>>
      %dma_start3A_301 = arith.constant 0 : i32
      %dma_start3A_302 = arith.constant 0 : i32
      %dma_start3A_303 = tpu.memref_slice %arg5[%arg0, %dma_start3A_301, %dma_start3A_302] : memref<2x10240x128xf32, #tpu.memory_space<hbm>> -> memref<1x10240x128xf32, #tpu.memory_space<hbm>>
      %dma_start3A_304 = tpu.memref_squeeze %dma_start3A_303 : memref<1x10240x128xf32, #tpu.memory_space<hbm>> -> memref<10240x128xf32, #tpu.memory_space<hbm>>
      %dma_start3A_305 = arith.constant 0 : i32
      %dma_start3A_306 = tpu.memref_slice %dma_start3A_304[%mul3A_297, %dma_start3A_305] : memref<10240x128xf32, #tpu.memory_space<hbm>> -> memref<640x128xf32, #tpu.memory_space<hbm>>
      %dma_start3A_307 = arith.constant 0 : i32
      %dma_start3A_308 = tpu.memref_slice %arg23[%mul3A_295, %dma_start3A_307] : memref<10240x128xf32, #tpu.memory_space<vmem_shared>> -> memref<640x128xf32, #tpu.memory_space<vmem_shared>>
      tpu.enqueue_dma source(%dma_start3A_308 : memref<640x128xf32, #tpu.memory_space<vmem_shared>>) target(%dma_start3A_306 : memref<640x128xf32, #tpu.memory_space<hbm>>) target_semaphore(%run_scoped3A_300 : memref<!tpu.dma_semaphore, #tpu.memory_space<semaphore_mem>>)
      %dma_wait3A_309 = arith.constant 0 : i32
      %dma_wait3A_310 = arith.constant 0 : i32
      %dma_wait3A_311 = tpu.memref_slice %arg5[%arg0, %dma_wait3A_309, %dma_wait3A_310] : memref<2x10240x128xf32, #tpu.memory_space<hbm>> -> memref<1x10240x128xf32, #tpu.memory_space<hbm>>
      %dma_wait3A_312 = tpu.memref_squeeze %dma_wait3A_311 : memref<1x10240x128xf32, #tpu.memory_space<hbm>> -> memref<10240x128xf32, #tpu.memory_space<hbm>>
      %dma_wait3A_313 = arith.constant 0 : i32
      %dma_wait3A_314 = tpu.memref_slice %dma_wait3A_312[%mul3A_297, %dma_wait3A_313] : memref<10240x128xf32, #tpu.memory_space<hbm>> -> memref<640x128xf32, #tpu.memory_space<hbm>>
      %dma_wait3A_315 = arith.constant 0 : i32
      %dma_wait3A_316 = tpu.memref_slice %arg23[%mul3A_295, %dma_wait3A_315] : memref<10240x128xf32, #tpu.memory_space<vmem_shared>> -> memref<640x128xf32, #tpu.memory_space<vmem_shared>>
      tpu.wait_dma2 semaphore(%run_scoped3A_300 : memref<!tpu.dma_semaphore, #tpu.memory_space<semaphore_mem>>) src(%dma_wait3A_316 : memref<640x128xf32, #tpu.memory_space<vmem_shared>>) dst(%dma_wait3A_314 : memref<640x128xf32, #tpu.memory_space<hbm>>)
      tpu.yield
    }) : () -> ()
    %mul3A_298 = arith.constant 640 : i32
    %mul3A_299 = arith.muli %arg1, %mul3A_298 : i32
    "tpu.region"() ({
      %run_scoped3A_300 = tpu.sem_alloc : memref<!tpu.dma_semaphore, #tpu.memory_space<semaphore_mem>>
      %dma_start3A_301 = arith.constant 0 : i32
      %dma_start3A_302 = tpu.memref_slice %arg6[%arg0, %dma_start3A_301] : memref<2x10240xf32, #tpu.memory_space<hbm>> -> memref<1x10240xf32, #tpu.memory_space<hbm>>
      %dma_start3A_303 = tpu.memref_squeeze %dma_start3A_302 : memref<1x10240xf32, #tpu.memory_space<hbm>> -> memref<10240xf32, #tpu.memory_space<hbm>>
      %dma_start3A_304 = tpu.memref_slice %dma_start3A_303[%mul3A_299] : memref<10240xf32, #tpu.memory_space<hbm>> -> memref<640xf32, #tpu.memory_space<hbm>>
      %dma_start3A_305 = arith.constant 0 : i32
      %dma_start3A_306 = tpu.memref_slice %arg6[%arg0, %dma_start3A_305] : memref<2x10240xf32, #tpu.memory_space<hbm>> -> memref<1x10240xf32, #tpu.memory_space<hbm>>
      %dma_start3A_307 = tpu.memref_squeeze %dma_start3A_306 : memref<1x10240xf32, #tpu.memory_space<hbm>> -> memref<10240xf32, #tpu.memory_space<hbm>>
      %dma_start3A_308 = tpu.memref_slice %dma_start3A_307[%mul3A_299] : memref<10240xf32, #tpu.memory_space<hbm>> -> memref<640xf32, #tpu.memory_space<hbm>>
      tpu.enqueue_dma source(%arg21 : memref<640xf32, #tpu.memory_space<vmem>>) target(%dma_start3A_308 : memref<640xf32, #tpu.memory_space<hbm>>) target_semaphore(%run_scoped3A_300 : memref<!tpu.dma_semaphore, #tpu.memory_space<semaphore_mem>>)
      %dma_wait3A_309 = arith.constant 0 : i32
      %dma_wait3A_310 = tpu.memref_slice %arg6[%arg0, %dma_wait3A_309] : memref<2x10240xf32, #tpu.memory_space<hbm>> -> memref<1x10240xf32, #tpu.memory_space<hbm>>
      %dma_wait3A_311 = tpu.memref_squeeze %dma_wait3A_310 : memref<1x10240xf32, #tpu.memory_space<hbm>> -> memref<10240xf32, #tpu.memory_space<hbm>>
      %dma_wait3A_312 = tpu.memref_slice %dma_wait3A_311[%mul3A_299] : memref<10240xf32, #tpu.memory_space<hbm>> -> memref<640xf32, #tpu.memory_space<hbm>>
      %dma_wait3A_313 = arith.constant 0 : i32
      %dma_wait3A_314 = tpu.memref_slice %arg6[%arg0, %dma_wait3A_313] : memref<2x10240xf32, #tpu.memory_space<hbm>> -> memref<1x10240xf32, #tpu.memory_space<hbm>>
      %dma_wait3A_315 = tpu.memref_squeeze %dma_wait3A_314 : memref<1x10240xf32, #tpu.memory_space<hbm>> -> memref<10240xf32, #tpu.memory_space<hbm>>
      %dma_wait3A_316 = tpu.memref_slice %dma_wait3A_315[%mul3A_299] : memref<10240xf32, #tpu.memory_space<hbm>> -> memref<640xf32, #tpu.memory_space<hbm>>
      tpu.wait_dma2 semaphore(%run_scoped3A_300 : memref<!tpu.dma_semaphore, #tpu.memory_space<semaphore_mem>>) src(%arg21 : memref<640xf32, #tpu.memory_space<vmem>>) dst(%dma_wait3A_316 : memref<640xf32, #tpu.memory_space<hbm>>)
      tpu.yield
    }) : () -> ()
    return
  }
}

module attributes {stable_mosaic.version = 14 : i64} {
  func.func @_tc_pre_body(%arg0: i32, %arg1: memref<1024x128xf32, #tpu.memory_space<vmem>>, %arg2: memref<128x128xf32, #tpu.memory_space<vmem>>, %arg3: memref<1x128xf32, #tpu.memory_space<vmem>>, %arg4: memref<1024x128xf32, #tpu.memory_space<vmem>>) attributes {dimension_semantics = [#tpu.dimension_semantics<arbitrary>], iteration_bounds = array<i64: 10>, scalar_prefetch = 0 : i64, scratch_operands = 0 : i64, tpu.core_type = #tpu.core_type<tc>, window_params = [{transform_indices = @transform_0, window_bounds = array<i64: 1024, 128>}, {pipeline_mode = #tpu.pipeline_mode<synchronous>, transform_indices = @transform_1, window_bounds = array<i64: 128, 128>}, {pipeline_mode = #tpu.pipeline_mode<synchronous>, transform_indices = @transform_2, window_bounds = array<i64: 1, 128>}, {transform_indices = @transform_3, window_bounds = array<i64: 1024, 128>}]} {
    %get3A = arith.constant 0 : index
    %get3A_0 = arith.constant 0 : index
    %get3A_1 = vector.load %arg1[%get3A, %get3A_0] : memref<1024x128xf32, #tpu.memory_space<vmem>>, vector<1024x128xf32>
    %get3A_2 = arith.constant 0 : index
    %get3A_3 = arith.constant 0 : index
    %get3A_4 = vector.load %arg2[%get3A_2, %get3A_3] : memref<128x128xf32, #tpu.memory_space<vmem>>, vector<128x128xf32>
    %dot_general3A = arith.constant dense<0.000000e+00> : vector<1024x128xf32>
    %dot_general3A_5 = tpu.matmul %get3A_1, %get3A_4, %dot_general3A {dimension_numbers = #tpu.dot_dimension_numbers<[1], [0], [0], [1], [0, 0, 1, 1], [], []>, transpose_lhs_hint = false} : vector<1024x128xf32>, vector<128x128xf32>, vector<1024x128xf32> -> vector<1024x128xf32>
    %get3A_6 = arith.constant 0 : index
    %get3A_7 = arith.constant 0 : index
    %get3A_8 = vector.load %arg3[%get3A_6, %get3A_7] : memref<1x128xf32, #tpu.memory_space<vmem>>, vector<1x128xf32>
    %add3A = vector.broadcast %get3A_8 : vector<1x128xf32> to vector<1024x128xf32>
    %add3A_9 = arith.addf %dot_general3A_5, %add3A : vector<1024x128xf32>
    %swap3A = arith.constant 0 : index
    %swap3A_10 = arith.constant 0 : index
    %swap3A_11 = vector.load %arg4[%swap3A, %swap3A_10] : memref<1024x128xf32, #tpu.memory_space<vmem>>, vector<1024x128xf32>
    tpu.vector_store %arg4[%swap3A, %swap3A_10], %add3A_9 {strides = array<i32>} : memref<1024x128xf32, #tpu.memory_space<vmem>>, vector<1024x128xf32>,
    return
  }
  func.func @transform_0(%arg0: i32) -> (i32, i32) {
    %c0_i32 = arith.constant 0 : i32
    %c0_i32_0 = arith.constant 0 : i32
    return %arg0, %c0_i32 : i32, i32
  }
  func.func @transform_1(%arg0: i32) -> (i32, i32) {
    %c0_i32 = arith.constant 0 : i32
    %c0_i32_0 = arith.constant 0 : i32
    %c0_i32_1 = arith.constant 0 : i32
    return %c0_i32, %c0_i32_0 : i32, i32
  }
  func.func @transform_2(%arg0: i32) -> (i32, i32) {
    %c0_i32 = arith.constant 0 : i32
    %c0_i32_0 = arith.constant 0 : i32
    %c0_i32_1 = arith.constant 0 : i32
    return %c0_i32, %c0_i32_0 : i32, i32
  }
  func.func @transform_3(%arg0: i32) -> (i32, i32) {
    %c0_i32 = arith.constant 0 : i32
    %c0_i32_0 = arith.constant 0 : i32
    return %arg0, %c0_i32 : i32, i32
  }
}

module attributes {stable_mosaic.version = 14 : i64} {
  func.func @_tc_body(%arg0: i32, %arg1: memref<1x1024x128xf32, #tpu.memory_space<vmem>>, %arg2: memref<1x1024x128xf32, #tpu.memory_space<vmem>>, %arg3: memref<1x1024x1xf32, #tpu.memory_space<vmem>>, %arg4: memref<1x1024x1xf32, #tpu.memory_space<vmem>>, %arg5: memref<1024x128xf32, #tpu.memory_space<vmem>>, %arg6: memref<128x128xf32, #tpu.memory_space<vmem>>, %arg7: memref<128x128xf32, #tpu.memory_space<vmem>>, %arg8: memref<1x128xf32, #tpu.memory_space<vmem>>, %arg9: memref<1024x128xf32, #tpu.memory_space<vmem>>) attributes {dimension_semantics = [#tpu.dimension_semantics<arbitrary>], iteration_bounds = array<i64: 10>, scalar_prefetch = 0 : i64, scratch_operands = 0 : i64, tpu.core_type = #tpu.core_type<tc>, window_params = [{transform_indices = @transform_0, window_bounds = array<i64: 1, 1024, 128>}, {transform_indices = @transform_1, window_bounds = array<i64: 1, 1024, 128>}, {transform_indices = @transform_2, window_bounds = array<i64: 1, 1024, 1>}, {transform_indices = @transform_3, window_bounds = array<i64: 1, 1024, 1>}, {transform_indices = @transform_4, window_bounds = array<i64: 1024, 128>}, {pipeline_mode = #tpu.pipeline_mode<synchronous>, transform_indices = @transform_5, window_bounds = array<i64: 128, 128>}, {pipeline_mode = #tpu.pipeline_mode<synchronous>, transform_indices = @transform_6, window_bounds = array<i64: 128, 128>}, {pipeline_mode = #tpu.pipeline_mode<synchronous>, transform_indices = @transform_7, window_bounds = array<i64: 1, 128>}, {transform_indices = @transform_8, window_bounds = array<i64: 1024, 128>}]} {
    %get3A = arith.constant 0 : index
    %get3A_0 = arith.constant 0 : index
    %get3A_1 = arith.constant 0 : index
    %get3A_2 = vector.load %arg3[%get3A, %get3A_0, %get3A_1] : memref<1x1024x1xf32, #tpu.memory_space<vmem>>, vector<1x1024x1xf32>
    %get3A_3 = vector.shape_cast %get3A_2 : vector<1x1024x1xf32> to vector<1024x1xf32>
    %get3A_4 = arith.constant 0 : index
    %get3A_5 = arith.constant 0 : index
    %get3A_6 = arith.constant 0 : index
    %get3A_7 = vector.load %arg4[%get3A_4, %get3A_5, %get3A_6] : memref<1x1024x1xf32, #tpu.memory_space<vmem>>, vector<1x1024x1xf32>
    %get3A_8 = vector.shape_cast %get3A_7 : vector<1x1024x1xf32> to vector<1024x1xf32>
    %add3A = arith.addf %get3A_3, %get3A_8 : vector<1024x1xf32>
    %max3A = arith.constant 1.000000e+00 : f32
    %max3A_9 = vector.broadcast %max3A : f32 to vector<1024x1xf32>
    %max3A_10 = arith.maximumf %add3A, %max3A_9 : vector<1024x1xf32>
    %get3A_11 = arith.constant 0 : index
    %get3A_12 = arith.constant 0 : index
    %get3A_13 = arith.constant 0 : index
    %get3A_14 = vector.load %arg1[%get3A_11, %get3A_12, %get3A_13] : memref<1x1024x128xf32, #tpu.memory_space<vmem>>, vector<1x1024x128xf32>
    %get3A_15 = vector.shape_cast %get3A_14 : vector<1x1024x128xf32> to vector<1024x128xf32>
    %get3A_16 = arith.constant 0 : index
    %get3A_17 = arith.constant 0 : index
    %get3A_18 = arith.constant 0 : index
    %get3A_19 = vector.load %arg2[%get3A_16, %get3A_17, %get3A_18] : memref<1x1024x128xf32, #tpu.memory_space<vmem>>, vector<1x1024x128xf32>
    %get3A_20 = vector.shape_cast %get3A_19 : vector<1x1024x128xf32> to vector<1024x128xf32>
    %add3A_21 = arith.addf %get3A_15, %get3A_20 : vector<1024x128xf32>
    %div3A = vector.broadcast %max3A_10 : vector<1024x1xf32> to vector<1024x128xf32>
    %div3A_22 = arith.divf %add3A_21, %div3A : vector<1024x128xf32>
    %get3A_23 = arith.constant 0 : index
    %get3A_24 = arith.constant 0 : index
    %get3A_25 = vector.load %arg6[%get3A_23, %get3A_24] : memref<128x128xf32, #tpu.memory_space<vmem>>, vector<128x128xf32>
    %dot_general3A = arith.constant dense<0.000000e+00> : vector<1024x128xf32>
    %dot_general3A_26 = tpu.matmul %div3A_22, %get3A_25, %dot_general3A {dimension_numbers = #tpu.dot_dimension_numbers<[1], [0], [0], [1], [0, 0, 1, 1], [], []>, transpose_lhs_hint = false} : vector<1024x128xf32>, vector<128x128xf32>, vector<1024x128xf32> -> vector<1024x128xf32>
    %get3A_27 = arith.constant 0 : index
    %get3A_28 = arith.constant 0 : index
    %get3A_29 = vector.load %arg5[%get3A_27, %get3A_28] : memref<1024x128xf32, #tpu.memory_space<vmem>>, vector<1024x128xf32>
    %add3A_30 = arith.addf %dot_general3A_26, %get3A_29 : vector<1024x128xf32>
    %max3A_31 = arith.constant 0.000000e+00 : f32
    %max3A_32 = vector.broadcast %max3A_31 : f32 to vector<1024x128xf32>
    %max3A_33 = arith.maximumf %add3A_30, %max3A_32 : vector<1024x128xf32>
    %get3A_34 = arith.constant 0 : index
    %get3A_35 = arith.constant 0 : index
    %get3A_36 = vector.load %arg7[%get3A_34, %get3A_35] : memref<128x128xf32, #tpu.memory_space<vmem>>, vector<128x128xf32>
    %dot_general3A_37 = arith.constant dense<0.000000e+00> : vector<1024x128xf32>
    %dot_general3A_38 = tpu.matmul %max3A_33, %get3A_36, %dot_general3A_37 {dimension_numbers = #tpu.dot_dimension_numbers<[1], [0], [0], [1], [0, 0, 1, 1], [], []>, transpose_lhs_hint = false} : vector<1024x128xf32>, vector<128x128xf32>, vector<1024x128xf32> -> vector<1024x128xf32>
    %get3A_39 = arith.constant 0 : index
    %get3A_40 = arith.constant 0 : index
    %get3A_41 = vector.load %arg8[%get3A_39, %get3A_40] : memref<1x128xf32, #tpu.memory_space<vmem>>, vector<1x128xf32>
    %add3A_42 = vector.broadcast %get3A_41 : vector<1x128xf32> to vector<1024x128xf32>
    %add3A_43 = arith.addf %dot_general3A_38, %add3A_42 : vector<1024x128xf32>
    %swap3A = arith.constant 0 : index
    %swap3A_44 = arith.constant 0 : index
    %swap3A_45 = vector.load %arg9[%swap3A, %swap3A_44] : memref<1024x128xf32, #tpu.memory_space<vmem>>, vector<1024x128xf32>
    tpu.vector_store %arg9[%swap3A, %swap3A_44], %add3A_43 {strides = array<i32>} : memref<1024x128xf32, #tpu.memory_space<vmem>>, vector<1024x128xf32>,
    return
  }
  func.func @transform_0(%arg0: i32) -> (i32, i32, i32) {
    %c0_i32 = arith.constant 0 : i32
    %c0_i32_0 = arith.constant 0 : i32
    %c0_i32_1 = arith.constant 0 : i32
    return %c0_i32, %arg0, %c0_i32_0 : i32, i32, i32
  }
  func.func @transform_1(%arg0: i32) -> (i32, i32, i32) {
    %c1_i32 = arith.constant 1 : i32
    %c0_i32 = arith.constant 0 : i32
    %c0_i32_0 = arith.constant 0 : i32
    return %c1_i32, %arg0, %c0_i32 : i32, i32, i32
  }
  func.func @transform_2(%arg0: i32) -> (i32, i32, i32) {
    %c0_i32 = arith.constant 0 : i32
    %c0_i32_0 = arith.constant 0 : i32
    %c0_i32_1 = arith.constant 0 : i32
    return %c0_i32, %arg0, %c0_i32_0 : i32, i32, i32
  }
  func.func @transform_3(%arg0: i32) -> (i32, i32, i32) {
    %c1_i32 = arith.constant 1 : i32
    %c0_i32 = arith.constant 0 : i32
    %c0_i32_0 = arith.constant 0 : i32
    return %c1_i32, %arg0, %c0_i32 : i32, i32, i32
  }
  func.func @transform_4(%arg0: i32) -> (i32, i32) {
    %c0_i32 = arith.constant 0 : i32
    %c0_i32_0 = arith.constant 0 : i32
    return %arg0, %c0_i32 : i32, i32
  }
  func.func @transform_5(%arg0: i32) -> (i32, i32) {
    %c0_i32 = arith.constant 0 : i32
    %c0_i32_0 = arith.constant 0 : i32
    %c0_i32_1 = arith.constant 0 : i32
    return %c0_i32, %c0_i32_0 : i32, i32
  }
  func.func @transform_6(%arg0: i32) -> (i32, i32) {
    %c0_i32 = arith.constant 0 : i32
    %c0_i32_0 = arith.constant 0 : i32
    %c0_i32_1 = arith.constant 0 : i32
    return %c0_i32, %c0_i32_0 : i32, i32
  }
  func.func @transform_7(%arg0: i32) -> (i32, i32) {
    %c0_i32 = arith.constant 0 : i32
    %c0_i32_0 = arith.constant 0 : i32
    %c0_i32_1 = arith.constant 0 : i32
    return %c0_i32, %c0_i32_0 : i32, i32
  }
  func.func @transform_8(%arg0: i32) -> (i32, i32) {
    %c0_i32 = arith.constant 0 : i32
    %c0_i32_0 = arith.constant 0 : i32
    return %arg0, %c0_i32 : i32, i32
  }
}

</mosaic_0001>

<sc_bundles>
// kernel: kernel.5.cloned.1.call-start
scs
__scs_entry_jumppad:
0x0: {  	(pc) =	sbr.rel $0x88, $3  }
0x1: {  	(tag) =	ssettag $0x0;
	lr =	simm.s32 $0x1  }
0x2: {  	[smem:$0x3F99] =	sst lr;
	_ =	strace $0xD0000000  }
0x3: {  	_ = 	snop  }
0x4: {  	_ = 	snop  }
0x5: {  	_ = 	snop  }
0x6: {  	_ = 	snop  }
0x7: {  	_ = 	snop  }
__scs_overlays_trampoline_lowered:
0x8: {  	[smem:$0x3FA8] =	sst s0  }
0x9: {  	[smem:$0x3FA9] =	sst s1  }
0xa: {  	[smem:$0x3FAA] =	sst s2  }
0xb: {  	[smem:$0x3FAB] =	sst s3  }
0xc: {  	[smem:$0x3FAC] =	sst s4  }
0xd: {  	[smem:$0x3FAD] =	sst s5  }
0xe: {  	[smem:$0x3FAE] =	sst s6  }
0xf: {  	[smem:$0x3FAF] =	sst s7  }
0x10: {  	[smem:$0x3FB0] =	sst s8  }
0x11: {  	[smem:$0x3FB1] =	sst s9;
	s0 =	simm.s32 @!p0 $0x0  }
0x12: {  	s1 =	sld [smem:$0x3F97];
	s0 =	simm.s32 @p0 $0x1  }
0x13: {  	[smem:$0x3FB2] =	sst s0;
	s0 =	simm.s32 @!p1 $0x0  }
0x14: {  	s2 =	sld [smem:$0x3F96];
	s0 =	simm.s32 @p1 $0x1  }
0x15: {  	[smem:$0x3FB3] =	sst s0;
	s0 =	simm.s32 @!p2 $0x0  }
0x16: {  	s3 =	sld [smem:$0x3FDB];
	s0 =	simm.s32 @p2 $0x1  }
0x17: {  	s4 =	simm.s32 $0x1BF5;
	[smem:$0x3FB5] =	sst s0  }
0x18: {  	s0 =	sld [smem:$0x3F98];
	_ =	swait.ge [sflag:s4], $0x0  }
0x19: {  	s7 =	sld [smem:$0x3F99]  }
0x1a: {  	s8 =	sadd.s32 $0xFFFFE003, lr  }
0x1b: {  	s9 =	sadd.s32 $0xFFFFFEF7, lr;
	s5 =	simm.s32 $0xFFFFFFFF;
	p2 =	slt.u32 s8, $0xFFFFF086  }
0x1c: {  	p1 =	slt.u32 s9, $0xF7A;
	s5 =	simm.s32 @!p2 $0x0  }
0x1d: {  	s5 =	simm.s32 @p1 $0x1;
	p0 =	seq.s32 s7, s2  }
0x1e: {  	s7 =	smul.u32 @!p0 $0xF7A, s2;
	p2 =	seq.s32 @!p0 s5, $0x0  }
0x1f: {  	s9 =	smul.u32 $0xF7A, s1;
	s8 =	simm.s32 @!p0 $0x1BF5;
	p2 =	por !p2, p0  }
0x20: {  	[sflag:s8] =	ssyncset.s32 @!p0 $0xFFFFF086;
	s6 =	sadd.s32 @!p0 s3, s7;
	s7 =	simm.s32 @!p0 $0x108  }
0x21: {  	s3 =	sadd.s32 s3, s9;
	s6 =	sadd.s32 @!p0 $0x88, s6;
	s7 =	simm.s32 @p2 $0x1082  }
0x22: {  	[simem:s7], [sflag:s8] =	dma.local @!p0 [hbm:s6], $0xF7A  }
0x23: {  	s9 =	sor.u32 $0xD0000000, s2;
	s6 =	simm.s32 $0x108;
	_ =	swait.ge @!p0 [sflag:s8], $0x0  }
0x24: {  	s3 =	sadd.s32 $0x88, s3;
	s6 =	simm.s32 @!p1 $0x1082;
	[sflag:s4] =	ssyncset.s32 $0xFFFFF086  }
0x25: {  	[simem:s6], [sflag:s4] =	dma.local [hbm:s3], $0xF7A  }
0x26: {  	[smem:$0x3F99] =	sst s1;
	(tag) =	ssettag s2;
	_ =	strace s9  }
0x27: {  	s1 =	sld [smem:$0x3FA9]  }
0x28: {  	s2 =	sld [smem:$0x3FAA]  }
0x29: {  	s4 =	sld [smem:$0x3FAC]  }
0x2a: {  	p0 =	seq.s32 s5, $0x0;
	s5 =	sld [smem:$0x3FAD]  }
0x2b: {  	s6 =	sld [smem:$0x3FAE]  }
0x2c: {  	s7 =	sld [smem:$0x3FAF]  }
0x2d: {  	s3 =	simm.s32 $0x108;
	s8 =	sld [smem:$0x3FB0]  }
0x2e: {  	s3 =	simm.s32 @!p0 $0x1082;
	s9 =	sld [smem:$0x3FB1]  }
0x2f: {  	lr =	sadd.s32 s0, s3;
	s0 =	sld [smem:$0x3FA8]  }
0x30: {  	s3 =	sld [smem:$0x3FAB]  }
0x31: {  	[smem:$0x3FB4] =	sst s10  }
0x32: {  	s10 =	sld [smem:$0x3FB2];
	_ =	sdelay $0x3  }
0x33: {  	p0 =	seq.s32 s10, $0x1;
	s10 =	sld [smem:$0x3FB4];
	_ =	sdelay $0x3  }
0x34: {  	[smem:$0x3FB4] =	sst s10  }
0x35: {  	s10 =	sld [smem:$0x3FB3];
	_ =	sdelay $0x3  }
0x36: {  	p1 =	seq.s32 s10, $0x1;
	s10 =	sld [smem:$0x3FB4];
	_ =	sdelay $0x3  }
0x37: {  	[smem:$0x3FB4] =	sst s10  }
0x38: {  	s10 =	sld [smem:$0x3FB5]  }
0x39: {  	_ = 	snop;
	(pc) =	sbr.ind lr, $3  }
0x3a: {  	_ = 	snop  }
0x3b: {  	_ = 	snop  }
0x3c: {  	p2 =	seq.s32 s10, $0x1;
	s10 =	sld [smem:$0x3FB4]  }
0x3d: {  	_ =	shalt  }
0x3e: {  	_ =	shalt  }
0x3f: {  	_ =	shalt  }
0x40: {  	_ =	shalt  }
0x41: {  	_ =	shalt  }
0x42: {  	_ =	shalt  }
0x43: {  	_ =	shalt  }
0x44: {  	_ =	shalt  }
0x45: {  	_ =	shalt  }
0x46: {  	_ =	shalt  }
0x47: {  	_ =	shalt  }
0x48: {  	_ =	shalt  }
0x49: {  	_ =	shalt  }
0x4a: {  	_ =	shalt  }
0x4b: {  	_ =	shalt  }
0x4c: {  	_ =	shalt  }
0x4d: {  	_ =	shalt  }
0x4e: {  	_ =	shalt  }
0x4f: {  	_ =	shalt  }
0x50: {  	_ =	shalt  }
0x51: {  	_ =	shalt  }
0x52: {  	_ =	shalt  }
0x53: {  	_ =	shalt  }
0x54: {  	_ =	shalt  }
0x55: {  	_ =	shalt  }
0x56: {  	_ =	shalt  }
0x57: {  	_ =	shalt  }
0x58: {  	_ =	shalt  }
0x59: {  	_ =	shalt  }
0x5a: {  	_ =	shalt  }
0x5b: {  	_ =	shalt  }
0x5c: {  	_ =	shalt  }
0x5d: {  	_ =	shalt  }
0x5e: {  	_ =	shalt  }
0x5f: {  	_ =	shalt  }
0x60: {  	_ =	shalt  }
0x61: {  	_ =	shalt  }
0x62: {  	_ =	shalt  }
0x63: {  	_ =	shalt  }
0x64: {  	_ =	shalt  }
0x65: {  	_ =	shalt  }
0x66: {  	_ =	shalt  }
0x67: {  	_ =	shalt  }
0x68: {  	_ =	shalt  }
0x69: {  	_ =	shalt  }
0x6a: {  	_ =	shalt  }
0x6b: {  	_ =	shalt  }
0x6c: {  	_ =	shalt  }
0x6d: {  	_ =	shalt  }
0x6e: {  	_ =	shalt  }
0x6f: {  	_ =	shalt  }
0x70: {  	_ =	shalt  }
0x71: {  	_ =	shalt  }
0x72: {  	_ =	shalt  }
0x73: {  	_ =	shalt  }
0x74: {  	_ =	shalt  }
0x75: {  	_ =	shalt  }
0x76: {  	_ =	shalt  }
0x77: {  	_ =	shalt  }
0x78: {  	_ =	shalt  }
0x79: {  	_ =	shalt  }
0x7a: {  	_ =	shalt  }
0x7b: {  	_ =	shalt  }
0x7c: {  	_ =	shalt  }
0x7d: {  	_ =	shalt  }
0x7e: {  	_ =	shalt  }
0x7f: {  	_ =	shalt  }
0x80: {  	_ =	shalt  }
0x81: {  	_ =	shalt  }
0x82: {  	_ =	shalt  }
0x83: {  	_ =	shalt  }
0x84: {  	_ =	shalt  }
0x85: {  	_ =	shalt  }
0x86: {  	_ =	shalt  }
0x87: {  	_ =	shalt  }
.Lfunc_end0:
.L_simem_size_0:
called_computation_lowered:
.L_overlay_start_0:
0x88: {  	s2 =	sld [smem:$0x3FD9]  }
0x89: {  	s3 =	sld [smem:$0x3FFE];
	_ =	sdelay $0x1  }
0x8a: {  	s1 =	srdreg.scid  }
0x8b: {  	s0 =	sand.u32 $0x1, s1  }
0x8c: {  	s17 =	sshll.u32 s0, $0xA;
	s2 =	sadd.s32 s3, s2  }
0x8d: {  	s2 =	sadd.s32 s2, s17  }
0x8e: {  	[smem:$0x3FC0] =	sst s2  }
0x8f: {  	_ = 	snop  }
0x90: {  	s2 =	sld [smem:$0x3FC9]  }
0x91: {  	s18 =	sld [smem:$0x3FD0];
	(tm) =	ssettm $0x1  }
0x92: {  	s4 =	sld [smem:$0x3FFB];
	_ =	sdelay $0x3  }
0x93: {  	_ =	strace s4  }
0x94: {  	s4 =	sld [smem:$0x3FFC];
	_ =	sdelay $0x3  }
0x95: {  	_ =	strace s4  }
0x96: {  	s4 =	sld [smem:$0x3FFD];
	_ =	sdelay $0x3  }
0x97: {  	_ =	strace s4  }
0x98: {  	_ =	strace $0x8FFFFFFF  }
0x99: {  	s19 =	sld [smem:$0x3FDB];
	_ =	sdelay $0x1  }
0x9a: {  	s5 =	simm.s32 $_scs_section_size  }
0x9b: {  	s6 =	simm.s32 $_size__tile_overlayer_lowered;
	s7 =	simm.s32 $_tile_overlayer_lowered  }
0x9c: {  	s22 =	simm.s32 $0x1BFF;
	s21 =	sshll.u32 s7, $0x1;
	s4 =	sadd.s32 s5, s19  }
0x9d: {  	s8 =	simm.s32 $0x0;
	s20 =	sshll.u32 s6, $0x1;
	s6 =	sadd.s32 s21, s4  }
0x9e: {  	[timem:s8], [sflag:s22] =	dma.local [hbm:s6], s20  }
0x9f: {  	_ =	swait.ge [sflag:s22], s20  }
0xa0: {  	s5 =	ssub.s32 $0x0, s20;
	[sflag:s22] =	ssyncset.done $0x0  }
0xa1: {  	[sflag:s22] =	ssyncadd.s32 s5;
	_ =	sdelay $0x1  }
0xa2: {  	s23 =	simm.s32 $0x1B8B  }
0xa3: {  	_ =	swait.ge [sflag:s23], $0x1  }
0xa4: {  	[sflag:s23] =	ssyncset.done $0x0  }
0xa5: {  	s25 =	simm.s32 $0x1B8E;
	s24 =	sld [smem:$0x3FFE];
	[sflag:s23] =	ssyncadd.s32 $0xFFFFFFFF  }
0xa6: {  	s26 =	simm.s32 $execute0_lowered;
	[smem:$0x3FD2] =	sst s25  }
0xa7: {  	s6 =	sshll.u32 s26, $0x1;
	_ =	strace $0x80000046;
	[dreg:$0x1] =	wrdreg $0xFFFFFFFF  }
0xa8: {  	s28 =	simm.s32 $_size_execute0_lowered;
	s4 =	sadd.s32 s4, s6;
	[dreg:$0x0] =	wrdreg $0x0  }
0xa9: {  	s6 =	sshll.u32 s28, $0x1;
	[dreg:$0x2] =	wrdreg s4  }
0xaa: {  	[dreg:$0x3] =	wrdreg s6  }
0xab: {  	[dreg:$0x4] =	wrdreg $0xC0  }
0xac: {  	_ =	task [dreg:s8], $0x5FFFF  }
0xad: {  	[dreg:$0x1] =	wrdreg $0xFFFFFFFF  }
0xae: {  	[dreg:$0x0] =	wrdreg $0x60  }
0xaf: {  	[dreg:$0x2] =	wrdreg s2  }
0xb0: {  	[dreg:$0x3] =	wrdreg s18  }
0xb1: {  	[dreg:$0x4] =	wrdreg s24  }
0xb2: {  	[dreg:$0x5] =	wrdreg $0xB6000  }
0xb3: {  	[dreg:$0x6] =	wrdreg $0x9  }
0xb4: {  	_ =	task.clear_ibuf [dreg:s8], $0x7FFFF;
	_ =	strace $0x90000046  }
0xb5: {  	s29 =	simm.s32 $0x9;
	_ =	strace $0x80000048  }
0xb6: {  	_ =	swait.ge [sflag:s29], $0x1  }
0xb7: {  	[sflag:s29] =	ssyncadd.s32 $0xFFFFFFFF  }
0xb8: {  	_ =	strace $0x90000048  }
0xb9: {  	_ =	sfence  }
0xba: {  	s30 =	sld [smem:$0x0];
	_ =	sdelay $0x2  }
0xbb: {  	s31 =	sshll.u32 s1, $0xD;
	s1 =	sshrl.u32 s1, $0x2  }
0xbc: {  	s3 =	sand.u32 $0x4000, s31;
	s1 =	sadd.s32 s1, s30  }
0xbd: {  	s0 =	sor.u32 s3, s0;
	s1 =	sshll.u32 s1, $0x11  }
0xbe: {  	s0 =	sor.u32 s1, s0  }
0xbf: {  	s0 =	sadd.s32 $0x8F2B, s0  }
0xc0: {  	[sflag:s0] =	ssyncadd.remote.s32 $0x1  }
0xc1: {  	_ =	sfence.sel $0xFFFF  }
0xc2: {  	[dreg:$0x0] =	wrdreg $0xFFFFFFFF;
	(pc) =	sbr.abs _section_cstart, $3  }
0xc3: {  	[dreg:$0x1] =	wrdreg $0xFFFFFFFF  }
0xc4: {  	_ =	task.clear_ibuf [dreg:s8], $0x2FFFF;
	_ =	strace $0x9FFFFFFF  }
0xc5: {  	(tm) =	ssettm $0x7FFFFFFF  }
tec
execute0_lowered:
.L_overlay_start_1:
0x0: {  	(tag) =	ssettag $0x1  }
0x1: {  	s1 =	rddreg [dreg:$0x0]  }
0x2: {  	s0 =	rddreg [dreg:$0x1]  }
0x3: {  	s2 =	rddreg [dreg:$0x2]  }
0x4: {  	s3 =	rddreg [dreg:$0x3]  }
0x5: {  	s4 =	stileid.u32;
	s5 =	srdreg.scid;
	s7 =	simm.s32 $0x0  }
0x6: {  	s28 =	simm.s32 $0x500;
	s29 =	simm.s32 $0x600;
	s6 =	smul.u32 $0x2800, s4  }
0x7: {  	s30 =	simm.s32 $0x1;
	s31 =	simm.s32 $0x800;
	s11 =	smul.u32 $0x50000, s4  }
0x8: {  	s5 =	sand.u32 $0x1, s5;
	[smem:$0x7FF] =	sst s7;
	s26 =	smul.u32 $0xA0, s4  }
0x9: {  	s10 =	sshll.u32 s4, $0x1;
	s20 =	sshll.u32 s4, $0x6;
	s18 =	smul.u32 $0x28000, s5  }
0xa: {  	s16 =	sshll.u32 s4, $0x7;
	_ =	strace $0x80000047;
	s12 =	smul.u32 $0x5000, s5  }
0xb: {  	s9 =	sshll.u32 s5, $0x4;
	s13 =	ssub.s32 $0x2, s5;
	s15 =	smul.u32 $0x50, s5  }
0xc: {  	s10 =	sor.u32 s5, s10;
	s5 =	smul.u32 $0xA00, s5;
	s8 =	sadd.s32 s6, s2  }
0xd: {  	s9 =	sadd.s32 s9, s2;
	s14 =	sshrl.u32 s13, $0x1;
	s11 =	sshrl.u32 s11, $0x2  }
0xe: {  	s10 =	smul.u32 $0xA00, s10;
	s7 =	sadd.s32 s18, s2;
	s2 =	sadd.s32 s12, s2  }
0xf: {  	s19 =	ssub.s32 s13, s14;
	s11 =	sadd.s32 s11, s3;
	s8 =	sadd.s32 $0x1600, s8  }
0x10: {  	s18 =	sor.u32 $0x1C0D, s20;
	s14 =	sshrl.u32 s4, $0x3;
	[dreg:$0x7] =	wrdreg s11  }
0x11: {  	s20 =	sand.u32 $0x380, s16;
	s9 =	sadd.s32 $0x33600, s9;
	[dreg:$0x8] =	wrdreg s8  }
0x12: {  	s12 =	simm.s32 $0x3;
	s21 =	sadd.s32 s0, s10;
	[dreg:$0xa] =	wrdreg s18  }
0x13: {  	s16 =	simm.s32 $0xC;
	s17 =	sadd.s32 $0x29600, s2;
	[dreg:$0x9] =	wrdreg s21  }
0x14: {  	s11 =	sadd.s32 s15, s26;
	s22 =	sadd.s32 $0x10, s21;
	[dreg:$0x11] =	wrdreg s17  }
0x15: {  	s7 =	sadd.s32 $0x34000, s7;
	s23 =	sadd.s32 $0x20, s21;
	[dreg:$0xb] =	wrdreg s22  }
0x16: {  	s15 =	simm.s32 $0x8;
	s24 =	sadd.s32 $0x30, s21;
	[dreg:$0xc] =	wrdreg s23  }
0x17: {  	s8 =	simm.s32 $0x0;
	s25 =	sadd.s32 $0x40, s21;
	[dreg:$0xd] =	wrdreg s24  }
0x18: {  	s10 =	sadd.s32 $0x50, s21;
	s13 =	sadd.s32 $0x60, s21;
	[dreg:$0xe] =	wrdreg s25  }
0x19: {  	s21 =	sshll.u32 s11, $0x5;
	[dreg:$0xf] =	wrdreg s10;
	s10 =	smul.u32 $0x14000, s14  }
0x1a: {  	s11 =	simm.s32 $0xB;
	[dreg:$0x10] =	wrdreg s13;
	s22 =	smul.u32 $0x1400, s4  }
0x1b: {  	s4 =	smul.u32 $0x280, s4;
	s23 =	smax.u32 s19, $0x1;
	s19 =	simm.s32 $0x80  }
0x1c: {  	s24 =	sadd.s32 s6, s7;
	s25 =	sadd.s32 s26, s9;
	[dreg:$0x13] =	wrdreg s23  }
0x1d: {  	s6 =	simm.s32 $0x9;
	s9 =	simm.s32 $0x8900;
	[dreg:$0x14] =	wrdreg s24  }
0x1e: {  	s13 =	simm.s32 $0xA;
	s14 =	simm.s32 $0x8880;
	[dreg:$0x15] =	wrdreg s25  }
0x1f: {  	s24 =	simm.s32 $0x200;
	s23 =	simm.s32 $0x6;
	s25 =	simm.s32 $0x7  }
0x20: {  	s2 =	sor.u32 s20, s10;
	s10 =	sadd.s32 s21, s0;
	s0 =	sadd.s32 s22, s0  }
0x21: {  	[dreg:$0x12] =	wrdreg s4;
	s20 =	simm.s32 $0x400;
	s22 =	simm.s32 $0x100  }
0x22: {  	s21 =	simm.s32 $0x5;
	s2 =	sshrl.u32 s2, $0x3;
	s10 =	sadd.s32 $0x100, s10  }
0x23: {  	s0 =	sadd.s32 s5, s0;
	s5 =	simm.s32 $0x4800;
	[dreg:$0x5] =	wrdreg s10  }
0x24: {  	s0 =	sadd.s32 $0x70, s0;
	s26 =	sadd.s32 s2, s17;
	s2 =	simm.s32 $0x2  }
0x25: {  	s10 =	simm.s32 $0x8800;
	s17 =	simm.s32 $0x4;
	[dreg:$0x6] =	wrdreg s0  }
0x26: {  	v0 =	vimm.f32 $0.0e+00;
	v1 =	vimm.f32 $1.000000000e+00;
	[dreg:$0x16] =	wrdreg s26;
	s26 =	simm.s32 $0x300;
	s0 =	simm.s32 $0x700  }
.LBB2_1:
0x27: {  	[dreg:$0x17] =	wrdreg s8;
	s7 =	simm.s32 $0x40;
	s8 =	simm.s32 $0x0  }
.LBB2_2:
0x28: {  	p0 =	sne.s32 s7, $0x9FC0;
	[tilespmem:s8+$0x8900] =	vst v0;
	s8 =	smov.u32 s7;
	s7 =	sadd.s32 $0x40, s7  }
.Ltmp0:
0x29: {  	(pc) =	sbr.rel @p0 .LBB2_2-.Ltmp0, $2  }
0x2a: {  	_ =	sdelay $0x2  }
0x2b: {  	s8 =	sshra.s32 s8, $0x2  }
0x2c: {  	s4 =	rddreg [dreg:$0x7]  }
0x2d: {  	[tilespmem:s8+$0x8900] =	vst v0;
	s8 =	rddreg [dreg:$0x8];
	s7 =	sshrl.u32 s4, $0x3  }
0x2e: {  	[dreg:$0x18] =	wrdreg s7  }
0x2f: {  	[spmem:s7], [sflag:s18] =	dma.local [hbm:s8], $0x2800  }
0x30: {  	s8 =	simm.s32 $0xD  }
0x31: {  	_ =	swait.ge [sflag:s8], $0x2800  }
0x32: {  	[sflag:s8] =	ssyncset.done $0x0  }
0x33: {  	[sflag:s8] =	ssyncadd.s32 $0xFFFFD800  }
0x34: {  	[bflag:$0x0] =	sbarrier.arrive $0xFFFF  }
0x35: {  	s8 =	simm.s32 $0x0;
	s18 =	rddreg [dreg:$0x9]  }
0x36: {  	[tilespmem:s8], [sflag:$0x1] =	stream.strided.gather [hbm4b:s18+s19], $0x100, s20, s19, $0x38;
	[tilespmem:$0x1F600] =	vst v63  }
0x37: {  	s7 =	rddreg [dreg:$0xb]  }
0x38: {  	[tilespmem:s22], [sflag:$0x2] =	stream.strided.gather [hbm4b:s7+s19], $0x100, s20, s19, $0x38;
	[tilespmem:$0x1F600] =	vst v63  }
0x39: {  	s18 =	rddreg [dreg:$0xc]  }
0x3a: {  	[tilespmem:s24], [sflag:$0x3] =	stream.strided.gather [hbm4b:s18+s19], $0x100, s20, s19, $0x38;
	[tilespmem:$0x1F600] =	vst v63  }
0x3b: {  	s7 =	rddreg [dreg:$0xd]  }
0x3c: {  	[tilespmem:s26], [sflag:$0x4] =	stream.strided.gather [hbm4b:s7+s19], $0x100, s20, s19, $0x38;
	[tilespmem:$0x1F600] =	vst v63  }
0x3d: {  	s18 =	rddreg [dreg:$0xe]  }
0x3e: {  	[tilespmem:s20], [sflag:$0x5] =	stream.strided.gather [hbm4b:s18+s19], $0x100, s20, s19, $0x38;
	[tilespmem:$0x1F600] =	vst v63  }
0x3f: {  	s7 =	rddreg [dreg:$0xf]  }
0x40: {  	[tilespmem:s28], [sflag:$0x6] =	stream.strided.gather [hbm4b:s7+s19], $0x100, s20, s19, $0x38;
	[tilespmem:$0x1F600] =	vst v63  }
0x41: {  	s18 =	rddreg [dreg:$0x10]  }
0x42: {  	[tilespmem:s29], [sflag:$0x7] =	stream.strided.gather [hbm4b:s18+s19], $0x100, s20, s19, $0x38;
	[tilespmem:$0x1F600] =	vst v63  }
0x43: {  	_ =	swait.ge [sflag:s30], $0x100  }
0x44: {  	[sflag:s30] =	ssyncset.done $0x0  }
0x45: {  	s4 =	simm.s32 $0x0;
	[sflag:s30] =	ssyncadd.s32 $0xFFFFFF00  }
0x46: {  	[tilespmem:s31], [sflag:$0x9] =	stream.indirect.gather [hbm4b:s1+s19], $0x80, s8, s19, $0xb8;
	[tilespmem:$0x1F600] =	vst v63  }
.LBB2_4:
0x47: {  	s7 =	rddreg [dreg:$0x6]  }
0x48: {  	p0 =	seq.s32 s8, $0x0;
	s7 =	sadd.s32 s8, s7  }
0x49: {  	[tilespmem:s0], [sflag:$0x8] =	stream.strided.gather [hbm4b:s7+s19], $0x100, s20, s19, $0x38;
	[tilespmem:$0x1F600] =	vst v63  }
0x4a: {  	s7 =	simm.s32 @!p0 $0xC  }
0x4b: {  	_ =	swait.ge @!p0 [sflag:s7], $0x4000  }
0x4c: {  	[sflag:s7] =	ssyncset.done @!p0 $0x0  }
0x4d: {  	[sflag:s7] =	ssyncadd.s32 @!p0 $0xFFFFC000  }
0x4e: {  	_ =	swait.ge [sflag:s2], $0x100  }
0x4f: {  	[sflag:s2] =	ssyncset.done $0x0  }
0x50: {  	[sflag:s2] =	ssyncadd.s32 $0xFFFFFF00  }
0x51: {  	[tilespmem:s5], [sflag:$0xA] =	stream.indirect.gather [hbm4b:s1+s19], $0x80, s22, s19, $0xb8;
	[tilespmem:$0x1F600] =	vst v63  }
0x52: {  	_ =	swait.ge [sflag:s6], $0x4000  }
0x53: {  	[sflag:s6] =	ssyncset.done $0x0  }
0x54: {  	[sflag:s6] =	ssyncadd.s32 $0xFFFFC000  }
0x55: {  	v2 =	vld [tilespmem:$0x80];
	_ =	sdelay $0x6  }
0x56: {  	[tilespmem:$0x8800] =	vst v2  }
0x57: {  	[tilespmem:v2+s9+$0x0] =	vst.idx.add.f32.msk $0xffff, v1  }
0x58: {  	v2 =	vld [tilespmem:$0x90];
	_ =	sdelay $0x6  }
0x59: {  	[tilespmem:$0x8810] =	vst v2  }
0x5a: {  	[tilespmem:v2+s9+$0x0] =	vst.idx.add.f32.msk $0xffff, v1  }
0x5b: {  	v2 =	vld [tilespmem:$0xA0];
	_ =	sdelay $0x6  }
0x5c: {  	[tilespmem:$0x8820] =	vst v2  }
0x5d: {  	[tilespmem:v2+s9+$0x0] =	vst.idx.add.f32.msk $0xffff, v1  }
0x5e: {  	v2 =	vld [tilespmem:$0xB0];
	_ =	sdelay $0x6  }
0x5f: {  	[tilespmem:$0x8830] =	vst v2  }
0x60: {  	[tilespmem:v2+s9+$0x0] =	vst.idx.add.f32.msk $0xffff, v1  }
0x61: {  	v2 =	vld [tilespmem:$0xC0];
	_ =	sdelay $0x6  }
0x62: {  	[tilespmem:$0x8840] =	vst v2  }
0x63: {  	[tilespmem:v2+s9+$0x0] =	vst.idx.add.f32.msk $0xffff, v1  }
0x64: {  	v2 =	vld [tilespmem:$0xD0];
	_ =	sdelay $0x6  }
0x65: {  	[tilespmem:$0x8850] =	vst v2  }
0x66: {  	[tilespmem:v2+s9+$0x0] =	vst.idx.add.f32.msk $0xffff, v1  }
0x67: {  	v2 =	vld [tilespmem:$0xE0];
	_ =	sdelay $0x6  }
0x68: {  	[tilespmem:$0x8860] =	vst v2  }
0x69: {  	[tilespmem:v2+s9+$0x0] =	vst.idx.add.f32.msk $0xffff, v1  }
0x6a: {  	v2 =	vld [tilespmem:$0xF0];
	_ =	sdelay $0x6  }
0x6b: {  	[tilespmem:$0x8870] =	vst v2  }
0x6c: {  	s18 =	rddreg [dreg:$0x5];
	[tilespmem:v2+s9+$0x0] =	vst.idx.add.f32.msk $0xffff, v1  }
0x6d: {  	[spmem:s3] =	stream.indirect.scatter.add.f32 [tilespmem:s31], [sflag:$0xB], $0x80, s10, s19, $0xb8;
	[tilespmem:$0x1F600] =	vst v63  }
0x6e: {  	s7 =	sadd.s32 s8, s18  }
0x6f: {  	[tilespmem:s4], [sflag:$0x1] =	stream.strided.gather [hbm4b:s7+s19], $0x100, s20, s19, $0x38;
	[tilespmem:$0x1F600] =	vst v63  }
0x70: {  	_ =	swait.ge [sflag:s11], $0x4000  }
0x71: {  	[sflag:s11] =	ssyncset.done $0x0  }
0x72: {  	[sflag:s11] =	ssyncadd.s32 $0xFFFFC000  }
0x73: {  	_ =	swait.ge [sflag:s12], $0x100  }
0x74: {  	[sflag:s12] =	ssyncset.done $0x0  }
0x75: {  	[sflag:s12] =	ssyncadd.s32 $0xFFFFFF00  }
0x76: {  	[tilespmem:s31], [sflag:$0x9] =	stream.indirect.gather [hbm4b:s1+s19], $0x80, s24, s19, $0xb8;
	[tilespmem:$0x1F600] =	vst v63  }
0x77: {  	_ =	swait.ge [sflag:s13], $0x4000  }
0x78: {  	[sflag:s13] =	ssyncset.done $0x0  }
0x79: {  	[sflag:s13] =	ssyncadd.s32 $0xFFFFC000  }
0x7a: {  	v2 =	vld [tilespmem:$0x180];
	_ =	sdelay $0x6  }
0x7b: {  	[tilespmem:$0x8880] =	vst v2  }
0x7c: {  	[tilespmem:v2+s9+$0x0] =	vst.idx.add.f32.msk $0xffff, v1  }
0x7d: {  	v2 =	vld [tilespmem:$0x190];
	_ =	sdelay $0x6  }
0x7e: {  	[tilespmem:$0x8890] =	vst v2  }
0x7f: {  	[tilespmem:v2+s9+$0x0] =	vst.idx.add.f32.msk $0xffff, v1  }
0x80: {  	v2 =	vld [tilespmem:$0x1A0];
	_ =	sdelay $0x6  }
0x81: {  	[tilespmem:$0x88A0] =	vst v2  }
0x82: {  	[tilespmem:v2+s9+$0x0] =	vst.idx.add.f32.msk $0xffff, v1  }
0x83: {  	v2 =	vld [tilespmem:$0x1B0];
	_ =	sdelay $0x6  }
0x84: {  	[tilespmem:$0x88B0] =	vst v2  }
0x85: {  	[tilespmem:v2+s9+$0x0] =	vst.idx.add.f32.msk $0xffff, v1  }
0x86: {  	v2 =	vld [tilespmem:$0x1C0];
	_ =	sdelay $0x6  }
0x87: {  	[tilespmem:$0x88C0] =	vst v2  }
0x88: {  	[tilespmem:v2+s9+$0x0] =	vst.idx.add.f32.msk $0xffff, v1  }
0x89: {  	v2 =	vld [tilespmem:$0x1D0];
	_ =	sdelay $0x6  }
0x8a: {  	[tilespmem:$0x88D0] =	vst v2  }
0x8b: {  	[tilespmem:v2+s9+$0x0] =	vst.idx.add.f32.msk $0xffff, v1  }
0x8c: {  	v2 =	vld [tilespmem:$0x1E0];
	_ =	sdelay $0x6  }
0x8d: {  	[tilespmem:$0x88E0] =	vst v2  }
0x8e: {  	[tilespmem:v2+s9+$0x0] =	vst.idx.add.f32.msk $0xffff, v1  }
0x8f: {  	v2 =	vld [tilespmem:$0x1F0];
	_ =	sdelay $0x6  }
0x90: {  	[tilespmem:$0x88F0] =	vst v2  }
0x91: {  	[tilespmem:v2+s9+$0x0] =	vst.idx.add.f32.msk $0xffff, v1  }
0x92: {  	[spmem:s3] =	stream.indirect.scatter.add.f32 [tilespmem:s5], [sflag:$0xC], $0x80, s14, s19, $0xb8;
	[tilespmem:$0x1F600] =	vst v63  }
0x93: {  	s18 =	sadd.s32 $0x10, s7  }
0x94: {  	[tilespmem:s22], [sflag:$0x2] =	stream.strided.gather [hbm4b:s18+s19], $0x100, s20, s19, $0x38;
	[tilespmem:$0x1F600] =	vst v63  }
0x95: {  	_ =	swait.ge [sflag:s16], $0x4000  }
0x96: {  	[sflag:s16] =	ssyncset.done $0x0  }
0x97: {  	[sflag:s16] =	ssyncadd.s32 $0xFFFFC000  }
0x98: {  	_ =	swait.ge [sflag:s17], $0x100  }
0x99: {  	[sflag:s17] =	ssyncset.done $0x0  }
0x9a: {  	[sflag:s17] =	ssyncadd.s32 $0xFFFFFF00  }
0x9b: {  	[tilespmem:s5], [sflag:$0xA] =	stream.indirect.gather [hbm4b:s1+s19], $0x80, s26, s19, $0xb8;
	[tilespmem:$0x1F600] =	vst v63  }
0x9c: {  	_ =	swait.ge [sflag:s6], $0x4000  }
0x9d: {  	[sflag:s6] =	ssyncset.done $0x0  }
0x9e: {  	[sflag:s6] =	ssyncadd.s32 $0xFFFFC000  }
0x9f: {  	v2 =	vld [tilespmem:$0x280];
	_ =	sdelay $0x6  }
0xa0: {  	[tilespmem:$0x8800] =	vst v2  }
0xa1: {  	[tilespmem:v2+s9+$0x0] =	vst.idx.add.f32.msk $0xffff, v1  }
0xa2: {  	v2 =	vld [tilespmem:$0x290];
	_ =	sdelay $0x6  }
0xa3: {  	[tilespmem:$0x8810] =	vst v2  }
0xa4: {  	[tilespmem:v2+s9+$0x0] =	vst.idx.add.f32.msk $0xffff, v1  }
0xa5: {  	v2 =	vld [tilespmem:$0x2A0];
	_ =	sdelay $0x6  }
0xa6: {  	[tilespmem:$0x8820] =	vst v2  }
0xa7: {  	[tilespmem:v2+s9+$0x0] =	vst.idx.add.f32.msk $0xffff, v1  }
0xa8: {  	v2 =	vld [tilespmem:$0x2B0];
	_ =	sdelay $0x6  }
0xa9: {  	[tilespmem:$0x8830] =	vst v2  }
0xaa: {  	[tilespmem:v2+s9+$0x0] =	vst.idx.add.f32.msk $0xffff, v1  }
0xab: {  	v2 =	vld [tilespmem:$0x2C0];
	_ =	sdelay $0x6  }
0xac: {  	[tilespmem:$0x8840] =	vst v2  }
0xad: {  	[tilespmem:v2+s9+$0x0] =	vst.idx.add.f32.msk $0xffff, v1  }
0xae: {  	v2 =	vld [tilespmem:$0x2D0];
	_ =	sdelay $0x6  }
0xaf: {  	[tilespmem:$0x8850] =	vst v2  }
0xb0: {  	[tilespmem:v2+s9+$0x0] =	vst.idx.add.f32.msk $0xffff, v1  }
0xb1: {  	v2 =	vld [tilespmem:$0x2E0];
	_ =	sdelay $0x6  }
0xb2: {  	[tilespmem:$0x8860] =	vst v2  }
0xb3: {  	[tilespmem:v2+s9+$0x0] =	vst.idx.add.f32.msk $0xffff, v1  }
0xb4: {  	v2 =	vld [tilespmem:$0x2F0];
	_ =	sdelay $0x6  }
0xb5: {  	[tilespmem:$0x8870] =	vst v2  }
0xb6: {  	[tilespmem:v2+s9+$0x0] =	vst.idx.add.f32.msk $0xffff, v1  }
0xb7: {  	[spmem:s3] =	stream.indirect.scatter.add.f32 [tilespmem:s31], [sflag:$0xB], $0x80, s10, s19, $0xb8;
	[tilespmem:$0x1F600] =	vst v63  }
0xb8: {  	s18 =	sadd.s32 $0x20, s7  }
0xb9: {  	[tilespmem:s24], [sflag:$0x3] =	stream.strided.gather [hbm4b:s18+s19], $0x100, s20, s19, $0x38;
	[tilespmem:$0x1F600] =	vst v63  }
0xba: {  	_ =	swait.ge [sflag:s11], $0x4000  }
0xbb: {  	[sflag:s11] =	ssyncset.done $0x0  }
0xbc: {  	[sflag:s11] =	ssyncadd.s32 $0xFFFFC000  }
0xbd: {  	_ =	swait.ge [sflag:s21], $0x100  }
0xbe: {  	[sflag:s21] =	ssyncset.done $0x0  }
0xbf: {  	[sflag:s21] =	ssyncadd.s32 $0xFFFFFF00  }
0xc0: {  	[tilespmem:s31], [sflag:$0x9] =	stream.indirect.gather [hbm4b:s1+s19], $0x80, s20, s19, $0xb8;
	[tilespmem:$0x1F600] =	vst v63  }
0xc1: {  	_ =	swait.ge [sflag:s13], $0x4000  }
0xc2: {  	[sflag:s13] =	ssyncset.done $0x0  }
0xc3: {  	[sflag:s13] =	ssyncadd.s32 $0xFFFFC000  }
0xc4: {  	v2 =	vld [tilespmem:$0x380];
	_ =	sdelay $0x6  }
0xc5: {  	[tilespmem:$0x8880] =	vst v2  }
0xc6: {  	[tilespmem:v2+s9+$0x0] =	vst.idx.add.f32.msk $0xffff, v1  }
0xc7: {  	v2 =	vld [tilespmem:$0x390];
	_ =	sdelay $0x6  }
0xc8: {  	[tilespmem:$0x8890] =	vst v2  }
0xc9: {  	[tilespmem:v2+s9+$0x0] =	vst.idx.add.f32.msk $0xffff, v1  }
0xca: {  	v2 =	vld [tilespmem:$0x3A0];
	_ =	sdelay $0x6  }
0xcb: {  	[tilespmem:$0x88A0] =	vst v2  }
0xcc: {  	[tilespmem:v2+s9+$0x0] =	vst.idx.add.f32.msk $0xffff, v1  }
0xcd: {  	v2 =	vld [tilespmem:$0x3B0];
	_ =	sdelay $0x6  }
0xce: {  	[tilespmem:$0x88B0] =	vst v2  }
0xcf: {  	[tilespmem:v2+s9+$0x0] =	vst.idx.add.f32.msk $0xffff, v1  }
0xd0: {  	v2 =	vld [tilespmem:$0x3C0];
	_ =	sdelay $0x6  }
0xd1: {  	[tilespmem:$0x88C0] =	vst v2  }
0xd2: {  	[tilespmem:v2+s9+$0x0] =	vst.idx.add.f32.msk $0xffff, v1  }
0xd3: {  	v2 =	vld [tilespmem:$0x3D0];
	_ =	sdelay $0x6  }
0xd4: {  	[tilespmem:$0x88D0] =	vst v2  }
0xd5: {  	[tilespmem:v2+s9+$0x0] =	vst.idx.add.f32.msk $0xffff, v1  }
0xd6: {  	v2 =	vld [tilespmem:$0x3E0];
	_ =	sdelay $0x6  }
0xd7: {  	[tilespmem:$0x88E0] =	vst v2  }
0xd8: {  	[tilespmem:v2+s9+$0x0] =	vst.idx.add.f32.msk $0xffff, v1  }
0xd9: {  	v2 =	vld [tilespmem:$0x3F0];
	_ =	sdelay $0x6  }
0xda: {  	[tilespmem:$0x88F0] =	vst v2  }
0xdb: {  	[tilespmem:v2+s9+$0x0] =	vst.idx.add.f32.msk $0xffff, v1  }
0xdc: {  	[spmem:s3] =	stream.indirect.scatter.add.f32 [tilespmem:s5], [sflag:$0xC], $0x80, s14, s19, $0xb8;
	[tilespmem:$0x1F600] =	vst v63  }
0xdd: {  	s18 =	sadd.s32 $0x30, s7  }
0xde: {  	[tilespmem:s26], [sflag:$0x4] =	stream.strided.gather [hbm4b:s18+s19], $0x100, s20, s19, $0x38;
	[tilespmem:$0x1F600] =	vst v63  }
0xdf: {  	_ =	swait.ge [sflag:s16], $0x4000  }
0xe0: {  	[sflag:s16] =	ssyncset.done $0x0  }
0xe1: {  	[sflag:s16] =	ssyncadd.s32 $0xFFFFC000  }
0xe2: {  	_ =	swait.ge [sflag:s23], $0x100  }
0xe3: {  	[sflag:s23] =	ssyncset.done $0x0  }
0xe4: {  	[sflag:s23] =	ssyncadd.s32 $0xFFFFFF00  }
0xe5: {  	[tilespmem:s5], [sflag:$0xA] =	stream.indirect.gather [hbm4b:s1+s19], $0x80, s28, s19, $0xb8;
	[tilespmem:$0x1F600] =	vst v63  }
0xe6: {  	_ =	swait.ge [sflag:s6], $0x4000  }
0xe7: {  	[sflag:s6] =	ssyncset.done $0x0  }
0xe8: {  	[sflag:s6] =	ssyncadd.s32 $0xFFFFC000  }
0xe9: {  	v2 =	vld [tilespmem:$0x480];
	_ =	sdelay $0x6  }
0xea: {  	[tilespmem:$0x8800] =	vst v2  }
0xeb: {  	[tilespmem:v2+s9+$0x0] =	vst.idx.add.f32.msk $0xffff, v1  }
0xec: {  	v2 =	vld [tilespmem:$0x490];
	_ =	sdelay $0x6  }
0xed: {  	[tilespmem:$0x8810] =	vst v2  }
0xee: {  	[tilespmem:v2+s9+$0x0] =	vst.idx.add.f32.msk $0xffff, v1  }
0xef: {  	v2 =	vld [tilespmem:$0x4A0];
	_ =	sdelay $0x6  }
0xf0: {  	[tilespmem:$0x8820] =	vst v2  }
0xf1: {  	[tilespmem:v2+s9+$0x0] =	vst.idx.add.f32.msk $0xffff, v1  }
0xf2: {  	v2 =	vld [tilespmem:$0x4B0];
	_ =	sdelay $0x6  }
0xf3: {  	[tilespmem:$0x8830] =	vst v2  }
0xf4: {  	[tilespmem:v2+s9+$0x0] =	vst.idx.add.f32.msk $0xffff, v1  }
0xf5: {  	v2 =	vld [tilespmem:$0x4C0];
	_ =	sdelay $0x6  }
0xf6: {  	[tilespmem:$0x8840] =	vst v2  }
0xf7: {  	[tilespmem:v2+s9+$0x0] =	vst.idx.add.f32.msk $0xffff, v1  }
0xf8: {  	v2 =	vld [tilespmem:$0x4D0];
	_ =	sdelay $0x6  }
0xf9: {  	[tilespmem:$0x8850] =	vst v2  }
0xfa: {  	[tilespmem:v2+s9+$0x0] =	vst.idx.add.f32.msk $0xffff, v1  }
0xfb: {  	v2 =	vld [tilespmem:$0x4E0];
	_ =	sdelay $0x6  }
0xfc: {  	[tilespmem:$0x8860] =	vst v2  }
0xfd: {  	[tilespmem:v2+s9+$0x0] =	vst.idx.add.f32.msk $0xffff, v1  }
0xfe: {  	v2 =	vld [tilespmem:$0x4F0];
	_ =	sdelay $0x6  }
0xff: {  	[tilespmem:$0x8870] =	vst v2  }
0x100: {  	[tilespmem:v2+s9+$0x0] =	vst.idx.add.f32.msk $0xffff, v1  }
0x101: {  	[spmem:s3] =	stream.indirect.scatter.add.f32 [tilespmem:s31], [sflag:$0xB], $0x80, s10, s19, $0xb8;
	[tilespmem:$0x1F600] =	vst v63  }
0x102: {  	s18 =	sadd.s32 $0x40, s7  }
0x103: {  	[tilespmem:s20], [sflag:$0x5] =	stream.strided.gather [hbm4b:s18+s19], $0x100, s20, s19, $0x38;
	[tilespmem:$0x1F600] =	vst v63  }
0x104: {  	_ =	swait.ge [sflag:s11], $0x4000  }
0x105: {  	[sflag:s11] =	ssyncset.done $0x0  }
0x106: {  	[sflag:s11] =	ssyncadd.s32 $0xFFFFC000  }
0x107: {  	_ =	swait.ge [sflag:s25], $0x100  }
0x108: {  	[sflag:s25] =	ssyncset.done $0x0  }
0x109: {  	[sflag:s25] =	ssyncadd.s32 $0xFFFFFF00  }
0x10a: {  	[tilespmem:s31], [sflag:$0x9] =	stream.indirect.gather [hbm4b:s1+s19], $0x80, s29, s19, $0xb8;
	[tilespmem:$0x1F600] =	vst v63  }
0x10b: {  	_ =	swait.ge [sflag:s13], $0x4000  }
0x10c: {  	[sflag:s13] =	ssyncset.done $0x0  }
0x10d: {  	[sflag:s13] =	ssyncadd.s32 $0xFFFFC000  }
0x10e: {  	v2 =	vld [tilespmem:$0x580];
	_ =	sdelay $0x6  }
0x10f: {  	[tilespmem:$0x8880] =	vst v2  }
0x110: {  	[tilespmem:v2+s9+$0x0] =	vst.idx.add.f32.msk $0xffff, v1  }
0x111: {  	v2 =	vld [tilespmem:$0x590];
	_ =	sdelay $0x6  }
0x112: {  	[tilespmem:$0x8890] =	vst v2  }
0x113: {  	[tilespmem:v2+s9+$0x0] =	vst.idx.add.f32.msk $0xffff, v1  }
0x114: {  	v2 =	vld [tilespmem:$0x5A0];
	_ =	sdelay $0x6  }
0x115: {  	[tilespmem:$0x88A0] =	vst v2  }
0x116: {  	[tilespmem:v2+s9+$0x0] =	vst.idx.add.f32.msk $0xffff, v1  }
0x117: {  	v2 =	vld [tilespmem:$0x5B0];
	_ =	sdelay $0x6  }
0x118: {  	[tilespmem:$0x88B0] =	vst v2  }
0x119: {  	[tilespmem:v2+s9+$0x0] =	vst.idx.add.f32.msk $0xffff, v1  }
0x11a: {  	v2 =	vld [tilespmem:$0x5C0];
	_ =	sdelay $0x6  }
0x11b: {  	[tilespmem:$0x88C0] =	vst v2  }
0x11c: {  	[tilespmem:v2+s9+$0x0] =	vst.idx.add.f32.msk $0xffff, v1  }
0x11d: {  	v2 =	vld [tilespmem:$0x5D0];
	_ =	sdelay $0x6  }
0x11e: {  	[tilespmem:$0x88D0] =	vst v2  }
0x11f: {  	[tilespmem:v2+s9+$0x0] =	vst.idx.add.f32.msk $0xffff, v1  }
0x120: {  	v2 =	vld [tilespmem:$0x5E0];
	_ =	sdelay $0x6  }
0x121: {  	[tilespmem:$0x88E0] =	vst v2  }
0x122: {  	[tilespmem:v2+s9+$0x0] =	vst.idx.add.f32.msk $0xffff, v1  }
0x123: {  	v2 =	vld [tilespmem:$0x5F0];
	_ =	sdelay $0x6  }
0x124: {  	[tilespmem:$0x88F0] =	vst v2  }
0x125: {  	[tilespmem:v2+s9+$0x0] =	vst.idx.add.f32.msk $0xffff, v1  }
0x126: {  	[spmem:s3] =	stream.indirect.scatter.add.f32 [tilespmem:s5], [sflag:$0xC], $0x80, s14, s19, $0xb8;
	[tilespmem:$0x1F600] =	vst v63  }
0x127: {  	s18 =	sadd.s32 $0x50, s7  }
0x128: {  	[tilespmem:s28], [sflag:$0x6] =	stream.strided.gather [hbm4b:s18+s19], $0x100, s20, s19, $0x38;
	[tilespmem:$0x1F600] =	vst v63  }
0x129: {  	_ =	swait.ge [sflag:s16], $0x4000  }
0x12a: {  	[sflag:s16] =	ssyncset.done $0x0  }
0x12b: {  	[sflag:s16] =	ssyncadd.s32 $0xFFFFC000  }
0x12c: {  	_ =	swait.ge [sflag:s15], $0x100  }
0x12d: {  	[sflag:s15] =	ssyncset.done $0x0  }
0x12e: {  	[sflag:s15] =	ssyncadd.s32 $0xFFFFFF00  }
0x12f: {  	[tilespmem:s5], [sflag:$0xA] =	stream.indirect.gather [hbm4b:s1+s19], $0x80, s0, s19, $0xb8;
	[tilespmem:$0x1F600] =	vst v63  }
0x130: {  	_ =	swait.ge [sflag:s6], $0x4000  }
0x131: {  	[sflag:s6] =	ssyncset.done $0x0  }
0x132: {  	[sflag:s6] =	ssyncadd.s32 $0xFFFFC000  }
0x133: {  	v2 =	vld [tilespmem:$0x680];
	_ =	sdelay $0x6  }
0x134: {  	[tilespmem:$0x8800] =	vst v2  }
0x135: {  	[tilespmem:v2+s9+$0x0] =	vst.idx.add.f32.msk $0xffff, v1  }
0x136: {  	v2 =	vld [tilespmem:$0x690];
	_ =	sdelay $0x6  }
0x137: {  	[tilespmem:$0x8810] =	vst v2  }
0x138: {  	[tilespmem:v2+s9+$0x0] =	vst.idx.add.f32.msk $0xffff, v1  }
0x139: {  	v2 =	vld [tilespmem:$0x6A0];
	_ =	sdelay $0x6  }
0x13a: {  	[tilespmem:$0x8820] =	vst v2  }
0x13b: {  	[tilespmem:v2+s9+$0x0] =	vst.idx.add.f32.msk $0xffff, v1  }
0x13c: {  	v2 =	vld [tilespmem:$0x6B0];
	_ =	sdelay $0x6  }
0x13d: {  	[tilespmem:$0x8830] =	vst v2  }
0x13e: {  	[tilespmem:v2+s9+$0x0] =	vst.idx.add.f32.msk $0xffff, v1  }
0x13f: {  	v2 =	vld [tilespmem:$0x6C0];
	_ =	sdelay $0x6  }
0x140: {  	[tilespmem:$0x8840] =	vst v2  }
0x141: {  	[tilespmem:v2+s9+$0x0] =	vst.idx.add.f32.msk $0xffff, v1  }
0x142: {  	v2 =	vld [tilespmem:$0x6D0];
	_ =	sdelay $0x6  }
0x143: {  	[tilespmem:$0x8850] =	vst v2  }
0x144: {  	[tilespmem:v2+s9+$0x0] =	vst.idx.add.f32.msk $0xffff, v1  }
0x145: {  	v2 =	vld [tilespmem:$0x6E0];
	_ =	sdelay $0x6  }
0x146: {  	[tilespmem:$0x8860] =	vst v2  }
0x147: {  	[tilespmem:v2+s9+$0x0] =	vst.idx.add.f32.msk $0xffff, v1  }
0x148: {  	v2 =	vld [tilespmem:$0x6F0];
	_ =	sdelay $0x6  }
0x149: {  	[tilespmem:$0x8870] =	vst v2  }
0x14a: {  	[tilespmem:v2+s9+$0x0] =	vst.idx.add.f32.msk $0xffff, v1  }
0x14b: {  	[spmem:s3] =	stream.indirect.scatter.add.f32 [tilespmem:s31], [sflag:$0xB], $0x80, s10, s19, $0xb8;
	[tilespmem:$0x1F600] =	vst v63  }
0x14c: {  	s7 =	sadd.s32 $0x60, s7  }
0x14d: {  	[tilespmem:s29], [sflag:$0x7] =	stream.strided.gather [hbm4b:s7+s19], $0x100, s20, s19, $0x38;
	[tilespmem:$0x1F600] =	vst v63  }
0x14e: {  	_ =	swait.ge [sflag:s11], $0x4000  }
0x14f: {  	[sflag:s11] =	ssyncset.done $0x0  }
0x150: {  	[sflag:s11] =	ssyncadd.s32 $0xFFFFC000  }
0x151: {  	_ =	swait.ge [sflag:s30], $0x100  }
0x152: {  	[sflag:s30] =	ssyncset.done $0x0  }
0x153: {  	[sflag:s30] =	ssyncadd.s32 $0xFFFFFF00  }
0x154: {  	[tilespmem:s31], [sflag:$0x9] =	stream.indirect.gather [hbm4b:s1+s19], $0x80, s4, s19, $0xb8;
	[tilespmem:$0x1F600] =	vst v63  }
0x155: {  	_ =	swait.ge [sflag:s13], $0x4000  }
0x156: {  	[sflag:s13] =	ssyncset.done $0x0  }
0x157: {  	[sflag:s13] =	ssyncadd.s32 $0xFFFFC000  }
0x158: {  	v2 =	vld [tilespmem:$0x780];
	_ =	sdelay $0x6  }
0x159: {  	[tilespmem:$0x8880] =	vst v2  }
0x15a: {  	[tilespmem:v2+s9+$0x0] =	vst.idx.add.f32.msk $0xffff, v1  }
0x15b: {  	v2 =	vld [tilespmem:$0x790];
	_ =	sdelay $0x6  }
0x15c: {  	[tilespmem:$0x8890] =	vst v2  }
0x15d: {  	[tilespmem:v2+s9+$0x0] =	vst.idx.add.f32.msk $0xffff, v1  }
0x15e: {  	v2 =	vld [tilespmem:$0x7A0];
	_ =	sdelay $0x6  }
0x15f: {  	[tilespmem:$0x88A0] =	vst v2  }
0x160: {  	[tilespmem:v2+s9+$0x0] =	vst.idx.add.f32.msk $0xffff, v1  }
0x161: {  	v2 =	vld [tilespmem:$0x7B0];
	_ =	sdelay $0x6  }
0x162: {  	[tilespmem:$0x88B0] =	vst v2  }
0x163: {  	[tilespmem:v2+s9+$0x0] =	vst.idx.add.f32.msk $0xffff, v1  }
0x164: {  	v2 =	vld [tilespmem:$0x7C0];
	_ =	sdelay $0x6  }
0x165: {  	[tilespmem:$0x88C0] =	vst v2  }
0x166: {  	[tilespmem:v2+s9+$0x0] =	vst.idx.add.f32.msk $0xffff, v1  }
0x167: {  	v2 =	vld [tilespmem:$0x7D0];
	_ =	sdelay $0x6  }
0x168: {  	[tilespmem:$0x88D0] =	vst v2  }
0x169: {  	[tilespmem:v2+s9+$0x0] =	vst.idx.add.f32.msk $0xffff, v1  }
0x16a: {  	v2 =	vld [tilespmem:$0x7E0];
	_ =	sdelay $0x6  }
0x16b: {  	[tilespmem:$0x88E0] =	vst v2  }
0x16c: {  	[tilespmem:v2+s9+$0x0] =	vst.idx.add.f32.msk $0xffff, v1  }
0x16d: {  	v2 =	vld [tilespmem:$0x7F0];
	_ =	sdelay $0x2  }
0x16e: {  	s8 =	sadd.s32 $0x100, s8  }
0x16f: {  	p0 =	sne.s32 s8, $0xA00  }
.Ltmp1:
0x170: {  	_ = 	snop;
	(pc) =	sbr.rel @p0 .LBB2_4-.Ltmp1, $4  }
0x171: {  	_ = 	snop  }
0x172: {  	[tilespmem:$0x88F0] =	vst v2  }
0x173: {  	[tilespmem:v2+s9+$0x0] =	vst.idx.add.f32.msk $0xffff, v1  }
0x174: {  	[spmem:s3] =	stream.indirect.scatter.add.f32 [tilespmem:s5], [sflag:$0xC], $0x80, s14, s19, $0xb8;
	[tilespmem:$0x1F600] =	vst v63  }
0x175: {  	_ =	swait.ge [sflag:s6], $0x4000  }
0x176: {  	[sflag:s6] =	ssyncset.done $0x0  }
0x177: {  	[sflag:s6] =	ssyncadd.s32 $0xFFFFC000  }
0x178: {  	_ =	swait.ge [sflag:s2], $0x100  }
0x179: {  	[sflag:s2] =	ssyncset.done $0x0  }
0x17a: {  	[sflag:s2] =	ssyncadd.s32 $0xFFFFFF00  }
0x17b: {  	_ =	swait.ge [sflag:s12], $0x100  }
0x17c: {  	[sflag:s12] =	ssyncset.done $0x0  }
0x17d: {  	[sflag:s12] =	ssyncadd.s32 $0xFFFFFF00  }
0x17e: {  	_ =	swait.ge [sflag:s17], $0x100  }
0x17f: {  	[sflag:s17] =	ssyncset.done $0x0  }
0x180: {  	[sflag:s17] =	ssyncadd.s32 $0xFFFFFF00  }
0x181: {  	_ =	swait.ge [sflag:s21], $0x100  }
0x182: {  	[sflag:s21] =	ssyncset.done $0x0  }
0x183: {  	[sflag:s21] =	ssyncadd.s32 $0xFFFFFF00  }
0x184: {  	_ =	swait.ge [sflag:s23], $0x100  }
0x185: {  	[sflag:s23] =	ssyncset.done $0x0  }
0x186: {  	[sflag:s23] =	ssyncadd.s32 $0xFFFFFF00  }
0x187: {  	_ =	swait.ge [sflag:s25], $0x100  }
0x188: {  	[sflag:s25] =	ssyncset.done $0x0  }
0x189: {  	[sflag:s25] =	ssyncadd.s32 $0xFFFFFF00  }
0x18a: {  	_ =	swait.ge [sflag:s16], $0x4000  }
0x18b: {  	[sflag:s16] =	ssyncset.done $0x0  }
0x18c: {  	s18 =	simm.s32 $0xD;
	s4 =	rddreg [dreg:$0x16];
	[sflag:s16] =	ssyncadd.s32 $0xFFFFC000  }
0x18d: {  	[hbm4b:s4+s19] =	stream.strided.scatter [tilespmem:s9], [sflag:$0xD], $0x2800, s20, s19, $0x38;
	[tilespmem:$0x1F600] =	vst v63  }
0x18e: {  	_ =	swait.ge [sflag:s18], $0x2800  }
0x18f: {  	[sflag:s18] =	ssyncset.done $0x0  }
0x190: {  	[sflag:s18] =	ssyncadd.s32 $0xFFFFD800  }
0x191: {  	[bflag:$0x0] =	sbarrier.arrive $0xFFFF  }
0x192: {  	[tilespmem:$0xB100] =	vst v0  }
0x193: {  	[tilespmem:$0xB110] =	vst v0  }
0x194: {  	[tilespmem:$0xB120] =	vst v0  }
0x195: {  	[tilespmem:$0xB130] =	vst v0  }
0x196: {  	[tilespmem:$0xB140] =	vst v0  }
0x197: {  	[tilespmem:$0xB150] =	vst v0  }
0x198: {  	[tilespmem:$0xB160] =	vst v0  }
0x199: {  	[tilespmem:$0xB170] =	vst v0  }
0x19a: {  	[tilespmem:$0xB180] =	vst v0  }
0x19b: {  	[tilespmem:$0xB190] =	vst v0  }
0x19c: {  	[tilespmem:$0xB1A0] =	vst v0  }
0x19d: {  	[tilespmem:$0xB1B0] =	vst v0  }
0x19e: {  	[tilespmem:$0xB1C0] =	vst v0  }
0x19f: {  	[tilespmem:$0xB1D0] =	vst v0  }
0x1a0: {  	[tilespmem:$0xB1E0] =	vst v0  }
0x1a1: {  	[tilespmem:$0xB1F0] =	vst v0  }
0x1a2: {  	[tilespmem:$0xB200] =	vst v0  }
0x1a3: {  	[tilespmem:$0xB210] =	vst v0  }
0x1a4: {  	[tilespmem:$0xB220] =	vst v0  }
0x1a5: {  	[tilespmem:$0xB230] =	vst v0  }
0x1a6: {  	[tilespmem:$0xB240] =	vst v0  }
0x1a7: {  	[tilespmem:$0xB250] =	vst v0  }
0x1a8: {  	[tilespmem:$0xB260] =	vst v0  }
0x1a9: {  	[tilespmem:$0xB270] =	vst v0  }
0x1aa: {  	[tilespmem:$0xB280] =	vst v0  }
0x1ab: {  	[tilespmem:$0xB290] =	vst v0  }
0x1ac: {  	[tilespmem:$0xB2A0] =	vst v0  }
0x1ad: {  	[tilespmem:$0xB2B0] =	vst v0  }
0x1ae: {  	[tilespmem:$0xB2C0] =	vst v0  }
0x1af: {  	[tilespmem:$0xB2D0] =	vst v0  }
0x1b0: {  	[tilespmem:$0xB2E0] =	vst v0  }
0x1b1: {  	[tilespmem:$0xB2F0] =	vst v0  }
0x1b2: {  	[tilespmem:$0xB300] =	vst v0  }
0x1b3: {  	[tilespmem:$0xB310] =	vst v0  }
0x1b4: {  	[tilespmem:$0xB320] =	vst v0  }
0x1b5: {  	[tilespmem:$0xB330] =	vst v0  }
0x1b6: {  	[tilespmem:$0xB340] =	vst v0  }
0x1b7: {  	[tilespmem:$0xB350] =	vst v0;
	s8 =	rddreg [dreg:$0x11]  }
0x1b8: {  	[tilespmem:$0xB360] =	vst v0;
	s7 =	rddreg [dreg:$0x12]  }
0x1b9: {  	[tilespmem:$0xB370] =	vst v0;
	s8 =	sadd.s32 s7, s8;
	s7 =	simm.s32 $0xB380  }
0x1ba: {  	[tilespmem:s7], [sflag:$0xD] =	stream.strided.gather [hbm4b:s8+s19], $0x280, s20, s19, $0x38;
	[tilespmem:$0x1F600] =	vst v63  }
0x1bb: {  	_ =	swait.ge [sflag:s18], $0x280  }
0x1bc: {  	[sflag:s18] =	ssyncset.done $0x0  }
0x1bd: {  	s7 =	simm.s32 $0x0;
	[sflag:s18] =	ssyncadd.s32 $0xFFFFFD80  }
0x1be: {  	s18 =	simm.s32 $0x40;
	v2 =	vld [tilespmem:s7+$0xB380]  }
.LBB2_6:
0x1bf: {  	p0 =	sne.s32 s18, $0x9C0;
	v3 =	vld [tilespmem:s7+$0xB100];
	_ =	sdelay $0x2  }
.Ltmp2:
0x1c0: {  	(pc) =	sbr.rel @p0 .LBB2_6-.Ltmp2, $4  }
0x1c1: {  	_ = 	snop  }
0x1c2: {  	v3 =	vadd.f32 v2, v3  }
0x1c3: {  	s4 =	sshra.s32 s18, $0x2  }
0x1c4: {  	s18 =	sadd.s32 $0x40, s18;
	v2 =	vld [tilespmem:s4+$0xB380];
	[tilespmem:s7+$0xB100] =	vst v3;
	s7 =	smov.u32 s4  }
0x1c5: {  	v3 =	vld [tilespmem:s7+$0xB100];
	_ =	sdelay $0x4  }
0x1c6: {  	v2 =	vadd.f32 v2, v3;
	_ =	sdelay $0x1  }
0x1c7: {  	s4 =	sadd.s32 $0x10, s8;
	s18 =	simm.s32 $0xB380;
	[tilespmem:s7+$0xB100] =	vst v2  }
0x1c8: {  	[tilespmem:s18], [sflag:$0xD] =	stream.strided.gather [hbm4b:s4+s19], $0x280, s20, s19, $0x38;
	[tilespmem:$0x1F600] =	vst v63  }
0x1c9: {  	s18 =	simm.s32 $0xD  }
0x1ca: {  	_ =	swait.ge [sflag:s18], $0x280  }
0x1cb: {  	[sflag:s18] =	ssyncset.done $0x0  }
0x1cc: {  	s7 =	simm.s32 $0x0;
	[sflag:s18] =	ssyncadd.s32 $0xFFFFFD80  }
0x1cd: {  	s18 =	simm.s32 $0x40;
	v2 =	vld [tilespmem:s7+$0xB380]  }
.LBB2_8:
0x1ce: {  	p0 =	sne.s32 s18, $0x9C0;
	v3 =	vld [tilespmem:s7+$0xB100];
	_ =	sdelay $0x2  }
.Ltmp3:
0x1cf: {  	(pc) =	sbr.rel @p0 .LBB2_8-.Ltmp3, $4  }
0x1d0: {  	_ = 	snop  }
0x1d1: {  	v3 =	vadd.f32 v2, v3  }
0x1d2: {  	s4 =	sshra.s32 s18, $0x2  }
0x1d3: {  	s18 =	sadd.s32 $0x40, s18;
	v2 =	vld [tilespmem:s4+$0xB380];
	[tilespmem:s7+$0xB100] =	vst v3;
	s7 =	smov.u32 s4  }
0x1d4: {  	v3 =	vld [tilespmem:s7+$0xB100];
	_ =	sdelay $0x4  }
0x1d5: {  	v2 =	vadd.f32 v2, v3;
	_ =	sdelay $0x1  }
0x1d6: {  	s4 =	sadd.s32 $0x20, s8;
	s18 =	simm.s32 $0xB380;
	[tilespmem:s7+$0xB100] =	vst v2  }
0x1d7: {  	[tilespmem:s18], [sflag:$0xD] =	stream.strided.gather [hbm4b:s4+s19], $0x280, s20, s19, $0x38;
	[tilespmem:$0x1F600] =	vst v63  }
0x1d8: {  	s18 =	simm.s32 $0xD  }
0x1d9: {  	_ =	swait.ge [sflag:s18], $0x280  }
0x1da: {  	[sflag:s18] =	ssyncset.done $0x0  }
0x1db: {  	s7 =	simm.s32 $0x0;
	[sflag:s18] =	ssyncadd.s32 $0xFFFFFD80  }
0x1dc: {  	s18 =	simm.s32 $0x40;
	v2 =	vld [tilespmem:s7+$0xB380]  }
.LBB2_10:
0x1dd: {  	p0 =	sne.s32 s18, $0x9C0;
	v3 =	vld [tilespmem:s7+$0xB100];
	_ =	sdelay $0x2  }
.Ltmp4:
0x1de: {  	(pc) =	sbr.rel @p0 .LBB2_10-.Ltmp4, $4  }
0x1df: {  	_ = 	snop  }
0x1e0: {  	v3 =	vadd.f32 v2, v3  }
0x1e1: {  	s4 =	sshra.s32 s18, $0x2  }
0x1e2: {  	s18 =	sadd.s32 $0x40, s18;
	v2 =	vld [tilespmem:s4+$0xB380];
	[tilespmem:s7+$0xB100] =	vst v3;
	s7 =	smov.u32 s4  }
0x1e3: {  	v3 =	vld [tilespmem:s7+$0xB100];
	_ =	sdelay $0x4  }
0x1e4: {  	v2 =	vadd.f32 v2, v3;
	_ =	sdelay $0x1  }
0x1e5: {  	s4 =	sadd.s32 $0x30, s8;
	s18 =	simm.s32 $0xB380;
	[tilespmem:s7+$0xB100] =	vst v2  }
0x1e6: {  	[tilespmem:s18], [sflag:$0xD] =	stream.strided.gather [hbm4b:s4+s19], $0x280, s20, s19, $0x38;
	[tilespmem:$0x1F600] =	vst v63  }
0x1e7: {  	s18 =	simm.s32 $0xD  }
0x1e8: {  	_ =	swait.ge [sflag:s18], $0x280  }
0x1e9: {  	[sflag:s18] =	ssyncset.done $0x0  }
0x1ea: {  	s7 =	simm.s32 $0x0;
	[sflag:s18] =	ssyncadd.s32 $0xFFFFFD80  }
0x1eb: {  	s18 =	simm.s32 $0x40;
	v2 =	vld [tilespmem:s7+$0xB380]  }
.LBB2_12:
0x1ec: {  	p0 =	sne.s32 s18, $0x9C0;
	v3 =	vld [tilespmem:s7+$0xB100];
	_ =	sdelay $0x2  }
.Ltmp5:
0x1ed: {  	(pc) =	sbr.rel @p0 .LBB2_12-.Ltmp5, $4  }
0x1ee: {  	_ = 	snop  }
0x1ef: {  	v3 =	vadd.f32 v2, v3  }
0x1f0: {  	s4 =	sshra.s32 s18, $0x2  }
0x1f1: {  	s18 =	sadd.s32 $0x40, s18;
	v2 =	vld [tilespmem:s4+$0xB380];
	[tilespmem:s7+$0xB100] =	vst v3;
	s7 =	smov.u32 s4  }
0x1f2: {  	v3 =	vld [tilespmem:s7+$0xB100];
	_ =	sdelay $0x4  }
0x1f3: {  	v2 =	vadd.f32 v2, v3;
	_ =	sdelay $0x1  }
0x1f4: {  	s4 =	sadd.s32 $0x40, s8;
	s18 =	simm.s32 $0xB380;
	[tilespmem:s7+$0xB100] =	vst v2  }
0x1f5: {  	[tilespmem:s18], [sflag:$0xD] =	stream.strided.gather [hbm4b:s4+s19], $0x280, s20, s19, $0x38;
	[tilespmem:$0x1F600] =	vst v63  }
0x1f6: {  	s18 =	simm.s32 $0xD  }
0x1f7: {  	_ =	swait.ge [sflag:s18], $0x280  }
0x1f8: {  	[sflag:s18] =	ssyncset.done $0x0  }
0x1f9: {  	s7 =	simm.s32 $0x0;
	[sflag:s18] =	ssyncadd.s32 $0xFFFFFD80  }
0x1fa: {  	s18 =	simm.s32 $0x40;
	v2 =	vld [tilespmem:s7+$0xB380]  }
.LBB2_14:
0x1fb: {  	p0 =	sne.s32 s18, $0x9C0;
	v3 =	vld [tilespmem:s7+$0xB100];
	_ =	sdelay $0x2  }
.Ltmp6:
0x1fc: {  	(pc) =	sbr.rel @p0 .LBB2_14-.Ltmp6, $4  }
0x1fd: {  	_ = 	snop  }
0x1fe: {  	v3 =	vadd.f32 v2, v3  }
0x1ff: {  	s4 =	sshra.s32 s18, $0x2  }
0x200: {  	s18 =	sadd.s32 $0x40, s18;
	v2 =	vld [tilespmem:s4+$0xB380];
	[tilespmem:s7+$0xB100] =	vst v3;
	s7 =	smov.u32 s4  }
0x201: {  	v3 =	vld [tilespmem:s7+$0xB100];
	_ =	sdelay $0x4  }
0x202: {  	v2 =	vadd.f32 v2, v3;
	_ =	sdelay $0x1  }
0x203: {  	s4 =	sadd.s32 $0x50, s8;
	s18 =	simm.s32 $0xB380;
	[tilespmem:s7+$0xB100] =	vst v2  }
0x204: {  	[tilespmem:s18], [sflag:$0xD] =	stream.strided.gather [hbm4b:s4+s19], $0x280, s20, s19, $0x38;
	[tilespmem:$0x1F600] =	vst v63  }
0x205: {  	s18 =	simm.s32 $0xD  }
0x206: {  	_ =	swait.ge [sflag:s18], $0x280  }
0x207: {  	[sflag:s18] =	ssyncset.done $0x0  }
0x208: {  	s7 =	simm.s32 $0x0;
	[sflag:s18] =	ssyncadd.s32 $0xFFFFFD80  }
0x209: {  	s18 =	simm.s32 $0x40;
	v2 =	vld [tilespmem:s7+$0xB380]  }
.LBB2_16:
0x20a: {  	p0 =	sne.s32 s18, $0x9C0;
	v3 =	vld [tilespmem:s7+$0xB100];
	_ =	sdelay $0x2  }
.Ltmp7:
0x20b: {  	(pc) =	sbr.rel @p0 .LBB2_16-.Ltmp7, $4  }
0x20c: {  	_ = 	snop  }
0x20d: {  	v3 =	vadd.f32 v2, v3  }
0x20e: {  	s4 =	sshra.s32 s18, $0x2  }
0x20f: {  	s18 =	sadd.s32 $0x40, s18;
	v2 =	vld [tilespmem:s4+$0xB380];
	[tilespmem:s7+$0xB100] =	vst v3;
	s7 =	smov.u32 s4  }
0x210: {  	v3 =	vld [tilespmem:s7+$0xB100];
	_ =	sdelay $0x4  }
0x211: {  	v2 =	vadd.f32 v2, v3;
	_ =	sdelay $0x1  }
0x212: {  	s4 =	sadd.s32 $0x60, s8;
	s18 =	simm.s32 $0xB380;
	[tilespmem:s7+$0xB100] =	vst v2  }
0x213: {  	[tilespmem:s18], [sflag:$0xD] =	stream.strided.gather [hbm4b:s4+s19], $0x280, s20, s19, $0x38;
	[tilespmem:$0x1F600] =	vst v63  }
0x214: {  	s18 =	simm.s32 $0xD  }
0x215: {  	_ =	swait.ge [sflag:s18], $0x280  }
0x216: {  	[sflag:s18] =	ssyncset.done $0x0  }
0x217: {  	s7 =	simm.s32 $0x0;
	[sflag:s18] =	ssyncadd.s32 $0xFFFFFD80  }
0x218: {  	s18 =	simm.s32 $0x40;
	v2 =	vld [tilespmem:s7+$0xB380]  }
.LBB2_18:
0x219: {  	p0 =	sne.s32 s18, $0x9C0;
	v3 =	vld [tilespmem:s7+$0xB100];
	_ =	sdelay $0x2  }
.Ltmp8:
0x21a: {  	(pc) =	sbr.rel @p0 .LBB2_18-.Ltmp8, $4  }
0x21b: {  	_ = 	snop  }
0x21c: {  	v3 =	vadd.f32 v2, v3  }
0x21d: {  	s4 =	sshra.s32 s18, $0x2  }
0x21e: {  	s18 =	sadd.s32 $0x40, s18;
	v2 =	vld [tilespmem:s4+$0xB380];
	[tilespmem:s7+$0xB100] =	vst v3;
	s7 =	smov.u32 s4  }
0x21f: {  	v3 =	vld [tilespmem:s7+$0xB100];
	_ =	sdelay $0x4  }
0x220: {  	v2 =	vadd.f32 v2, v3;
	_ =	sdelay $0x1  }
0x221: {  	s4 =	sadd.s32 $0x70, s8;
	s18 =	simm.s32 $0xB380;
	[tilespmem:s7+$0xB100] =	vst v2  }
0x222: {  	[tilespmem:s18], [sflag:$0xD] =	stream.strided.gather [hbm4b:s4+s19], $0x280, s20, s19, $0x38;
	[tilespmem:$0x1F600] =	vst v63  }
0x223: {  	s18 =	simm.s32 $0xD  }
0x224: {  	_ =	swait.ge [sflag:s18], $0x280  }
0x225: {  	[sflag:s18] =	ssyncset.done $0x0  }
0x226: {  	s7 =	simm.s32 $0x0;
	[sflag:s18] =	ssyncadd.s32 $0xFFFFFD80  }
0x227: {  	s18 =	simm.s32 $0x40;
	v2 =	vld [tilespmem:s7+$0xB380]  }
.LBB2_20:
0x228: {  	p0 =	sne.s32 s18, $0x9C0;
	v3 =	vld [tilespmem:s7+$0xB100];
	_ =	sdelay $0x2  }
.Ltmp9:
0x229: {  	(pc) =	sbr.rel @p0 .LBB2_20-.Ltmp9, $4  }
0x22a: {  	_ = 	snop  }
0x22b: {  	v3 =	vadd.f32 v2, v3  }
0x22c: {  	s4 =	sshra.s32 s18, $0x2  }
0x22d: {  	s18 =	sadd.s32 $0x40, s18;
	v2 =	vld [tilespmem:s4+$0xB380];
	[tilespmem:s7+$0xB100] =	vst v3;
	s7 =	smov.u32 s4  }
0x22e: {  	v3 =	vld [tilespmem:s7+$0xB100];
	_ =	sdelay $0x4  }
0x22f: {  	v2 =	vadd.f32 v2, v3;
	_ =	sdelay $0x1  }
0x230: {  	s4 =	sadd.s32 $0x2800, s8;
	s18 =	simm.s32 $0xB380;
	[tilespmem:s7+$0xB100] =	vst v2  }
0x231: {  	[tilespmem:s18], [sflag:$0xD] =	stream.strided.gather [hbm4b:s4+s19], $0x280, s20, s19, $0x38;
	[tilespmem:$0x1F600] =	vst v63  }
0x232: {  	s18 =	simm.s32 $0xD  }
0x233: {  	_ =	swait.ge [sflag:s18], $0x280  }
0x234: {  	[sflag:s18] =	ssyncset.done $0x0  }
0x235: {  	s7 =	simm.s32 $0x0;
	[sflag:s18] =	ssyncadd.s32 $0xFFFFFD80  }
0x236: {  	s18 =	simm.s32 $0x40;
	v2 =	vld [tilespmem:s7+$0xB380]  }
.LBB2_22:
0x237: {  	p0 =	sne.s32 s18, $0x9C0;
	v3 =	vld [tilespmem:s7+$0xB100];
	_ =	sdelay $0x2  }
.Ltmp10:
0x238: {  	(pc) =	sbr.rel @p0 .LBB2_22-.Ltmp10, $4  }
0x239: {  	_ = 	snop  }
0x23a: {  	v3 =	vadd.f32 v2, v3  }
0x23b: {  	s4 =	sshra.s32 s18, $0x2  }
0x23c: {  	s18 =	sadd.s32 $0x40, s18;
	v2 =	vld [tilespmem:s4+$0xB380];
	[tilespmem:s7+$0xB100] =	vst v3;
	s7 =	smov.u32 s4  }
0x23d: {  	v3 =	vld [tilespmem:s7+$0xB100];
	_ =	sdelay $0x4  }
0x23e: {  	v2 =	vadd.f32 v2, v3;
	_ =	sdelay $0x1  }
0x23f: {  	s4 =	sadd.s32 $0x2810, s8;
	s18 =	simm.s32 $0xB380;
	[tilespmem:s7+$0xB100] =	vst v2  }
0x240: {  	[tilespmem:s18], [sflag:$0xD] =	stream.strided.gather [hbm4b:s4+s19], $0x280, s20, s19, $0x38;
	[tilespmem:$0x1F600] =	vst v63  }
0x241: {  	s18 =	simm.s32 $0xD  }
0x242: {  	_ =	swait.ge [sflag:s18], $0x280  }
0x243: {  	[sflag:s18] =	ssyncset.done $0x0  }
0x244: {  	s7 =	simm.s32 $0x0;
	[sflag:s18] =	ssyncadd.s32 $0xFFFFFD80  }
0x245: {  	s18 =	simm.s32 $0x40;
	v2 =	vld [tilespmem:s7+$0xB380]  }
.LBB2_24:
0x246: {  	p0 =	sne.s32 s18, $0x9C0;
	v3 =	vld [tilespmem:s7+$0xB100];
	_ =	sdelay $0x2  }
.Ltmp11:
0x247: {  	(pc) =	sbr.rel @p0 .LBB2_24-.Ltmp11, $4  }
0x248: {  	_ = 	snop  }
0x249: {  	v3 =	vadd.f32 v2, v3  }
0x24a: {  	s4 =	sshra.s32 s18, $0x2  }
0x24b: {  	s18 =	sadd.s32 $0x40, s18;
	v2 =	vld [tilespmem:s4+$0xB380];
	[tilespmem:s7+$0xB100] =	vst v3;
	s7 =	smov.u32 s4  }
0x24c: {  	v3 =	vld [tilespmem:s7+$0xB100];
	_ =	sdelay $0x4  }
0x24d: {  	v2 =	vadd.f32 v2, v3;
	_ =	sdelay $0x1  }
0x24e: {  	s4 =	sadd.s32 $0x2820, s8;
	s18 =	simm.s32 $0xB380;
	[tilespmem:s7+$0xB100] =	vst v2  }
0x24f: {  	[tilespmem:s18], [sflag:$0xD] =	stream.strided.gather [hbm4b:s4+s19], $0x280, s20, s19, $0x38;
	[tilespmem:$0x1F600] =	vst v63  }
0x250: {  	s18 =	simm.s32 $0xD  }
0x251: {  	_ =	swait.ge [sflag:s18], $0x280  }
0x252: {  	[sflag:s18] =	ssyncset.done $0x0  }
0x253: {  	s7 =	simm.s32 $0x0;
	[sflag:s18] =	ssyncadd.s32 $0xFFFFFD80  }
0x254: {  	s18 =	simm.s32 $0x40;
	v2 =	vld [tilespmem:s7+$0xB380]  }
.LBB2_26:
0x255: {  	p0 =	sne.s32 s18, $0x9C0;
	v3 =	vld [tilespmem:s7+$0xB100];
	_ =	sdelay $0x2  }
.Ltmp12:
0x256: {  	(pc) =	sbr.rel @p0 .LBB2_26-.Ltmp12, $4  }
0x257: {  	_ = 	snop  }
0x258: {  	v3 =	vadd.f32 v2, v3  }
0x259: {  	s4 =	sshra.s32 s18, $0x2  }
0x25a: {  	s18 =	sadd.s32 $0x40, s18;
	v2 =	vld [tilespmem:s4+$0xB380];
	[tilespmem:s7+$0xB100] =	vst v3;
	s7 =	smov.u32 s4  }
0x25b: {  	v3 =	vld [tilespmem:s7+$0xB100];
	_ =	sdelay $0x4  }
0x25c: {  	v2 =	vadd.f32 v2, v3;
	_ =	sdelay $0x1  }
0x25d: {  	s4 =	sadd.s32 $0x2830, s8;
	s18 =	simm.s32 $0xB380;
	[tilespmem:s7+$0xB100] =	vst v2  }
0x25e: {  	[tilespmem:s18], [sflag:$0xD] =	stream.strided.gather [hbm4b:s4+s19], $0x280, s20, s19, $0x38;
	[tilespmem:$0x1F600] =	vst v63  }
0x25f: {  	s18 =	simm.s32 $0xD  }
0x260: {  	_ =	swait.ge [sflag:s18], $0x280  }
0x261: {  	[sflag:s18] =	ssyncset.done $0x0  }
0x262: {  	s7 =	simm.s32 $0x0;
	[sflag:s18] =	ssyncadd.s32 $0xFFFFFD80  }
0x263: {  	s18 =	simm.s32 $0x40;
	v2 =	vld [tilespmem:s7+$0xB380]  }
.LBB2_28:
0x264: {  	p0 =	sne.s32 s18, $0x9C0;
	v3 =	vld [tilespmem:s7+$0xB100];
	_ =	sdelay $0x2  }
.Ltmp13:
0x265: {  	(pc) =	sbr.rel @p0 .LBB2_28-.Ltmp13, $4  }
0x266: {  	_ = 	snop  }
0x267: {  	v3 =	vadd.f32 v2, v3  }
0x268: {  	s4 =	sshra.s32 s18, $0x2  }
0x269: {  	s18 =	sadd.s32 $0x40, s18;
	v2 =	vld [tilespmem:s4+$0xB380];
	[tilespmem:s7+$0xB100] =	vst v3;
	s7 =	smov.u32 s4  }
0x26a: {  	v3 =	vld [tilespmem:s7+$0xB100];
	_ =	sdelay $0x4  }
0x26b: {  	v2 =	vadd.f32 v2, v3;
	_ =	sdelay $0x1  }
0x26c: {  	s4 =	sadd.s32 $0x2840, s8;
	s18 =	simm.s32 $0xB380;
	[tilespmem:s7+$0xB100] =	vst v2  }
0x26d: {  	[tilespmem:s18], [sflag:$0xD] =	stream.strided.gather [hbm4b:s4+s19], $0x280, s20, s19, $0x38;
	[tilespmem:$0x1F600] =	vst v63  }
0x26e: {  	s18 =	simm.s32 $0xD  }
0x26f: {  	_ =	swait.ge [sflag:s18], $0x280  }
0x270: {  	[sflag:s18] =	ssyncset.done $0x0  }
0x271: {  	s7 =	simm.s32 $0x0;
	[sflag:s18] =	ssyncadd.s32 $0xFFFFFD80  }
0x272: {  	s18 =	simm.s32 $0x40;
	v2 =	vld [tilespmem:s7+$0xB380]  }
.LBB2_30:
0x273: {  	p0 =	sne.s32 s18, $0x9C0;
	v3 =	vld [tilespmem:s7+$0xB100];
	_ =	sdelay $0x2  }
.Ltmp14:
0x274: {  	(pc) =	sbr.rel @p0 .LBB2_30-.Ltmp14, $4  }
0x275: {  	_ = 	snop  }
0x276: {  	v3 =	vadd.f32 v2, v3  }
0x277: {  	s4 =	sshra.s32 s18, $0x2  }
0x278: {  	s18 =	sadd.s32 $0x40, s18;
	v2 =	vld [tilespmem:s4+$0xB380];
	[tilespmem:s7+$0xB100] =	vst v3;
	s7 =	smov.u32 s4  }
0x279: {  	v3 =	vld [tilespmem:s7+$0xB100];
	_ =	sdelay $0x4  }
0x27a: {  	v2 =	vadd.f32 v2, v3;
	_ =	sdelay $0x1  }
0x27b: {  	s4 =	sadd.s32 $0x2850, s8;
	s18 =	simm.s32 $0xB380;
	[tilespmem:s7+$0xB100] =	vst v2  }
0x27c: {  	[tilespmem:s18], [sflag:$0xD] =	stream.strided.gather [hbm4b:s4+s19], $0x280, s20, s19, $0x38;
	[tilespmem:$0x1F600] =	vst v63  }
0x27d: {  	s18 =	simm.s32 $0xD  }
0x27e: {  	_ =	swait.ge [sflag:s18], $0x280  }
0x27f: {  	[sflag:s18] =	ssyncset.done $0x0  }
0x280: {  	s7 =	simm.s32 $0x0;
	[sflag:s18] =	ssyncadd.s32 $0xFFFFFD80  }
0x281: {  	s18 =	simm.s32 $0x40;
	v2 =	vld [tilespmem:s7+$0xB380]  }
.LBB2_32:
0x282: {  	p0 =	sne.s32 s18, $0x9C0;
	v3 =	vld [tilespmem:s7+$0xB100];
	_ =	sdelay $0x2  }
.Ltmp15:
0x283: {  	(pc) =	sbr.rel @p0 .LBB2_32-.Ltmp15, $4  }
0x284: {  	_ = 	snop  }
0x285: {  	v3 =	vadd.f32 v2, v3  }
0x286: {  	s4 =	sshra.s32 s18, $0x2  }
0x287: {  	s18 =	sadd.s32 $0x40, s18;
	v2 =	vld [tilespmem:s4+$0xB380];
	[tilespmem:s7+$0xB100] =	vst v3;
	s7 =	smov.u32 s4  }
0x288: {  	v3 =	vld [tilespmem:s7+$0xB100];
	_ =	sdelay $0x4  }
0x289: {  	v2 =	vadd.f32 v2, v3;
	_ =	sdelay $0x1  }
0x28a: {  	s4 =	sadd.s32 $0x2860, s8;
	s18 =	simm.s32 $0xB380;
	[tilespmem:s7+$0xB100] =	vst v2  }
0x28b: {  	[tilespmem:s18], [sflag:$0xD] =	stream.strided.gather [hbm4b:s4+s19], $0x280, s20, s19, $0x38;
	[tilespmem:$0x1F600] =	vst v63  }
0x28c: {  	s18 =	simm.s32 $0xD  }
0x28d: {  	_ =	swait.ge [sflag:s18], $0x280  }
0x28e: {  	[sflag:s18] =	ssyncset.done $0x0  }
0x28f: {  	s7 =	simm.s32 $0x0;
	[sflag:s18] =	ssyncadd.s32 $0xFFFFFD80  }
0x290: {  	s18 =	simm.s32 $0x40;
	v2 =	vld [tilespmem:s7+$0xB380]  }
.LBB2_34:
0x291: {  	p0 =	sne.s32 s18, $0x9C0;
	v3 =	vld [tilespmem:s7+$0xB100];
	_ =	sdelay $0x2  }
.Ltmp16:
0x292: {  	(pc) =	sbr.rel @p0 .LBB2_34-.Ltmp16, $4  }
0x293: {  	_ = 	snop  }
0x294: {  	v3 =	vadd.f32 v2, v3  }
0x295: {  	s4 =	sshra.s32 s18, $0x2  }
0x296: {  	s18 =	sadd.s32 $0x40, s18;
	v2 =	vld [tilespmem:s4+$0xB380];
	[tilespmem:s7+$0xB100] =	vst v3;
	s7 =	smov.u32 s4  }
0x297: {  	v3 =	vld [tilespmem:s7+$0xB100];
	_ =	sdelay $0x4  }
0x298: {  	v2 =	vadd.f32 v2, v3;
	_ =	sdelay $0x1  }
0x299: {  	s4 =	sadd.s32 $0x2870, s8;
	s8 =	simm.s32 $0xB380;
	s18 =	simm.s32 $0xD;
	[tilespmem:s7+$0xB100] =	vst v2  }
0x29a: {  	[tilespmem:s8], [sflag:$0xD] =	stream.strided.gather [hbm4b:s4+s19], $0x280, s20, s19, $0x38;
	[tilespmem:$0x1F600] =	vst v63  }
0x29b: {  	_ =	swait.ge [sflag:s18], $0x280  }
0x29c: {  	[sflag:s18] =	ssyncset.done $0x0  }
0x29d: {  	s7 =	simm.s32 $0x0;
	[sflag:s18] =	ssyncadd.s32 $0xFFFFFD80  }
0x29e: {  	s8 =	simm.s32 $0x40;
	v2 =	vld [tilespmem:s7+$0xB380]  }
.LBB2_36:
0x29f: {  	p0 =	sne.s32 s8, $0x9C0;
	v3 =	vld [tilespmem:s7+$0xB100];
	_ =	sdelay $0x2  }
.Ltmp17:
0x2a0: {  	(pc) =	sbr.rel @p0 .LBB2_36-.Ltmp17, $4  }
0x2a1: {  	_ = 	snop  }
0x2a2: {  	v3 =	vadd.f32 v2, v3  }
0x2a3: {  	s4 =	sshra.s32 s8, $0x2  }
0x2a4: {  	s8 =	sadd.s32 $0x40, s8;
	v2 =	vld [tilespmem:s4+$0xB380];
	[tilespmem:s7+$0xB100] =	vst v3;
	s7 =	smov.u32 s4  }
0x2a5: {  	v3 =	vld [tilespmem:s7+$0xB100];
	_ =	sdelay $0x4  }
0x2a6: {  	s18 =	rddreg [dreg:$0xa];
	v2 =	vadd.f32 v2, v3  }
0x2a7: {  	s4 =	rddreg [dreg:$0x14]  }
0x2a8: {  	s8 =	rddreg [dreg:$0x18];
	[tilespmem:s7+$0xB100] =	vst v2;
	s7 =	simm.s32 $0xD  }
0x2a9: {  	[hbm:s4], [sflag:s18] =	dma.local [spmem:s8], $0x2800  }
0x2aa: {  	_ =	swait.ge [sflag:s7], $0x2800  }
0x2ab: {  	[sflag:s7] =	ssyncset.done $0x0  }
0x2ac: {  	s8 =	simm.s32 $0xB100;
	s4 =	rddreg [dreg:$0x15];
	[sflag:s7] =	ssyncadd.s32 $0xFFFFD800  }
0x2ad: {  	[hbm4b:s4+s19] =	stream.strided.scatter [tilespmem:s8], [sflag:$0xD], $0x280, s22, s19, $0x38;
	[tilespmem:$0x1F600] =	vst v63  }
0x2ae: {  	_ =	swait.ge [sflag:s7], $0x280  }
0x2af: {  	s4 =	rddreg [dreg:$0x17]  }
0x2b0: {  	s8 =	sadd.s32 $0x1, s4;
	s4 =	rddreg [dreg:$0x13]  }
0x2b1: {  	p0 =	sne.s32 s8, s4  }
.Ltmp18:
0x2b2: {  	_ = 	snop;
	(pc) =	sbr.rel @p0 .LBB2_1-.Ltmp18, $3  }
0x2b3: {  	_ =	sdelay $0x1  }
0x2b4: {  	[sflag:s7] =	ssyncset.done $0x0  }
0x2b5: {  	[sflag:s7] =	ssyncadd.s32 $0xFFFFFD80  }
0x2b6: {  	_ =	sfence.sel $0x180000  }
0x2b7: {  	[bflag:$0x0] =	sbarrier.arrive $0xFFFF  }
0x2b8: {  	_ =	strace $0x90000047  }
0x2b9: {  	s0 =	stileid.u32;
	[bflag:$0x2] =	sbarrier.arrive $0xFFFF  }
0x2ba: {  	p0 =	sne.s32 s0, $0x0;
	s0 =	rddreg [dreg:$0x4]  }
0x2bb: {  	s0 =	sadd.s32 @!p0 $0x100000, s0  }
0x2bc: {  	[sflag:s0] =	ssyncadd.tile.s32 @!p0 $0x1;
	_ =	shalt  }
.Lfunc_end2:
_tile_overlayer_lowered:
.L_overlay_start_2:
0x2bd: {  	(tag) =	ssettag $0x2  }
0x2be: {  	s0 =	rddreg [dreg:$0x0];
	s2 =	stileid.u32  }
0x2bf: {  	s1 =	rddreg [dreg:$0x1];
	p0 =	sne.s32 s2, $0x0  }
0x2c0: {  	s3 =	rddreg [dreg:$0x2];
	[bflag:$0x3] =	sbarrier.arrive $0xFFFF;
	s2 =	simm.s32 @!p0 $0x1C0D  }
0x2c1: {  	[timem:s3], [sflag:s2] =	dma.local @!p0 [hbm:s0], s1  }
0x2c2: {  	s0 =	simm.s32 @!p0 $0xD  }
0x2c3: {  	_ =	swait.ge @!p0 [sflag:s0], s1  }
0x2c4: {  	s1 =	ssub.s32 @!p0 $0x0, s1;
	[sflag:s0] =	ssyncset.done @!p0 $0x0  }
0x2c5: {  	[sflag:s0] =	ssyncadd.s32 @!p0 s1  }
0x2c6: {  	[bflag:$0x3] =	sbarrier.arrive $0xFFFF  }
0x2c7: {  	_ =	shalt  }

</sc_bundles>
